<compile_context>
chip_gen: v7x
topology: tpu7x:2x2x1
jax: 0.10.2.dev20260603
libtpu: 0.0.44.dev20260713+nightly
codegen_flags: <defaults>
</compile_context>

<pallas_src>
import functools

import jax
import jax.numpy as jnp
from jax import lax
from jax.experimental import pallas as pl
from jax.experimental.pallas import tpu as pltpu
from jax.experimental.pallas import tpu_sc as plsc

N = 10000
D = 128
E = 320000
OUT = 32

NSUB = 16
CHUNK = 256
NCH = 80
EPAD = NSUB * NCH * CHUNK
NACC = 10112
RPT = NACC // NSUB

_mesh = plsc.VectorSubcoreMesh(core_axis_name="c", subcore_axis_name="s")


def _sc_agg(do_cnt, hub, hib, srcu, dstu, srci, dsti, zeros, zeros16, ones16):
    out_type = [jax.ShapeDtypeStruct((NACC, D), jnp.bfloat16)
                for _ in range(2)]
    scratch = [pltpu.VMEM((NCH, CHUNK), jnp.int32),
               pltpu.VMEM((NCH, CHUNK), jnp.int32),
               pltpu.VMEM((CHUNK, D), jnp.bfloat16),
               pltpu.VMEM((CHUNK, D), jnp.bfloat16),
               pltpu.VMEM_SHARED((NACC, D), jnp.bfloat16),
               pltpu.VMEM((CHUNK, 16), jnp.float32),
               pltpu.SemaphoreType.DMA, pltpu.SemaphoreType.DMA,
               pltpu.SemaphoreType.DMA, pltpu.SemaphoreType.DMA]
    if do_cnt:
        out_type += [jax.ShapeDtypeStruct((NACC, 16), jnp.float32),
                     jax.ShapeDtypeStruct((NACC, 16), jnp.float32)]
        scratch += [pltpu.VMEM_SHARED((NACC, 16), jnp.float32)]

    @functools.partial(pl.kernel, out_type=out_type, mesh=_mesh,
                       scratch_types=scratch,
                       compiler_params=pltpu.CompilerParams(
                           use_tc_tiling_on_sc=False))
    def run(hub, hib, srcu, dstu, srci, dsti, zeros, zeros16, ones16, *rest):
        if do_cnt:
            (Si, Su, cnt_i, cnt_u, idxb, idxd,
             gb0, gb1, acc, ones_v, sg0, sg1, ss0, ss1, cacc) = rest
        else:
            (Si, Su, idxb, idxd,
             gb0, gb1, acc, ones_v, sg0, sg1, ss0, ss1) = rest
            cnt_i = cnt_u = cacc = None
        bufs = ((gb0, sg0, ss0), (gb1, sg1, ss1))
        s = lax.axis_index("s")
        c = lax.axis_index("c")

        def body(h_hbm, src_hbm, dst_hbm, out_hbm, cnt_hbm):
            pltpu.sync_copy(src_hbm.at[pl.ds(s * NCH, NCH)], idxb)
            pltpu.sync_copy(dst_hbm.at[pl.ds(s * NCH, NCH)], idxd)
            pltpu.sync_copy(zeros.at[pl.ds(s * RPT, RPT)],
                            acc.at[pl.ds(s * RPT, RPT)])
            if do_cnt:
                pltpu.sync_copy(ones16, ones_v)
                pltpu.sync_copy(zeros16.at[pl.ds(s * RPT, RPT)],
                                cacc.at[pl.ds(s * RPT, RPT)])
            plsc.subcore_barrier()

            for b, (gb, sg, ss) in enumerate(bufs):
                pltpu.async_copy(h_hbm.at[idxb.at[b]], gb, sg)

            @pl.loop(0, NCH, step=2)
            def _(t):
                for b, (gb, sg, ss) in enumerate(bufs):
                    tt = t + b
                    pltpu.make_async_copy(h_hbm.at[idxb.at[tt]],
                                          gb, sg).wait()
                    cp = pltpu.async_copy(gb, acc.at[idxd.at[tt]],
                                          ss, add=True)
                    if do_cnt:
                        pltpu.sync_copy(ones_v, cacc.at[idxd.at[tt]],
                                        add=True)
                    cp.wait()

                    @pl.when(tt + 2 < NCH)
                    def _():
                        pltpu.async_copy(h_hbm.at[idxb.at[tt + 2]], gb, sg)

            plsc.subcore_barrier()
            pltpu.sync_copy(acc.at[pl.ds(s * RPT, RPT)],
                            out_hbm.at[pl.ds(s * RPT, RPT)])
            if do_cnt:
                pltpu.sync_copy(cacc.at[pl.ds(s * RPT, RPT)],
                                cnt_hbm.at[pl.ds(s * RPT, RPT)])

        @pl.when(c == 0)
        def _():
            body(hub, srcu, dstu, Si, cnt_i)

        @pl.when(c == 1)
        def _():
            body(hib, srci, dsti, Su, cnt_u)

    return run(hub, hib, srcu, dstu, srci, dsti, zeros, zeros16, ones16)


def _tc_layer(final, Su, Si, hu, hi, cu, ci,
              Wl_u2i, bl_u2i, Wr_u2i, Wl_i2u, bl_i2u, Wr_i2u,
              Wlin_u=None, blin_u=None, Wlin_i=None, blin_i=None):
    odim = OUT if final else D

    def body(Su_r, Si_r, hu_r, hi_r, cu_r, ci_r,
             wlu, blu, wru, wli, bli, wri, *rest):
        inv_i = 1.0 / jnp.maximum(ci_r[:, 0:1], 1.0)
        inv_u = 1.0 / jnp.maximum(cu_r[:, 0:1], 1.0)
        agg_i = (Si_r[...].astype(jnp.float32) * inv_i) @ wlu[...]
        agg_u = (Su_r[...].astype(jnp.float32) * inv_u) @ wli[...]
        ni = jnp.maximum(agg_i + blu[...] + hi_r[...] @ wru[...], 0.0)
        nu = jnp.maximum(agg_u + bli[...] + hu_r[...] @ wri[...], 0.0)
        if final:
            wlinu, blinu, wlini, blini, out_u, out_i = rest
            out_u[...] = nu @ wlinu[...] + blinu[...]
            out_i[...] = ni @ wlini[...] + blini[...]
        else:
            out_u, out_i, out_ub, out_ib = rest
            out_u[...] = nu
            out_i[...] = ni
            out_ub[...] = nu.astype(jnp.bfloat16)
            out_ib[...] = ni.astype(jnp.bfloat16)

    args = [Su, Si, hu, hi, cu, ci,
            Wl_u2i, bl_u2i, Wr_u2i, Wl_i2u, bl_i2u, Wr_i2u]
    if final:
        args += [Wlin_u, blin_u, Wlin_i, blin_i]
    out_shape = [jax.ShapeDtypeStruct((N, odim), jnp.float32),
                 jax.ShapeDtypeStruct((N, odim), jnp.float32)]
    if not final:
        out_shape += [jax.ShapeDtypeStruct((N, D), jnp.bfloat16),
                      jax.ShapeDtypeStruct((N, D), jnp.bfloat16)]
    BRW = 1000
    blocked = lambda cols: pl.BlockSpec((BRW, cols), lambda i: (i, 0))
    full = lambda a: pl.BlockSpec(a.shape, lambda i: (0, 0))
    in_specs = [blocked(D)] * 4 + [blocked(16)] * 2
    in_specs += [full(a) for a in args[6:]]
    out_specs = [blocked(odim)] * 2
    if not final:
        out_specs += [blocked(D)] * 2
    return pl.pallas_call(
        body,
        grid=(N // BRW,),
        in_specs=in_specs,
        out_specs=out_specs,
        out_shape=out_shape,
    )(*args)


def _tc_decoder(z_u, z_i):
    BR = 200

    def body(zu_r, zi_r, out_r):
        logits = lax.dot_general(zu_r[...], zi_r[...],
                                 (((1,), (1,)), ((), ())),
                                 preferred_element_type=jnp.float32)
        out_r[...] = 1.0 / (1.0 + jnp.exp(-logits))

    return pl.pallas_call(
        body,
        grid=(N // BR,),
        in_specs=[pl.BlockSpec((BR, OUT), lambda i: (i, 0)),
                  pl.BlockSpec((N, OUT), lambda i: (0, 0))],
        out_specs=pl.BlockSpec((BR, N), lambda i: (i, 0)),
        out_shape=jax.ShapeDtypeStruct((N, N), jnp.float32),
    )(z_u, z_i)


def _prep_edges(ei):
    src = ei[0].astype(jnp.int32)
    dst = ei[1].astype(jnp.int32)
    pad = EPAD - E
    src = jnp.concatenate([src, jnp.zeros((pad,), jnp.int32)])
    dst = jnp.concatenate([dst, jnp.full((pad,), N, jnp.int32)])
    shape = (NSUB * NCH, CHUNK)
    return src.reshape(shape), dst.reshape(shape)


def kernel(x_user, x_item, params, edge_index_u2i, edge_index_i2u):
    srcu, dstu = _prep_edges(edge_index_u2i)
    srci, dsti = _prep_edges(edge_index_i2u)
    zeros = jnp.zeros((NACC, D), jnp.bfloat16)
    zeros16 = jnp.zeros((NACC, 16), jnp.float32)
    ones16 = jnp.ones((CHUNK, 16), jnp.float32)

    p = params
    b2 = lambda v: v.reshape(1, -1)

    hu, hi = x_user, x_item
    hub = x_user.astype(jnp.bfloat16)
    hib = x_item.astype(jnp.bfloat16)
    cu = ci = None
    for L in range(3):
        res = _sc_agg(L == 0, hub, hib, srcu, dstu, srci, dsti,
                      zeros, zeros16, ones16)
        if L == 0:
            Si, Su, ci_f, cu_f = res
            ci = ci_f[:N]
            cu = cu_f[:N]
        else:
            Si, Su = res
        final = L == 2
        extra = {}
        if final:
            extra = dict(Wlin_u=p['Wlin_user'], blin_u=b2(p['blin_user']),
                         Wlin_i=p['Wlin_item'], blin_i=b2(p['blin_item']))
        out = _tc_layer(final, Su[:N], Si[:N], hu, hi, cu, ci,
                        p['Wl%d_u2i' % L], b2(p['bl%d_u2i' % L]),
                        p['Wr%d_u2i' % L],
                        p['Wl%d_i2u' % L], b2(p['bl%d_i2u' % L]),
                        p['Wr%d_i2u' % L], **extra)
        if final:
            hu, hi = out
        else:
            hu, hi, hub, hib = out
    return _tc_decoder(hu, hi)

# --- scband reference (transcript-rebuilt; emitter-appended) ---
"""Pipeline reference for scband-link-prediction-59854664237739 (READ-ONLY COPY).

The authoritative reference and input builder live on the scoring server;
editing this copy changes nothing except your own understanding.
"""

import jax, jax.numpy as jnp
import numpy as np

N_U = 10000
N_I = 10000
E = 320000
D_FEAT = 128
HIDDEN = 128
OUT = 32


def _init_w(key, fan_in, fan_out):
    return jax.random.normal(key, (fan_in, fan_out), jnp.float32) * (1.0 / np.sqrt(fan_in))


def setup_inputs(seed: int = 0) -> dict:
    key = jax.random.key(seed)
    ks = jax.random.split(key, 64)
    x_user = jax.random.normal(ks[0], (N_U, D_FEAT), jnp.float32)
    x_item = jax.random.normal(ks[1], (N_I, D_FEAT), jnp.float32)
    edge_index_u2i = jax.random.randint(ks[2], (2, E), 0, N_U).astype(jnp.int64)
    edge_index_i2u = jax.random.randint(ks[3], (2, E), 0, N_I).astype(jnp.int64)
    # Parameters: 3 hetero SAGEConv layers (one conv per edge type) + per-node-type Linear.
    # SAGEConv: out = lin_l(mean_aggr(x_src)) + lin_r(x_dst); lin_l has bias, lin_r does not.
    params = {}
    dims = [(D_FEAT, HIDDEN), (HIDDEN, HIDDEN), (HIDDEN, HIDDEN)]
    ki = 4
    for L, (din, dout) in enumerate(dims):
        for et in ('u2i', 'i2u'):
            params['Wl%d_%s' % (L, et)] = _init_w(ks[ki], din, dout); ki += 1
            params['bl%d_%s' % (L, et)] = jnp.zeros((dout,), jnp.float32)
            params['Wr%d_%s' % (L, et)] = _init_w(ks[ki], din, dout); ki += 1
    params['Wlin_user'] = _init_w(ks[ki], HIDDEN, OUT); ki += 1
    params['blin_user'] = jnp.zeros((OUT,), jnp.float32)
    params['Wlin_item'] = _init_w(ks[ki], HIDDEN, OUT); ki += 1
    params['blin_item'] = jnp.zeros((OUT,), jnp.float32)
    return {'x_user': x_user, 'x_item': x_item, 'params': params,
            'edge_index_u2i': edge_index_u2i, 'edge_index_i2u': edge_index_i2u}


def _sage(x_src, x_dst, edge_index, Wl, bl, Wr):
    src = edge_index[0]
    dst = edge_index[1]
    n_dst = x_dst.shape[0]
    msg = jnp.take(x_src, src, axis=0)
    summed = jax.ops.segment_sum(msg, dst, num_segments=n_dst)
    cnt = jax.ops.segment_sum(jnp.ones((edge_index.shape[1],), x_src.dtype), dst, num_segments=n_dst)
    agg = summed / jnp.clip(cnt, 1.0, None)[:, None]
    return agg @ Wl + bl + x_dst @ Wr


def reference(x_user, x_item, params, edge_index_u2i, edge_index_i2u):
    hu, hi = x_user, x_item
    for L in range(3):
        new_i = _sage(hu, hi, edge_index_u2i,
                      params['Wl%d_u2i' % L], params['bl%d_u2i' % L], params['Wr%d_u2i' % L])
        new_u = _sage(hi, hu, edge_index_i2u,
                      params['Wl%d_i2u' % L], params['bl%d_i2u' % L], params['Wr%d_i2u' % L])
        hu = jax.nn.relu(new_u)
        hi = jax.nn.relu(new_i)
    z_user = hu @ params['Wlin_user'] + params['blin_user']
    z_item = hi @ params['Wlin_item'] + params['blin_item']
    # Decoder for edge_pair ('user', 'item'): sigmoid(z_user @ z_item.T)
    pred = jax.nn.sigmoid(z_user @ z_item.T)
    return pred

if __name__ == "__main__":
    import jax
    _d = setup_inputs()
    print(jax.jit(kernel)(*tuple(_d.values())))

</pallas_src>

<mosaic_0001>
#map = affine_map<(d0, d1) -> (0, 0)>
module attributes {stable_mosaic.version = 14 : i64} {
  func.func @run(%arg0: i32, %arg1: i32, %arg2: memref<10000x128xbf16, #tpu.memory_space<hbm>>, %arg3: memref<10000x128xbf16, #tpu.memory_space<hbm>>, %arg4: memref<1280x256xi32, #tpu.memory_space<hbm>>, %arg5: memref<1280x256xi32, #tpu.memory_space<hbm>>, %arg6: memref<1280x256xi32, #tpu.memory_space<hbm>>, %arg7: memref<1280x256xi32, #tpu.memory_space<hbm>>, %arg8: memref<10112x128xbf16, #tpu.memory_space<hbm>>, %arg9: memref<10112x16xf32, #tpu.memory_space<hbm>>, %arg10: memref<256x16xf32, #tpu.memory_space<hbm>>, %arg11: memref<10112x128xbf16, #tpu.memory_space<hbm>>, %arg12: memref<10112x128xbf16, #tpu.memory_space<hbm>>, %arg13: memref<10112x16xf32, #tpu.memory_space<hbm>>, %arg14: memref<10112x16xf32, #tpu.memory_space<hbm>>, %arg15: memref<80x256xi32, #tpu.memory_space<vmem>>, %arg16: memref<80x256xi32, #tpu.memory_space<vmem>>, %arg17: memref<256x128xbf16, #tpu.memory_space<vmem>>, %arg18: memref<256x128xbf16, #tpu.memory_space<vmem>>, %arg19: memref<10112x128xbf16, #tpu.memory_space<vmem_shared>>, %arg20: memref<256x16xf32, #tpu.memory_space<vmem>>, %arg21: memref<!tpu.dma_semaphore, #tpu.memory_space<semaphore_mem>>, %arg22: memref<!tpu.dma_semaphore, #tpu.memory_space<semaphore_mem>>, %arg23: memref<!tpu.dma_semaphore, #tpu.memory_space<semaphore_mem>>, %arg24: memref<!tpu.dma_semaphore, #tpu.memory_space<semaphore_mem>>, %arg25: memref<10112x16xf32, #tpu.memory_space<vmem_shared>>) attributes {dimension_semantics = [#tpu.dimension_semantics<core_parallel>, #tpu.dimension_semantics<subcore_parallel>], iteration_bounds = array<i64: 2, 16>, scalar_prefetch = 0 : i64, scratch_operands = 11 : i64, tpu.core_type = #tpu.core_type<sc_vector_subcore>, window_params = [{transform_indices = #map}, {transform_indices = #map}, {transform_indices = #map}, {transform_indices = #map}, {transform_indices = #map}, {transform_indices = #map}, {transform_indices = #map}, {transform_indices = #map}, {transform_indices = #map}, {transform_indices = #map}, {transform_indices = #map}, {transform_indices = #map}, {transform_indices = #map}]} {
    %eq3A = arith.constant 0 : i32
    %eq3A_0 = arith.cmpi eq, %arg0, %eq3A : i32
    %convert_element_type3A = arith.extui %eq3A_0 : i1 to i32
    %cond3A = arith.constant 0 : i32
    %cond3A_1 = arith.cmpi ne, %convert_element_type3A, %cond3A : i32
    scf.if %cond3A_1 {
      %mul3A = arith.constant 80 : i32
      %mul3A_7 = arith.muli %arg1, %mul3A : i32
      "tpu.region"() ({
        %run_scoped3A = tpu.sem_alloc : memref<!tpu.dma_semaphore, #tpu.memory_space<semaphore_mem>>
        %dma_start3A_44 = arith.constant 0 : i32
        %dma_start3A_45 = tpu.memref_slice %arg4[%mul3A_7, %dma_start3A_44] : memref<1280x256xi32, #tpu.memory_space<hbm>> -> memref<80x256xi32, #tpu.memory_space<hbm>>
        %dma_start3A_46 = arith.constant 0 : i32
        %dma_start3A_47 = tpu.memref_slice %arg4[%mul3A_7, %dma_start3A_46] : memref<1280x256xi32, #tpu.memory_space<hbm>> -> memref<80x256xi32, #tpu.memory_space<hbm>>
        tpu.enqueue_dma source(%dma_start3A_47 : memref<80x256xi32, #tpu.memory_space<hbm>>) target(%arg15 : memref<80x256xi32, #tpu.memory_space<vmem>>) target_semaphore(%run_scoped3A : memref<!tpu.dma_semaphore, #tpu.memory_space<semaphore_mem>>)
        %dma_wait3A = arith.constant 0 : i32
        %dma_wait3A_48 = tpu.memref_slice %arg4[%mul3A_7, %dma_wait3A] : memref<1280x256xi32, #tpu.memory_space<hbm>> -> memref<80x256xi32, #tpu.memory_space<hbm>>
        %dma_wait3A_49 = arith.constant 0 : i32
        %dma_wait3A_50 = tpu.memref_slice %arg4[%mul3A_7, %dma_wait3A_49] : memref<1280x256xi32, #tpu.memory_space<hbm>> -> memref<80x256xi32, #tpu.memory_space<hbm>>
        tpu.wait_dma2 semaphore(%run_scoped3A : memref<!tpu.dma_semaphore, #tpu.memory_space<semaphore_mem>>) src(%dma_wait3A_50 : memref<80x256xi32, #tpu.memory_space<hbm>>) dst(%arg15 : memref<80x256xi32, #tpu.memory_space<vmem>>)
        tpu.yield
      }) : () -> ()
      %mul3A_8 = arith.constant 80 : i32
      %mul3A_9 = arith.muli %arg1, %mul3A_8 : i32
      "tpu.region"() ({
        %run_scoped3A = tpu.sem_alloc : memref<!tpu.dma_semaphore, #tpu.memory_space<semaphore_mem>>
        %dma_start3A_44 = arith.constant 0 : i32
        %dma_start3A_45 = tpu.memref_slice %arg5[%mul3A_9, %dma_start3A_44] : memref<1280x256xi32, #tpu.memory_space<hbm>> -> memref<80x256xi32, #tpu.memory_space<hbm>>
        %dma_start3A_46 = arith.constant 0 : i32
        %dma_start3A_47 = tpu.memref_slice %arg5[%mul3A_9, %dma_start3A_46] : memref<1280x256xi32, #tpu.memory_space<hbm>> -> memref<80x256xi32, #tpu.memory_space<hbm>>
        tpu.enqueue_dma source(%dma_start3A_47 : memref<80x256xi32, #tpu.memory_space<hbm>>) target(%arg16 : memref<80x256xi32, #tpu.memory_space<vmem>>) target_semaphore(%run_scoped3A : memref<!tpu.dma_semaphore, #tpu.memory_space<semaphore_mem>>)
        %dma_wait3A = arith.constant 0 : i32
        %dma_wait3A_48 = tpu.memref_slice %arg5[%mul3A_9, %dma_wait3A] : memref<1280x256xi32, #tpu.memory_space<hbm>> -> memref<80x256xi32, #tpu.memory_space<hbm>>
        %dma_wait3A_49 = arith.constant 0 : i32
        %dma_wait3A_50 = tpu.memref_slice %arg5[%mul3A_9, %dma_wait3A_49] : memref<1280x256xi32, #tpu.memory_space<hbm>> -> memref<80x256xi32, #tpu.memory_space<hbm>>
        tpu.wait_dma2 semaphore(%run_scoped3A : memref<!tpu.dma_semaphore, #tpu.memory_space<semaphore_mem>>) src(%dma_wait3A_50 : memref<80x256xi32, #tpu.memory_space<hbm>>) dst(%arg16 : memref<80x256xi32, #tpu.memory_space<vmem>>)
        tpu.yield
      }) : () -> ()
      %mul3A_10 = arith.constant 632 : i32
      %mul3A_11 = arith.muli %arg1, %mul3A_10 : i32
      %mul3A_12 = arith.constant 632 : i32
      %mul3A_13 = arith.muli %arg1, %mul3A_12 : i32
      "tpu.region"() ({
        %run_scoped3A = tpu.sem_alloc : memref<!tpu.dma_semaphore, #tpu.memory_space<semaphore_mem>>
        %dma_start3A_44 = arith.constant 0 : i32
        %dma_start3A_45 = tpu.memref_slice %arg19[%mul3A_13, %dma_start3A_44] : memref<10112x128xbf16, #tpu.memory_space<vmem_shared>> -> memref<632x128xbf16, #tpu.memory_space<vmem_shared>>
        %dma_start3A_46 = arith.constant 0 : i32
        %dma_start3A_47 = tpu.memref_slice %arg8[%mul3A_11, %dma_start3A_46] : memref<10112x128xbf16, #tpu.memory_space<hbm>> -> memref<632x128xbf16, #tpu.memory_space<hbm>>
        tpu.enqueue_dma source(%dma_start3A_47 : memref<632x128xbf16, #tpu.memory_space<hbm>>) target(%dma_start3A_45 : memref<632x128xbf16, #tpu.memory_space<vmem_shared>>) target_semaphore(%run_scoped3A : memref<!tpu.dma_semaphore, #tpu.memory_space<semaphore_mem>>)
        %dma_wait3A = arith.constant 0 : i32
        %dma_wait3A_48 = tpu.memref_slice %arg19[%mul3A_13, %dma_wait3A] : memref<10112x128xbf16, #tpu.memory_space<vmem_shared>> -> memref<632x128xbf16, #tpu.memory_space<vmem_shared>>
        %dma_wait3A_49 = arith.constant 0 : i32
        %dma_wait3A_50 = tpu.memref_slice %arg8[%mul3A_11, %dma_wait3A_49] : memref<10112x128xbf16, #tpu.memory_space<hbm>> -> memref<632x128xbf16, #tpu.memory_space<hbm>>
        tpu.wait_dma2 semaphore(%run_scoped3A : memref<!tpu.dma_semaphore, #tpu.memory_space<semaphore_mem>>) src(%dma_wait3A_50 : memref<632x128xbf16, #tpu.memory_space<hbm>>) dst(%dma_wait3A_48 : memref<632x128xbf16, #tpu.memory_space<vmem_shared>>)
        tpu.yield
      }) : () -> ()
      "tpu.region"() ({
        %run_scoped3A = tpu.sem_alloc : memref<!tpu.dma_semaphore, #tpu.memory_space<semaphore_mem>>
        tpu.enqueue_dma source(%arg10 : memref<256x16xf32, #tpu.memory_space<hbm>>) target(%arg20 : memref<256x16xf32, #tpu.memory_space<vmem>>) target_semaphore(%run_scoped3A : memref<!tpu.dma_semaphore, #tpu.memory_space<semaphore_mem>>)
        tpu.wait_dma2 semaphore(%run_scoped3A : memref<!tpu.dma_semaphore, #tpu.memory_space<semaphore_mem>>) src(%arg10 : memref<256x16xf32, #tpu.memory_space<hbm>>) dst(%arg20 : memref<256x16xf32, #tpu.memory_space<vmem>>)
        tpu.yield
      }) : () -> ()
      %mul3A_14 = arith.constant 632 : i32
      %mul3A_15 = arith.muli %arg1, %mul3A_14 : i32
      %mul3A_16 = arith.constant 632 : i32
      %mul3A_17 = arith.muli %arg1, %mul3A_16 : i32
      "tpu.region"() ({
        %run_scoped3A = tpu.sem_alloc : memref<!tpu.dma_semaphore, #tpu.memory_space<semaphore_mem>>
        %dma_start3A_44 = arith.constant 0 : i32
        %dma_start3A_45 = tpu.memref_slice %arg25[%mul3A_17, %dma_start3A_44] : memref<10112x16xf32, #tpu.memory_space<vmem_shared>> -> memref<632x16xf32, #tpu.memory_space<vmem_shared>>
        %dma_start3A_46 = arith.constant 0 : i32
        %dma_start3A_47 = tpu.memref_slice %arg9[%mul3A_15, %dma_start3A_46] : memref<10112x16xf32, #tpu.memory_space<hbm>> -> memref<632x16xf32, #tpu.memory_space<hbm>>
        tpu.enqueue_dma source(%dma_start3A_47 : memref<632x16xf32, #tpu.memory_space<hbm>>) target(%dma_start3A_45 : memref<632x16xf32, #tpu.memory_space<vmem_shared>>) target_semaphore(%run_scoped3A : memref<!tpu.dma_semaphore, #tpu.memory_space<semaphore_mem>>)
        %dma_wait3A = arith.constant 0 : i32
        %dma_wait3A_48 = tpu.memref_slice %arg25[%mul3A_17, %dma_wait3A] : memref<10112x16xf32, #tpu.memory_space<vmem_shared>> -> memref<632x16xf32, #tpu.memory_space<vmem_shared>>
        %dma_wait3A_49 = arith.constant 0 : i32
        %dma_wait3A_50 = tpu.memref_slice %arg9[%mul3A_15, %dma_wait3A_49] : memref<10112x16xf32, #tpu.memory_space<hbm>> -> memref<632x16xf32, #tpu.memory_space<hbm>>
        tpu.wait_dma2 semaphore(%run_scoped3A : memref<!tpu.dma_semaphore, #tpu.memory_space<semaphore_mem>>) src(%dma_wait3A_50 : memref<632x16xf32, #tpu.memory_space<hbm>>) dst(%dma_wait3A_48 : memref<632x16xf32, #tpu.memory_space<vmem_shared>>)
        tpu.yield
      }) : () -> ()
      %barrier3A = arith.constant 0 : index
      tpu.barrier barrier_id(%barrier3A)
      %dma_start3A = arith.constant 0 : i32
      %dma_start3A_18 = arith.constant 0 : i32
      %dma_start3A_19 = tpu.memref_slice %arg15[%dma_start3A, %dma_start3A_18] : memref<80x256xi32, #tpu.memory_space<vmem>> -> memref<1x256xi32, #tpu.memory_space<vmem>>
      %dma_start3A_20 = tpu.memref_squeeze %dma_start3A_19 : memref<1x256xi32, #tpu.memory_space<vmem>> -> memref<256xi32, #tpu.memory_space<vmem>>
      %dma_start3A_21 = arith.constant 0 : i32
      %dma_start3A_22 = arith.constant 0 : i32
      %dma_start3A_23 = tpu.memref_slice %arg2[%dma_start3A_21, %dma_start3A_22] : memref<10000x128xbf16, #tpu.memory_space<hbm>> -> memref<10000x128xbf16, #tpu.memory_space<hbm>>
      tpu.enqueue_indirect_dma source(%dma_start3A_23 : memref<10000x128xbf16, #tpu.memory_space<hbm>>) target(%arg17 : memref<256x128xbf16, #tpu.memory_space<vmem>>) offsets(%dma_start3A_20 : memref<256xi32, #tpu.memory_space<vmem>>) semaphore(%arg21 : memref<!tpu.dma_semaphore, #tpu.memory_space<semaphore_mem>>)
      %dma_start3A_24 = arith.constant 1 : i32
      %dma_start3A_25 = arith.constant 0 : i32
      %dma_start3A_26 = tpu.memref_slice %arg15[%dma_start3A_24, %dma_start3A_25] : memref<80x256xi32, #tpu.memory_space<vmem>> -> memref<1x256xi32, #tpu.memory_space<vmem>>
      %dma_start3A_27 = tpu.memref_squeeze %dma_start3A_26 : memref<1x256xi32, #tpu.memory_space<vmem>> -> memref<256xi32, #tpu.memory_space<vmem>>
      %dma_start3A_28 = arith.constant 0 : i32
      %dma_start3A_29 = arith.constant 0 : i32
      %dma_start3A_30 = tpu.memref_slice %arg2[%dma_start3A_28, %dma_start3A_29] : memref<10000x128xbf16, #tpu.memory_space<hbm>> -> memref<10000x128xbf16, #tpu.memory_space<hbm>>
      tpu.enqueue_indirect_dma source(%dma_start3A_30 : memref<10000x128xbf16, #tpu.memory_space<hbm>>) target(%arg18 : memref<256x128xbf16, #tpu.memory_space<vmem>>) offsets(%dma_start3A_27 : memref<256xi32, #tpu.memory_space<vmem>>) semaphore(%arg22 : memref<!tpu.dma_semaphore, #tpu.memory_space<semaphore_mem>>)
      %scan3A = arith.constant 0 : i32
      %scan3A_31 = arith.constant 40 : i32
      %scan3A_32 = arith.addi %scan3A, %scan3A_31 : i32
      %scan3A_33 = arith.constant 1 : i32
      scf.for %scan3A_44 = %scan3A to %scan3A_32 step %scan3A_33  : i32 {
        %mul3A_45 = arith.constant 2 : i32
        %mul3A_46 = arith.muli %scan3A_44, %mul3A_45 : i32
        %add3A = arith.constant 0 : i32
        %add3A_47 = arith.addi %add3A, %mul3A_46 : i32
        %add3A_48 = arith.constant 0 : i32
        %add3A_49 = arith.addi %add3A_47, %add3A_48 : i32
        %dma_wait3A = arith.constant 0 : i32
        %dma_wait3A_50 = tpu.memref_slice %arg15[%add3A_49, %dma_wait3A] : memref<80x256xi32, #tpu.memory_space<vmem>> -> memref<1x256xi32, #tpu.memory_space<vmem>>
        %dma_wait3A_51 = tpu.memref_squeeze %dma_wait3A_50 : memref<1x256xi32, #tpu.memory_space<vmem>> -> memref<256xi32, #tpu.memory_space<vmem>>
        %dma_wait3A_52 = arith.constant 0 : i32
        %dma_wait3A_53 = arith.constant 0 : i32
        %dma_wait3A_54 = tpu.memref_slice %arg2[%dma_wait3A_52, %dma_wait3A_53] : memref<10000x128xbf16, #tpu.memory_space<hbm>> -> memref<10000x128xbf16, #tpu.memory_space<hbm>>
        tpu.wait_indirect_dma semaphore(%arg21 : memref<!tpu.dma_semaphore, #tpu.memory_space<semaphore_mem>>) src(%dma_wait3A_54 : memref<10000x128xbf16, #tpu.memory_space<hbm>>) dst(%arg17 : memref<256x128xbf16, #tpu.memory_space<vmem>>)
        %dma_start3A_55 = arith.constant 0 : i32
        %dma_start3A_56 = tpu.memref_slice %arg16[%add3A_49, %dma_start3A_55] : memref<80x256xi32, #tpu.memory_space<vmem>> -> memref<1x256xi32, #tpu.memory_space<vmem>>
        %dma_start3A_57 = tpu.memref_squeeze %dma_start3A_56 : memref<1x256xi32, #tpu.memory_space<vmem>> -> memref<256xi32, #tpu.memory_space<vmem>>
        %dma_start3A_58 = arith.constant 0 : i32
        %dma_start3A_59 = arith.constant 0 : i32
        %dma_start3A_60 = tpu.memref_slice %arg19[%dma_start3A_58, %dma_start3A_59] : memref<10112x128xbf16, #tpu.memory_space<vmem_shared>> -> memref<10112x128xbf16, #tpu.memory_space<vmem_shared>>
        tpu.enqueue_indirect_dma source(%arg17 : memref<256x128xbf16, #tpu.memory_space<vmem>>) target(%dma_start3A_60 : memref<10112x128xbf16, #tpu.memory_space<vmem_shared>>) offsets(%dma_start3A_57 : memref<256xi32, #tpu.memory_space<vmem>>) semaphore(%arg23 : memref<!tpu.dma_semaphore, #tpu.memory_space<semaphore_mem>>) {add = true}
        "tpu.region"() ({
          %run_scoped3A = tpu.sem_alloc : memref<!tpu.dma_semaphore, #tpu.memory_space<semaphore_mem>>
          %dma_start3A_100 = arith.constant 0 : i32
          %dma_start3A_101 = tpu.memref_slice %arg16[%add3A_49, %dma_start3A_100] : memref<80x256xi32, #tpu.memory_space<vmem>> -> memref<1x256xi32, #tpu.memory_space<vmem>>
          %dma_start3A_102 = tpu.memref_squeeze %dma_start3A_101 : memref<1x256xi32, #tpu.memory_space<vmem>> -> memref<256xi32, #tpu.memory_space<vmem>>
          %dma_start3A_103 = arith.constant 0 : i32
          %dma_start3A_104 = arith.constant 0 : i32
          %dma_start3A_105 = tpu.memref_slice %arg25[%dma_start3A_103, %dma_start3A_104] : memref<10112x16xf32, #tpu.memory_space<vmem_shared>> -> memref<10112x16xf32, #tpu.memory_space<vmem_shared>>
          tpu.enqueue_indirect_dma source(%arg20 : memref<256x16xf32, #tpu.memory_space<vmem>>) target(%dma_start3A_105 : memref<10112x16xf32, #tpu.memory_space<vmem_shared>>) offsets(%dma_start3A_102 : memref<256xi32, #tpu.memory_space<vmem>>) semaphore(%run_scoped3A : memref<!tpu.dma_semaphore, #tpu.memory_space<semaphore_mem>>) {add = true}
          %dma_wait3A_106 = arith.constant 0 : i32
          %dma_wait3A_107 = tpu.memref_slice %arg16[%add3A_49, %dma_wait3A_106] : memref<80x256xi32, #tpu.memory_space<vmem>> -> memref<1x256xi32, #tpu.memory_space<vmem>>
          %dma_wait3A_108 = tpu.memref_squeeze %dma_wait3A_107 : memref<1x256xi32, #tpu.memory_space<vmem>> -> memref<256xi32, #tpu.memory_space<vmem>>
          %dma_wait3A_109 = arith.constant 0 : i32
          %dma_wait3A_110 = arith.constant 0 : i32
          %dma_wait3A_111 = tpu.memref_slice %arg25[%dma_wait3A_109, %dma_wait3A_110] : memref<10112x16xf32, #tpu.memory_space<vmem_shared>> -> memref<10112x16xf32, #tpu.memory_space<vmem_shared>>
          tpu.wait_indirect_dma semaphore(%run_scoped3A : memref<!tpu.dma_semaphore, #tpu.memory_space<semaphore_mem>>) src(%arg20 : memref<256x16xf32, #tpu.memory_space<vmem>>) dst(%dma_wait3A_111 : memref<10112x16xf32, #tpu.memory_space<vmem_shared>>)
          tpu.yield
        }) : () -> ()
        %dma_wait3A_61 = arith.constant 0 : i32
        %dma_wait3A_62 = tpu.memref_slice %arg16[%add3A_49, %dma_wait3A_61] : memref<80x256xi32, #tpu.memory_space<vmem>> -> memref<1x256xi32, #tpu.memory_space<vmem>>
        %dma_wait3A_63 = tpu.memref_squeeze %dma_wait3A_62 : memref<1x256xi32, #tpu.memory_space<vmem>> -> memref<256xi32, #tpu.memory_space<vmem>>
        %dma_wait3A_64 = arith.constant 0 : i32
        %dma_wait3A_65 = arith.constant 0 : i32
        %dma_wait3A_66 = tpu.memref_slice %arg19[%dma_wait3A_64, %dma_wait3A_65] : memref<10112x128xbf16, #tpu.memory_space<vmem_shared>> -> memref<10112x128xbf16, #tpu.memory_space<vmem_shared>>
        tpu.wait_indirect_dma semaphore(%arg23 : memref<!tpu.dma_semaphore, #tpu.memory_space<semaphore_mem>>) src(%arg17 : memref<256x128xbf16, #tpu.memory_space<vmem>>) dst(%dma_wait3A_66 : memref<10112x128xbf16, #tpu.memory_space<vmem_shared>>)
        %add3A_67 = arith.constant 2 : i32
        %add3A_68 = arith.addi %add3A_49, %add3A_67 : i32
        %lt3A = arith.constant 80 : i32
        %lt3A_69 = arith.cmpi slt, %add3A_68, %lt3A : i32
        %convert_element_type3A_70 = arith.extui %lt3A_69 : i1 to i32
        %cond3A_71 = arith.constant 0 : i32
        %cond3A_72 = arith.cmpi ne, %convert_element_type3A_70, %cond3A_71 : i32
        scf.if %cond3A_72 {
          %add3A_100 = arith.constant 2 : i32
          %add3A_101 = arith.addi %add3A_49, %add3A_100 : i32
          %dma_start3A_102 = arith.constant 0 : i32
          %dma_start3A_103 = tpu.memref_slice %arg15[%add3A_101, %dma_start3A_102] : memref<80x256xi32, #tpu.memory_space<vmem>> -> memref<1x256xi32, #tpu.memory_space<vmem>>
          %dma_start3A_104 = tpu.memref_squeeze %dma_start3A_103 : memref<1x256xi32, #tpu.memory_space<vmem>> -> memref<256xi32, #tpu.memory_space<vmem>>
          %dma_start3A_105 = arith.constant 0 : i32
          %dma_start3A_106 = arith.constant 0 : i32
          %dma_start3A_107 = tpu.memref_slice %arg2[%dma_start3A_105, %dma_start3A_106] : memref<10000x128xbf16, #tpu.memory_space<hbm>> -> memref<10000x128xbf16, #tpu.memory_space<hbm>>
          tpu.enqueue_indirect_dma source(%dma_start3A_107 : memref<10000x128xbf16, #tpu.memory_space<hbm>>) target(%arg17 : memref<256x128xbf16, #tpu.memory_space<vmem>>) offsets(%dma_start3A_104 : memref<256xi32, #tpu.memory_space<vmem>>) semaphore(%arg21 : memref<!tpu.dma_semaphore, #tpu.memory_space<semaphore_mem>>)
        } else {
        }
        %add3A_73 = arith.constant 1 : i32
        %add3A_74 = arith.addi %add3A_47, %add3A_73 : i32
        %dma_wait3A_75 = arith.constant 0 : i32
        %dma_wait3A_76 = tpu.memref_slice %arg15[%add3A_74, %dma_wait3A_75] : memref<80x256xi32, #tpu.memory_space<vmem>> -> memref<1x256xi32, #tpu.memory_space<vmem>>
        %dma_wait3A_77 = tpu.memref_squeeze %dma_wait3A_76 : memref<1x256xi32, #tpu.memory_space<vmem>> -> memref<256xi32, #tpu.memory_space<vmem>>
        %dma_wait3A_78 = arith.constant 0 : i32
        %dma_wait3A_79 = arith.constant 0 : i32
        %dma_wait3A_80 = tpu.memref_slice %arg2[%dma_wait3A_78, %dma_wait3A_79] : memref<10000x128xbf16, #tpu.memory_space<hbm>> -> memref<10000x128xbf16, #tpu.memory_space<hbm>>
        tpu.wait_indirect_dma semaphore(%arg22 : memref<!tpu.dma_semaphore, #tpu.memory_space<semaphore_mem>>) src(%dma_wait3A_80 : memref<10000x128xbf16, #tpu.memory_space<hbm>>) dst(%arg18 : memref<256x128xbf16, #tpu.memory_space<vmem>>)
        %dma_start3A_81 = arith.constant 0 : i32
        %dma_start3A_82 = tpu.memref_slice %arg16[%add3A_74, %dma_start3A_81] : memref<80x256xi32, #tpu.memory_space<vmem>> -> memref<1x256xi32, #tpu.memory_space<vmem>>
        %dma_start3A_83 = tpu.memref_squeeze %dma_start3A_82 : memref<1x256xi32, #tpu.memory_space<vmem>> -> memref<256xi32, #tpu.memory_space<vmem>>
        %dma_start3A_84 = arith.constant 0 : i32
        %dma_start3A_85 = arith.constant 0 : i32
        %dma_start3A_86 = tpu.memref_slice %arg19[%dma_start3A_84, %dma_start3A_85] : memref<10112x128xbf16, #tpu.memory_space<vmem_shared>> -> memref<10112x128xbf16, #tpu.memory_space<vmem_shared>>
        tpu.enqueue_indirect_dma source(%arg18 : memref<256x128xbf16, #tpu.memory_space<vmem>>) target(%dma_start3A_86 : memref<10112x128xbf16, #tpu.memory_space<vmem_shared>>) offsets(%dma_start3A_83 : memref<256xi32, #tpu.memory_space<vmem>>) semaphore(%arg24 : memref<!tpu.dma_semaphore, #tpu.memory_space<semaphore_mem>>) {add = true}
        "tpu.region"() ({
          %run_scoped3A = tpu.sem_alloc : memref<!tpu.dma_semaphore, #tpu.memory_space<semaphore_mem>>
          %dma_start3A_100 = arith.constant 0 : i32
          %dma_start3A_101 = tpu.memref_slice %arg16[%add3A_74, %dma_start3A_100] : memref<80x256xi32, #tpu.memory_space<vmem>> -> memref<1x256xi32, #tpu.memory_space<vmem>>
          %dma_start3A_102 = tpu.memref_squeeze %dma_start3A_101 : memref<1x256xi32, #tpu.memory_space<vmem>> -> memref<256xi32, #tpu.memory_space<vmem>>
          %dma_start3A_103 = arith.constant 0 : i32
          %dma_start3A_104 = arith.constant 0 : i32
          %dma_start3A_105 = tpu.memref_slice %arg25[%dma_start3A_103, %dma_start3A_104] : memref<10112x16xf32, #tpu.memory_space<vmem_shared>> -> memref<10112x16xf32, #tpu.memory_space<vmem_shared>>
          tpu.enqueue_indirect_dma source(%arg20 : memref<256x16xf32, #tpu.memory_space<vmem>>) target(%dma_start3A_105 : memref<10112x16xf32, #tpu.memory_space<vmem_shared>>) offsets(%dma_start3A_102 : memref<256xi32, #tpu.memory_space<vmem>>) semaphore(%run_scoped3A : memref<!tpu.dma_semaphore, #tpu.memory_space<semaphore_mem>>) {add = true}
          %dma_wait3A_106 = arith.constant 0 : i32
          %dma_wait3A_107 = tpu.memref_slice %arg16[%add3A_74, %dma_wait3A_106] : memref<80x256xi32, #tpu.memory_space<vmem>> -> memref<1x256xi32, #tpu.memory_space<vmem>>
          %dma_wait3A_108 = tpu.memref_squeeze %dma_wait3A_107 : memref<1x256xi32, #tpu.memory_space<vmem>> -> memref<256xi32, #tpu.memory_space<vmem>>
          %dma_wait3A_109 = arith.constant 0 : i32
          %dma_wait3A_110 = arith.constant 0 : i32
          %dma_wait3A_111 = tpu.memref_slice %arg25[%dma_wait3A_109, %dma_wait3A_110] : memref<10112x16xf32, #tpu.memory_space<vmem_shared>> -> memref<10112x16xf32, #tpu.memory_space<vmem_shared>>
          tpu.wait_indirect_dma semaphore(%run_scoped3A : memref<!tpu.dma_semaphore, #tpu.memory_space<semaphore_mem>>) src(%arg20 : memref<256x16xf32, #tpu.memory_space<vmem>>) dst(%dma_wait3A_111 : memref<10112x16xf32, #tpu.memory_space<vmem_shared>>)
          tpu.yield
        }) : () -> ()
        %dma_wait3A_87 = arith.constant 0 : i32
        %dma_wait3A_88 = tpu.memref_slice %arg16[%add3A_74, %dma_wait3A_87] : memref<80x256xi32, #tpu.memory_space<vmem>> -> memref<1x256xi32, #tpu.memory_space<vmem>>
        %dma_wait3A_89 = tpu.memref_squeeze %dma_wait3A_88 : memref<1x256xi32, #tpu.memory_space<vmem>> -> memref<256xi32, #tpu.memory_space<vmem>>
        %dma_wait3A_90 = arith.constant 0 : i32
        %dma_wait3A_91 = arith.constant 0 : i32
        %dma_wait3A_92 = tpu.memref_slice %arg19[%dma_wait3A_90, %dma_wait3A_91] : memref<10112x128xbf16, #tpu.memory_space<vmem_shared>> -> memref<10112x128xbf16, #tpu.memory_space<vmem_shared>>
        tpu.wait_indirect_dma semaphore(%arg24 : memref<!tpu.dma_semaphore, #tpu.memory_space<semaphore_mem>>) src(%arg18 : memref<256x128xbf16, #tpu.memory_space<vmem>>) dst(%dma_wait3A_92 : memref<10112x128xbf16, #tpu.memory_space<vmem_shared>>)
        %add3A_93 = arith.constant 2 : i32
        %add3A_94 = arith.addi %add3A_74, %add3A_93 : i32
        %lt3A_95 = arith.constant 80 : i32
        %lt3A_96 = arith.cmpi slt, %add3A_94, %lt3A_95 : i32
        %convert_element_type3A_97 = arith.extui %lt3A_96 : i1 to i32
        %cond3A_98 = arith.constant 0 : i32
        %cond3A_99 = arith.cmpi ne, %convert_element_type3A_97, %cond3A_98 : i32
        scf.if %cond3A_99 {
          %add3A_100 = arith.constant 2 : i32
          %add3A_101 = arith.addi %add3A_74, %add3A_100 : i32
          %dma_start3A_102 = arith.constant 0 : i32
          %dma_start3A_103 = tpu.memref_slice %arg15[%add3A_101, %dma_start3A_102] : memref<80x256xi32, #tpu.memory_space<vmem>> -> memref<1x256xi32, #tpu.memory_space<vmem>>
          %dma_start3A_104 = tpu.memref_squeeze %dma_start3A_103 : memref<1x256xi32, #tpu.memory_space<vmem>> -> memref<256xi32, #tpu.memory_space<vmem>>
          %dma_start3A_105 = arith.constant 0 : i32
          %dma_start3A_106 = arith.constant 0 : i32
          %dma_start3A_107 = tpu.memref_slice %arg2[%dma_start3A_105, %dma_start3A_106] : memref<10000x128xbf16, #tpu.memory_space<hbm>> -> memref<10000x128xbf16, #tpu.memory_space<hbm>>
          tpu.enqueue_indirect_dma source(%dma_start3A_107 : memref<10000x128xbf16, #tpu.memory_space<hbm>>) target(%arg18 : memref<256x128xbf16, #tpu.memory_space<vmem>>) offsets(%dma_start3A_104 : memref<256xi32, #tpu.memory_space<vmem>>) semaphore(%arg22 : memref<!tpu.dma_semaphore, #tpu.memory_space<semaphore_mem>>)
        } else {
        }
      }
      %scan3A_34 = arith.constant 40 : i32
      %barrier3A_35 = arith.constant 0 : index
      tpu.barrier barrier_id(%barrier3A_35)
      %mul3A_36 = arith.constant 632 : i32
      %mul3A_37 = arith.muli %arg1, %mul3A_36 : i32
      %mul3A_38 = arith.constant 632 : i32
      %mul3A_39 = arith.muli %arg1, %mul3A_38 : i32
      "tpu.region"() ({
        %run_scoped3A = tpu.sem_alloc : memref<!tpu.dma_semaphore, #tpu.memory_space<semaphore_mem>>
        %dma_start3A_44 = arith.constant 0 : i32
        %dma_start3A_45 = tpu.memref_slice %arg11[%mul3A_39, %dma_start3A_44] : memref<10112x128xbf16, #tpu.memory_space<hbm>> -> memref<632x128xbf16, #tpu.memory_space<hbm>>
        %dma_start3A_46 = arith.constant 0 : i32
        %dma_start3A_47 = tpu.memref_slice %arg19[%mul3A_37, %dma_start3A_46] : memref<10112x128xbf16, #tpu.memory_space<vmem_shared>> -> memref<632x128xbf16, #tpu.memory_space<vmem_shared>>
        tpu.enqueue_dma source(%dma_start3A_47 : memref<632x128xbf16, #tpu.memory_space<vmem_shared>>) target(%dma_start3A_45 : memref<632x128xbf16, #tpu.memory_space<hbm>>) target_semaphore(%run_scoped3A : memref<!tpu.dma_semaphore, #tpu.memory_space<semaphore_mem>>)
        %dma_wait3A = arith.constant 0 : i32
        %dma_wait3A_48 = tpu.memref_slice %arg11[%mul3A_39, %dma_wait3A] : memref<10112x128xbf16, #tpu.memory_space<hbm>> -> memref<632x128xbf16, #tpu.memory_space<hbm>>
        %dma_wait3A_49 = arith.constant 0 : i32
        %dma_wait3A_50 = tpu.memref_slice %arg19[%mul3A_37, %dma_wait3A_49] : memref<10112x128xbf16, #tpu.memory_space<vmem_shared>> -> memref<632x128xbf16, #tpu.memory_space<vmem_shared>>
        tpu.wait_dma2 semaphore(%run_scoped3A : memref<!tpu.dma_semaphore, #tpu.memory_space<semaphore_mem>>) src(%dma_wait3A_50 : memref<632x128xbf16, #tpu.memory_space<vmem_shared>>) dst(%dma_wait3A_48 : memref<632x128xbf16, #tpu.memory_space<hbm>>)
        tpu.yield
      }) : () -> ()
      %mul3A_40 = arith.constant 632 : i32
      %mul3A_41 = arith.muli %arg1, %mul3A_40 : i32
      %mul3A_42 = arith.constant 632 : i32
      %mul3A_43 = arith.muli %arg1, %mul3A_42 : i32
      "tpu.region"() ({
        %run_scoped3A = tpu.sem_alloc : memref<!tpu.dma_semaphore, #tpu.memory_space<semaphore_mem>>
        %dma_start3A_44 = arith.constant 0 : i32
        %dma_start3A_45 = tpu.memref_slice %arg13[%mul3A_43, %dma_start3A_44] : memref<10112x16xf32, #tpu.memory_space<hbm>> -> memref<632x16xf32, #tpu.memory_space<hbm>>
        %dma_start3A_46 = arith.constant 0 : i32
        %dma_start3A_47 = tpu.memref_slice %arg25[%mul3A_41, %dma_start3A_46] : memref<10112x16xf32, #tpu.memory_space<vmem_shared>> -> memref<632x16xf32, #tpu.memory_space<vmem_shared>>
        tpu.enqueue_dma source(%dma_start3A_47 : memref<632x16xf32, #tpu.memory_space<vmem_shared>>) target(%dma_start3A_45 : memref<632x16xf32, #tpu.memory_space<hbm>>) target_semaphore(%run_scoped3A : memref<!tpu.dma_semaphore, #tpu.memory_space<semaphore_mem>>)
        %dma_wait3A = arith.constant 0 : i32
        %dma_wait3A_48 = tpu.memref_slice %arg13[%mul3A_43, %dma_wait3A] : memref<10112x16xf32, #tpu.memory_space<hbm>> -> memref<632x16xf32, #tpu.memory_space<hbm>>
        %dma_wait3A_49 = arith.constant 0 : i32
        %dma_wait3A_50 = tpu.memref_slice %arg25[%mul3A_41, %dma_wait3A_49] : memref<10112x16xf32, #tpu.memory_space<vmem_shared>> -> memref<632x16xf32, #tpu.memory_space<vmem_shared>>
        tpu.wait_dma2 semaphore(%run_scoped3A : memref<!tpu.dma_semaphore, #tpu.memory_space<semaphore_mem>>) src(%dma_wait3A_50 : memref<632x16xf32, #tpu.memory_space<vmem_shared>>) dst(%dma_wait3A_48 : memref<632x16xf32, #tpu.memory_space<hbm>>)
        tpu.yield
      }) : () -> ()
    } else {
    }
    %eq3A_2 = arith.constant 1 : i32
    %eq3A_3 = arith.cmpi eq, %arg0, %eq3A_2 : i32
    %convert_element_type3A_4 = arith.extui %eq3A_3 : i1 to i32
    %cond3A_5 = arith.constant 0 : i32
    %cond3A_6 = arith.cmpi ne, %convert_element_type3A_4, %cond3A_5 : i32
    scf.if %cond3A_6 {
      %mul3A = arith.constant 80 : i32
      %mul3A_7 = arith.muli %arg1, %mul3A : i32
      "tpu.region"() ({
        %run_scoped3A = tpu.sem_alloc : memref<!tpu.dma_semaphore, #tpu.memory_space<semaphore_mem>>
        %dma_start3A_44 = arith.constant 0 : i32
        %dma_start3A_45 = tpu.memref_slice %arg6[%mul3A_7, %dma_start3A_44] : memref<1280x256xi32, #tpu.memory_space<hbm>> -> memref<80x256xi32, #tpu.memory_space<hbm>>
        %dma_start3A_46 = arith.constant 0 : i32
        %dma_start3A_47 = tpu.memref_slice %arg6[%mul3A_7, %dma_start3A_46] : memref<1280x256xi32, #tpu.memory_space<hbm>> -> memref<80x256xi32, #tpu.memory_space<hbm>>
        tpu.enqueue_dma source(%dma_start3A_47 : memref<80x256xi32, #tpu.memory_space<hbm>>) target(%arg15 : memref<80x256xi32, #tpu.memory_space<vmem>>) target_semaphore(%run_scoped3A : memref<!tpu.dma_semaphore, #tpu.memory_space<semaphore_mem>>)
        %dma_wait3A = arith.constant 0 : i32
        %dma_wait3A_48 = tpu.memref_slice %arg6[%mul3A_7, %dma_wait3A] : memref<1280x256xi32, #tpu.memory_space<hbm>> -> memref<80x256xi32, #tpu.memory_space<hbm>>
        %dma_wait3A_49 = arith.constant 0 : i32
        %dma_wait3A_50 = tpu.memref_slice %arg6[%mul3A_7, %dma_wait3A_49] : memref<1280x256xi32, #tpu.memory_space<hbm>> -> memref<80x256xi32, #tpu.memory_space<hbm>>
        tpu.wait_dma2 semaphore(%run_scoped3A : memref<!tpu.dma_semaphore, #tpu.memory_space<semaphore_mem>>) src(%dma_wait3A_50 : memref<80x256xi32, #tpu.memory_space<hbm>>) dst(%arg15 : memref<80x256xi32, #tpu.memory_space<vmem>>)
        tpu.yield
      }) : () -> ()
      %mul3A_8 = arith.constant 80 : i32
      %mul3A_9 = arith.muli %arg1, %mul3A_8 : i32
      "tpu.region"() ({
        %run_scoped3A = tpu.sem_alloc : memref<!tpu.dma_semaphore, #tpu.memory_space<semaphore_mem>>
        %dma_start3A_44 = arith.constant 0 : i32
        %dma_start3A_45 = tpu.memref_slice %arg7[%mul3A_9, %dma_start3A_44] : memref<1280x256xi32, #tpu.memory_space<hbm>> -> memref<80x256xi32, #tpu.memory_space<hbm>>
        %dma_start3A_46 = arith.constant 0 : i32
        %dma_start3A_47 = tpu.memref_slice %arg7[%mul3A_9, %dma_start3A_46] : memref<1280x256xi32, #tpu.memory_space<hbm>> -> memref<80x256xi32, #tpu.memory_space<hbm>>
        tpu.enqueue_dma source(%dma_start3A_47 : memref<80x256xi32, #tpu.memory_space<hbm>>) target(%arg16 : memref<80x256xi32, #tpu.memory_space<vmem>>) target_semaphore(%run_scoped3A : memref<!tpu.dma_semaphore, #tpu.memory_space<semaphore_mem>>)
        %dma_wait3A = arith.constant 0 : i32
        %dma_wait3A_48 = tpu.memref_slice %arg7[%mul3A_9, %dma_wait3A] : memref<1280x256xi32, #tpu.memory_space<hbm>> -> memref<80x256xi32, #tpu.memory_space<hbm>>
        %dma_wait3A_49 = arith.constant 0 : i32
        %dma_wait3A_50 = tpu.memref_slice %arg7[%mul3A_9, %dma_wait3A_49] : memref<1280x256xi32, #tpu.memory_space<hbm>> -> memref<80x256xi32, #tpu.memory_space<hbm>>
        tpu.wait_dma2 semaphore(%run_scoped3A : memref<!tpu.dma_semaphore, #tpu.memory_space<semaphore_mem>>) src(%dma_wait3A_50 : memref<80x256xi32, #tpu.memory_space<hbm>>) dst(%arg16 : memref<80x256xi32, #tpu.memory_space<vmem>>)
        tpu.yield
      }) : () -> ()
      %mul3A_10 = arith.constant 632 : i32
      %mul3A_11 = arith.muli %arg1, %mul3A_10 : i32
      %mul3A_12 = arith.constant 632 : i32
      %mul3A_13 = arith.muli %arg1, %mul3A_12 : i32
      "tpu.region"() ({
        %run_scoped3A = tpu.sem_alloc : memref<!tpu.dma_semaphore, #tpu.memory_space<semaphore_mem>>
        %dma_start3A_44 = arith.constant 0 : i32
        %dma_start3A_45 = tpu.memref_slice %arg19[%mul3A_13, %dma_start3A_44] : memref<10112x128xbf16, #tpu.memory_space<vmem_shared>> -> memref<632x128xbf16, #tpu.memory_space<vmem_shared>>
        %dma_start3A_46 = arith.constant 0 : i32
        %dma_start3A_47 = tpu.memref_slice %arg8[%mul3A_11, %dma_start3A_46] : memref<10112x128xbf16, #tpu.memory_space<hbm>> -> memref<632x128xbf16, #tpu.memory_space<hbm>>
        tpu.enqueue_dma source(%dma_start3A_47 : memref<632x128xbf16, #tpu.memory_space<hbm>>) target(%dma_start3A_45 : memref<632x128xbf16, #tpu.memory_space<vmem_shared>>) target_semaphore(%run_scoped3A : memref<!tpu.dma_semaphore, #tpu.memory_space<semaphore_mem>>)
        %dma_wait3A = arith.constant 0 : i32
        %dma_wait3A_48 = tpu.memref_slice %arg19[%mul3A_13, %dma_wait3A] : memref<10112x128xbf16, #tpu.memory_space<vmem_shared>> -> memref<632x128xbf16, #tpu.memory_space<vmem_shared>>
        %dma_wait3A_49 = arith.constant 0 : i32
        %dma_wait3A_50 = tpu.memref_slice %arg8[%mul3A_11, %dma_wait3A_49] : memref<10112x128xbf16, #tpu.memory_space<hbm>> -> memref<632x128xbf16, #tpu.memory_space<hbm>>
        tpu.wait_dma2 semaphore(%run_scoped3A : memref<!tpu.dma_semaphore, #tpu.memory_space<semaphore_mem>>) src(%dma_wait3A_50 : memref<632x128xbf16, #tpu.memory_space<hbm>>) dst(%dma_wait3A_48 : memref<632x128xbf16, #tpu.memory_space<vmem_shared>>)
        tpu.yield
      }) : () -> ()
      "tpu.region"() ({
        %run_scoped3A = tpu.sem_alloc : memref<!tpu.dma_semaphore, #tpu.memory_space<semaphore_mem>>
        tpu.enqueue_dma source(%arg10 : memref<256x16xf32, #tpu.memory_space<hbm>>) target(%arg20 : memref<256x16xf32, #tpu.memory_space<vmem>>) target_semaphore(%run_scoped3A : memref<!tpu.dma_semaphore, #tpu.memory_space<semaphore_mem>>)
        tpu.wait_dma2 semaphore(%run_scoped3A : memref<!tpu.dma_semaphore, #tpu.memory_space<semaphore_mem>>) src(%arg10 : memref<256x16xf32, #tpu.memory_space<hbm>>) dst(%arg20 : memref<256x16xf32, #tpu.memory_space<vmem>>)
        tpu.yield
      }) : () -> ()
      %mul3A_14 = arith.constant 632 : i32
      %mul3A_15 = arith.muli %arg1, %mul3A_14 : i32
      %mul3A_16 = arith.constant 632 : i32
      %mul3A_17 = arith.muli %arg1, %mul3A_16 : i32
      "tpu.region"() ({
        %run_scoped3A = tpu.sem_alloc : memref<!tpu.dma_semaphore, #tpu.memory_space<semaphore_mem>>
        %dma_start3A_44 = arith.constant 0 : i32
        %dma_start3A_45 = tpu.memref_slice %arg25[%mul3A_17, %dma_start3A_44] : memref<10112x16xf32, #tpu.memory_space<vmem_shared>> -> memref<632x16xf32, #tpu.memory_space<vmem_shared>>
        %dma_start3A_46 = arith.constant 0 : i32
        %dma_start3A_47 = tpu.memref_slice %arg9[%mul3A_15, %dma_start3A_46] : memref<10112x16xf32, #tpu.memory_space<hbm>> -> memref<632x16xf32, #tpu.memory_space<hbm>>
        tpu.enqueue_dma source(%dma_start3A_47 : memref<632x16xf32, #tpu.memory_space<hbm>>) target(%dma_start3A_45 : memref<632x16xf32, #tpu.memory_space<vmem_shared>>) target_semaphore(%run_scoped3A : memref<!tpu.dma_semaphore, #tpu.memory_space<semaphore_mem>>)
        %dma_wait3A = arith.constant 0 : i32
        %dma_wait3A_48 = tpu.memref_slice %arg25[%mul3A_17, %dma_wait3A] : memref<10112x16xf32, #tpu.memory_space<vmem_shared>> -> memref<632x16xf32, #tpu.memory_space<vmem_shared>>
        %dma_wait3A_49 = arith.constant 0 : i32
        %dma_wait3A_50 = tpu.memref_slice %arg9[%mul3A_15, %dma_wait3A_49] : memref<10112x16xf32, #tpu.memory_space<hbm>> -> memref<632x16xf32, #tpu.memory_space<hbm>>
        tpu.wait_dma2 semaphore(%run_scoped3A : memref<!tpu.dma_semaphore, #tpu.memory_space<semaphore_mem>>) src(%dma_wait3A_50 : memref<632x16xf32, #tpu.memory_space<hbm>>) dst(%dma_wait3A_48 : memref<632x16xf32, #tpu.memory_space<vmem_shared>>)
        tpu.yield
      }) : () -> ()
      %barrier3A = arith.constant 0 : index
      tpu.barrier barrier_id(%barrier3A)
      %dma_start3A = arith.constant 0 : i32
      %dma_start3A_18 = arith.constant 0 : i32
      %dma_start3A_19 = tpu.memref_slice %arg15[%dma_start3A, %dma_start3A_18] : memref<80x256xi32, #tpu.memory_space<vmem>> -> memref<1x256xi32, #tpu.memory_space<vmem>>
      %dma_start3A_20 = tpu.memref_squeeze %dma_start3A_19 : memref<1x256xi32, #tpu.memory_space<vmem>> -> memref<256xi32, #tpu.memory_space<vmem>>
      %dma_start3A_21 = arith.constant 0 : i32
      %dma_start3A_22 = arith.constant 0 : i32
      %dma_start3A_23 = tpu.memref_slice %arg3[%dma_start3A_21, %dma_start3A_22] : memref<10000x128xbf16, #tpu.memory_space<hbm>> -> memref<10000x128xbf16, #tpu.memory_space<hbm>>
      tpu.enqueue_indirect_dma source(%dma_start3A_23 : memref<10000x128xbf16, #tpu.memory_space<hbm>>) target(%arg17 : memref<256x128xbf16, #tpu.memory_space<vmem>>) offsets(%dma_start3A_20 : memref<256xi32, #tpu.memory_space<vmem>>) semaphore(%arg21 : memref<!tpu.dma_semaphore, #tpu.memory_space<semaphore_mem>>)
      %dma_start3A_24 = arith.constant 1 : i32
      %dma_start3A_25 = arith.constant 0 : i32
      %dma_start3A_26 = tpu.memref_slice %arg15[%dma_start3A_24, %dma_start3A_25] : memref<80x256xi32, #tpu.memory_space<vmem>> -> memref<1x256xi32, #tpu.memory_space<vmem>>
      %dma_start3A_27 = tpu.memref_squeeze %dma_start3A_26 : memref<1x256xi32, #tpu.memory_space<vmem>> -> memref<256xi32, #tpu.memory_space<vmem>>
      %dma_start3A_28 = arith.constant 0 : i32
      %dma_start3A_29 = arith.constant 0 : i32
      %dma_start3A_30 = tpu.memref_slice %arg3[%dma_start3A_28, %dma_start3A_29] : memref<10000x128xbf16, #tpu.memory_space<hbm>> -> memref<10000x128xbf16, #tpu.memory_space<hbm>>
      tpu.enqueue_indirect_dma source(%dma_start3A_30 : memref<10000x128xbf16, #tpu.memory_space<hbm>>) target(%arg18 : memref<256x128xbf16, #tpu.memory_space<vmem>>) offsets(%dma_start3A_27 : memref<256xi32, #tpu.memory_space<vmem>>) semaphore(%arg22 : memref<!tpu.dma_semaphore, #tpu.memory_space<semaphore_mem>>)
      %scan3A = arith.constant 0 : i32
      %scan3A_31 = arith.constant 40 : i32
      %scan3A_32 = arith.addi %scan3A, %scan3A_31 : i32
      %scan3A_33 = arith.constant 1 : i32
      scf.for %scan3A_44 = %scan3A to %scan3A_32 step %scan3A_33  : i32 {
        %mul3A_45 = arith.constant 2 : i32
        %mul3A_46 = arith.muli %scan3A_44, %mul3A_45 : i32
        %add3A = arith.constant 0 : i32
        %add3A_47 = arith.addi %add3A, %mul3A_46 : i32
        %add3A_48 = arith.constant 0 : i32
        %add3A_49 = arith.addi %add3A_47, %add3A_48 : i32
        %dma_wait3A = arith.constant 0 : i32
        %dma_wait3A_50 = tpu.memref_slice %arg15[%add3A_49, %dma_wait3A] : memref<80x256xi32, #tpu.memory_space<vmem>> -> memref<1x256xi32, #tpu.memory_space<vmem>>
        %dma_wait3A_51 = tpu.memref_squeeze %dma_wait3A_50 : memref<1x256xi32, #tpu.memory_space<vmem>> -> memref<256xi32, #tpu.memory_space<vmem>>
        %dma_wait3A_52 = arith.constant 0 : i32
        %dma_wait3A_53 = arith.constant 0 : i32
        %dma_wait3A_54 = tpu.memref_slice %arg3[%dma_wait3A_52, %dma_wait3A_53] : memref<10000x128xbf16, #tpu.memory_space<hbm>> -> memref<10000x128xbf16, #tpu.memory_space<hbm>>
        tpu.wait_indirect_dma semaphore(%arg21 : memref<!tpu.dma_semaphore, #tpu.memory_space<semaphore_mem>>) src(%dma_wait3A_54 : memref<10000x128xbf16, #tpu.memory_space<hbm>>) dst(%arg17 : memref<256x128xbf16, #tpu.memory_space<vmem>>)
        %dma_start3A_55 = arith.constant 0 : i32
        %dma_start3A_56 = tpu.memref_slice %arg16[%add3A_49, %dma_start3A_55] : memref<80x256xi32, #tpu.memory_space<vmem>> -> memref<1x256xi32, #tpu.memory_space<vmem>>
        %dma_start3A_57 = tpu.memref_squeeze %dma_start3A_56 : memref<1x256xi32, #tpu.memory_space<vmem>> -> memref<256xi32, #tpu.memory_space<vmem>>
        %dma_start3A_58 = arith.constant 0 : i32
        %dma_start3A_59 = arith.constant 0 : i32
        %dma_start3A_60 = tpu.memref_slice %arg19[%dma_start3A_58, %dma_start3A_59] : memref<10112x128xbf16, #tpu.memory_space<vmem_shared>> -> memref<10112x128xbf16, #tpu.memory_space<vmem_shared>>
        tpu.enqueue_indirect_dma source(%arg17 : memref<256x128xbf16, #tpu.memory_space<vmem>>) target(%dma_start3A_60 : memref<10112x128xbf16, #tpu.memory_space<vmem_shared>>) offsets(%dma_start3A_57 : memref<256xi32, #tpu.memory_space<vmem>>) semaphore(%arg23 : memref<!tpu.dma_semaphore, #tpu.memory_space<semaphore_mem>>) {add = true}
        "tpu.region"() ({
          %run_scoped3A = tpu.sem_alloc : memref<!tpu.dma_semaphore, #tpu.memory_space<semaphore_mem>>
          %dma_start3A_100 = arith.constant 0 : i32
          %dma_start3A_101 = tpu.memref_slice %arg16[%add3A_49, %dma_start3A_100] : memref<80x256xi32, #tpu.memory_space<vmem>> -> memref<1x256xi32, #tpu.memory_space<vmem>>
          %dma_start3A_102 = tpu.memref_squeeze %dma_start3A_101 : memref<1x256xi32, #tpu.memory_space<vmem>> -> memref<256xi32, #tpu.memory_space<vmem>>
          %dma_start3A_103 = arith.constant 0 : i32
          %dma_start3A_104 = arith.constant 0 : i32
          %dma_start3A_105 = tpu.memref_slice %arg25[%dma_start3A_103, %dma_start3A_104] : memref<10112x16xf32, #tpu.memory_space<vmem_shared>> -> memref<10112x16xf32, #tpu.memory_space<vmem_shared>>
          tpu.enqueue_indirect_dma source(%arg20 : memref<256x16xf32, #tpu.memory_space<vmem>>) target(%dma_start3A_105 : memref<10112x16xf32, #tpu.memory_space<vmem_shared>>) offsets(%dma_start3A_102 : memref<256xi32, #tpu.memory_space<vmem>>) semaphore(%run_scoped3A : memref<!tpu.dma_semaphore, #tpu.memory_space<semaphore_mem>>) {add = true}
          %dma_wait3A_106 = arith.constant 0 : i32
          %dma_wait3A_107 = tpu.memref_slice %arg16[%add3A_49, %dma_wait3A_106] : memref<80x256xi32, #tpu.memory_space<vmem>> -> memref<1x256xi32, #tpu.memory_space<vmem>>
          %dma_wait3A_108 = tpu.memref_squeeze %dma_wait3A_107 : memref<1x256xi32, #tpu.memory_space<vmem>> -> memref<256xi32, #tpu.memory_space<vmem>>
          %dma_wait3A_109 = arith.constant 0 : i32
          %dma_wait3A_110 = arith.constant 0 : i32
          %dma_wait3A_111 = tpu.memref_slice %arg25[%dma_wait3A_109, %dma_wait3A_110] : memref<10112x16xf32, #tpu.memory_space<vmem_shared>> -> memref<10112x16xf32, #tpu.memory_space<vmem_shared>>
          tpu.wait_indirect_dma semaphore(%run_scoped3A : memref<!tpu.dma_semaphore, #tpu.memory_space<semaphore_mem>>) src(%arg20 : memref<256x16xf32, #tpu.memory_space<vmem>>) dst(%dma_wait3A_111 : memref<10112x16xf32, #tpu.memory_space<vmem_shared>>)
          tpu.yield
        }) : () -> ()
        %dma_wait3A_61 = arith.constant 0 : i32
        %dma_wait3A_62 = tpu.memref_slice %arg16[%add3A_49, %dma_wait3A_61] : memref<80x256xi32, #tpu.memory_space<vmem>> -> memref<1x256xi32, #tpu.memory_space<vmem>>
        %dma_wait3A_63 = tpu.memref_squeeze %dma_wait3A_62 : memref<1x256xi32, #tpu.memory_space<vmem>> -> memref<256xi32, #tpu.memory_space<vmem>>
        %dma_wait3A_64 = arith.constant 0 : i32
        %dma_wait3A_65 = arith.constant 0 : i32
        %dma_wait3A_66 = tpu.memref_slice %arg19[%dma_wait3A_64, %dma_wait3A_65] : memref<10112x128xbf16, #tpu.memory_space<vmem_shared>> -> memref<10112x128xbf16, #tpu.memory_space<vmem_shared>>
        tpu.wait_indirect_dma semaphore(%arg23 : memref<!tpu.dma_semaphore, #tpu.memory_space<semaphore_mem>>) src(%arg17 : memref<256x128xbf16, #tpu.memory_space<vmem>>) dst(%dma_wait3A_66 : memref<10112x128xbf16, #tpu.memory_space<vmem_shared>>)
        %add3A_67 = arith.constant 2 : i32
        %add3A_68 = arith.addi %add3A_49, %add3A_67 : i32
        %lt3A = arith.constant 80 : i32
        %lt3A_69 = arith.cmpi slt, %add3A_68, %lt3A : i32
        %convert_element_type3A_70 = arith.extui %lt3A_69 : i1 to i32
        %cond3A_71 = arith.constant 0 : i32
        %cond3A_72 = arith.cmpi ne, %convert_element_type3A_70, %cond3A_71 : i32
        scf.if %cond3A_72 {
          %add3A_100 = arith.constant 2 : i32
          %add3A_101 = arith.addi %add3A_49, %add3A_100 : i32
          %dma_start3A_102 = arith.constant 0 : i32
          %dma_start3A_103 = tpu.memref_slice %arg15[%add3A_101, %dma_start3A_102] : memref<80x256xi32, #tpu.memory_space<vmem>> -> memref<1x256xi32, #tpu.memory_space<vmem>>
          %dma_start3A_104 = tpu.memref_squeeze %dma_start3A_103 : memref<1x256xi32, #tpu.memory_space<vmem>> -> memref<256xi32, #tpu.memory_space<vmem>>
          %dma_start3A_105 = arith.constant 0 : i32
          %dma_start3A_106 = arith.constant 0 : i32
          %dma_start3A_107 = tpu.memref_slice %arg3[%dma_start3A_105, %dma_start3A_106] : memref<10000x128xbf16, #tpu.memory_space<hbm>> -> memref<10000x128xbf16, #tpu.memory_space<hbm>>
          tpu.enqueue_indirect_dma source(%dma_start3A_107 : memref<10000x128xbf16, #tpu.memory_space<hbm>>) target(%arg17 : memref<256x128xbf16, #tpu.memory_space<vmem>>) offsets(%dma_start3A_104 : memref<256xi32, #tpu.memory_space<vmem>>) semaphore(%arg21 : memref<!tpu.dma_semaphore, #tpu.memory_space<semaphore_mem>>)
        } else {
        }
        %add3A_73 = arith.constant 1 : i32
        %add3A_74 = arith.addi %add3A_47, %add3A_73 : i32
        %dma_wait3A_75 = arith.constant 0 : i32
        %dma_wait3A_76 = tpu.memref_slice %arg15[%add3A_74, %dma_wait3A_75] : memref<80x256xi32, #tpu.memory_space<vmem>> -> memref<1x256xi32, #tpu.memory_space<vmem>>
        %dma_wait3A_77 = tpu.memref_squeeze %dma_wait3A_76 : memref<1x256xi32, #tpu.memory_space<vmem>> -> memref<256xi32, #tpu.memory_space<vmem>>
        %dma_wait3A_78 = arith.constant 0 : i32
        %dma_wait3A_79 = arith.constant 0 : i32
        %dma_wait3A_80 = tpu.memref_slice %arg3[%dma_wait3A_78, %dma_wait3A_79] : memref<10000x128xbf16, #tpu.memory_space<hbm>> -> memref<10000x128xbf16, #tpu.memory_space<hbm>>
        tpu.wait_indirect_dma semaphore(%arg22 : memref<!tpu.dma_semaphore, #tpu.memory_space<semaphore_mem>>) src(%dma_wait3A_80 : memref<10000x128xbf16, #tpu.memory_space<hbm>>) dst(%arg18 : memref<256x128xbf16, #tpu.memory_space<vmem>>)
        %dma_start3A_81 = arith.constant 0 : i32
        %dma_start3A_82 = tpu.memref_slice %arg16[%add3A_74, %dma_start3A_81] : memref<80x256xi32, #tpu.memory_space<vmem>> -> memref<1x256xi32, #tpu.memory_space<vmem>>
        %dma_start3A_83 = tpu.memref_squeeze %dma_start3A_82 : memref<1x256xi32, #tpu.memory_space<vmem>> -> memref<256xi32, #tpu.memory_space<vmem>>
        %dma_start3A_84 = arith.constant 0 : i32
        %dma_start3A_85 = arith.constant 0 : i32
        %dma_start3A_86 = tpu.memref_slice %arg19[%dma_start3A_84, %dma_start3A_85] : memref<10112x128xbf16, #tpu.memory_space<vmem_shared>> -> memref<10112x128xbf16, #tpu.memory_space<vmem_shared>>
        tpu.enqueue_indirect_dma source(%arg18 : memref<256x128xbf16, #tpu.memory_space<vmem>>) target(%dma_start3A_86 : memref<10112x128xbf16, #tpu.memory_space<vmem_shared>>) offsets(%dma_start3A_83 : memref<256xi32, #tpu.memory_space<vmem>>) semaphore(%arg24 : memref<!tpu.dma_semaphore, #tpu.memory_space<semaphore_mem>>) {add = true}
        "tpu.region"() ({
          %run_scoped3A = tpu.sem_alloc : memref<!tpu.dma_semaphore, #tpu.memory_space<semaphore_mem>>
          %dma_start3A_100 = arith.constant 0 : i32
          %dma_start3A_101 = tpu.memref_slice %arg16[%add3A_74, %dma_start3A_100] : memref<80x256xi32, #tpu.memory_space<vmem>> -> memref<1x256xi32, #tpu.memory_space<vmem>>
          %dma_start3A_102 = tpu.memref_squeeze %dma_start3A_101 : memref<1x256xi32, #tpu.memory_space<vmem>> -> memref<256xi32, #tpu.memory_space<vmem>>
          %dma_start3A_103 = arith.constant 0 : i32
          %dma_start3A_104 = arith.constant 0 : i32
          %dma_start3A_105 = tpu.memref_slice %arg25[%dma_start3A_103, %dma_start3A_104] : memref<10112x16xf32, #tpu.memory_space<vmem_shared>> -> memref<10112x16xf32, #tpu.memory_space<vmem_shared>>
          tpu.enqueue_indirect_dma source(%arg20 : memref<256x16xf32, #tpu.memory_space<vmem>>) target(%dma_start3A_105 : memref<10112x16xf32, #tpu.memory_space<vmem_shared>>) offsets(%dma_start3A_102 : memref<256xi32, #tpu.memory_space<vmem>>) semaphore(%run_scoped3A : memref<!tpu.dma_semaphore, #tpu.memory_space<semaphore_mem>>) {add = true}
          %dma_wait3A_106 = arith.constant 0 : i32
          %dma_wait3A_107 = tpu.memref_slice %arg16[%add3A_74, %dma_wait3A_106] : memref<80x256xi32, #tpu.memory_space<vmem>> -> memref<1x256xi32, #tpu.memory_space<vmem>>
          %dma_wait3A_108 = tpu.memref_squeeze %dma_wait3A_107 : memref<1x256xi32, #tpu.memory_space<vmem>> -> memref<256xi32, #tpu.memory_space<vmem>>
          %dma_wait3A_109 = arith.constant 0 : i32
          %dma_wait3A_110 = arith.constant 0 : i32
          %dma_wait3A_111 = tpu.memref_slice %arg25[%dma_wait3A_109, %dma_wait3A_110] : memref<10112x16xf32, #tpu.memory_space<vmem_shared>> -> memref<10112x16xf32, #tpu.memory_space<vmem_shared>>
          tpu.wait_indirect_dma semaphore(%run_scoped3A : memref<!tpu.dma_semaphore, #tpu.memory_space<semaphore_mem>>) src(%arg20 : memref<256x16xf32, #tpu.memory_space<vmem>>) dst(%dma_wait3A_111 : memref<10112x16xf32, #tpu.memory_space<vmem_shared>>)
          tpu.yield
        }) : () -> ()
        %dma_wait3A_87 = arith.constant 0 : i32
        %dma_wait3A_88 = tpu.memref_slice %arg16[%add3A_74, %dma_wait3A_87] : memref<80x256xi32, #tpu.memory_space<vmem>> -> memref<1x256xi32, #tpu.memory_space<vmem>>
        %dma_wait3A_89 = tpu.memref_squeeze %dma_wait3A_88 : memref<1x256xi32, #tpu.memory_space<vmem>> -> memref<256xi32, #tpu.memory_space<vmem>>
        %dma_wait3A_90 = arith.constant 0 : i32
        %dma_wait3A_91 = arith.constant 0 : i32
        %dma_wait3A_92 = tpu.memref_slice %arg19[%dma_wait3A_90, %dma_wait3A_91] : memref<10112x128xbf16, #tpu.memory_space<vmem_shared>> -> memref<10112x128xbf16, #tpu.memory_space<vmem_shared>>
        tpu.wait_indirect_dma semaphore(%arg24 : memref<!tpu.dma_semaphore, #tpu.memory_space<semaphore_mem>>) src(%arg18 : memref<256x128xbf16, #tpu.memory_space<vmem>>) dst(%dma_wait3A_92 : memref<10112x128xbf16, #tpu.memory_space<vmem_shared>>)
        %add3A_93 = arith.constant 2 : i32
        %add3A_94 = arith.addi %add3A_74, %add3A_93 : i32
        %lt3A_95 = arith.constant 80 : i32
        %lt3A_96 = arith.cmpi slt, %add3A_94, %lt3A_95 : i32
        %convert_element_type3A_97 = arith.extui %lt3A_96 : i1 to i32
        %cond3A_98 = arith.constant 0 : i32
        %cond3A_99 = arith.cmpi ne, %convert_element_type3A_97, %cond3A_98 : i32
        scf.if %cond3A_99 {
          %add3A_100 = arith.constant 2 : i32
          %add3A_101 = arith.addi %add3A_74, %add3A_100 : i32
          %dma_start3A_102 = arith.constant 0 : i32
          %dma_start3A_103 = tpu.memref_slice %arg15[%add3A_101, %dma_start3A_102] : memref<80x256xi32, #tpu.memory_space<vmem>> -> memref<1x256xi32, #tpu.memory_space<vmem>>
          %dma_start3A_104 = tpu.memref_squeeze %dma_start3A_103 : memref<1x256xi32, #tpu.memory_space<vmem>> -> memref<256xi32, #tpu.memory_space<vmem>>
          %dma_start3A_105 = arith.constant 0 : i32
          %dma_start3A_106 = arith.constant 0 : i32
          %dma_start3A_107 = tpu.memref_slice %arg3[%dma_start3A_105, %dma_start3A_106] : memref<10000x128xbf16, #tpu.memory_space<hbm>> -> memref<10000x128xbf16, #tpu.memory_space<hbm>>
          tpu.enqueue_indirect_dma source(%dma_start3A_107 : memref<10000x128xbf16, #tpu.memory_space<hbm>>) target(%arg18 : memref<256x128xbf16, #tpu.memory_space<vmem>>) offsets(%dma_start3A_104 : memref<256xi32, #tpu.memory_space<vmem>>) semaphore(%arg22 : memref<!tpu.dma_semaphore, #tpu.memory_space<semaphore_mem>>)
        } else {
        }
      }
      %scan3A_34 = arith.constant 40 : i32
      %barrier3A_35 = arith.constant 0 : index
      tpu.barrier barrier_id(%barrier3A_35)
      %mul3A_36 = arith.constant 632 : i32
      %mul3A_37 = arith.muli %arg1, %mul3A_36 : i32
      %mul3A_38 = arith.constant 632 : i32
      %mul3A_39 = arith.muli %arg1, %mul3A_38 : i32
      "tpu.region"() ({
        %run_scoped3A = tpu.sem_alloc : memref<!tpu.dma_semaphore, #tpu.memory_space<semaphore_mem>>
        %dma_start3A_44 = arith.constant 0 : i32
        %dma_start3A_45 = tpu.memref_slice %arg12[%mul3A_39, %dma_start3A_44] : memref<10112x128xbf16, #tpu.memory_space<hbm>> -> memref<632x128xbf16, #tpu.memory_space<hbm>>
        %dma_start3A_46 = arith.constant 0 : i32
        %dma_start3A_47 = tpu.memref_slice %arg19[%mul3A_37, %dma_start3A_46] : memref<10112x128xbf16, #tpu.memory_space<vmem_shared>> -> memref<632x128xbf16, #tpu.memory_space<vmem_shared>>
        tpu.enqueue_dma source(%dma_start3A_47 : memref<632x128xbf16, #tpu.memory_space<vmem_shared>>) target(%dma_start3A_45 : memref<632x128xbf16, #tpu.memory_space<hbm>>) target_semaphore(%run_scoped3A : memref<!tpu.dma_semaphore, #tpu.memory_space<semaphore_mem>>)
        %dma_wait3A = arith.constant 0 : i32
        %dma_wait3A_48 = tpu.memref_slice %arg12[%mul3A_39, %dma_wait3A] : memref<10112x128xbf16, #tpu.memory_space<hbm>> -> memref<632x128xbf16, #tpu.memory_space<hbm>>
        %dma_wait3A_49 = arith.constant 0 : i32
        %dma_wait3A_50 = tpu.memref_slice %arg19[%mul3A_37, %dma_wait3A_49] : memref<10112x128xbf16, #tpu.memory_space<vmem_shared>> -> memref<632x128xbf16, #tpu.memory_space<vmem_shared>>
        tpu.wait_dma2 semaphore(%run_scoped3A : memref<!tpu.dma_semaphore, #tpu.memory_space<semaphore_mem>>) src(%dma_wait3A_50 : memref<632x128xbf16, #tpu.memory_space<vmem_shared>>) dst(%dma_wait3A_48 : memref<632x128xbf16, #tpu.memory_space<hbm>>)
        tpu.yield
      }) : () -> ()
      %mul3A_40 = arith.constant 632 : i32
      %mul3A_41 = arith.muli %arg1, %mul3A_40 : i32
      %mul3A_42 = arith.constant 632 : i32
      %mul3A_43 = arith.muli %arg1, %mul3A_42 : i32
      "tpu.region"() ({
        %run_scoped3A = tpu.sem_alloc : memref<!tpu.dma_semaphore, #tpu.memory_space<semaphore_mem>>
        %dma_start3A_44 = arith.constant 0 : i32
        %dma_start3A_45 = tpu.memref_slice %arg14[%mul3A_43, %dma_start3A_44] : memref<10112x16xf32, #tpu.memory_space<hbm>> -> memref<632x16xf32, #tpu.memory_space<hbm>>
        %dma_start3A_46 = arith.constant 0 : i32
        %dma_start3A_47 = tpu.memref_slice %arg25[%mul3A_41, %dma_start3A_46] : memref<10112x16xf32, #tpu.memory_space<vmem_shared>> -> memref<632x16xf32, #tpu.memory_space<vmem_shared>>
        tpu.enqueue_dma source(%dma_start3A_47 : memref<632x16xf32, #tpu.memory_space<vmem_shared>>) target(%dma_start3A_45 : memref<632x16xf32, #tpu.memory_space<hbm>>) target_semaphore(%run_scoped3A : memref<!tpu.dma_semaphore, #tpu.memory_space<semaphore_mem>>)
        %dma_wait3A = arith.constant 0 : i32
        %dma_wait3A_48 = tpu.memref_slice %arg14[%mul3A_43, %dma_wait3A] : memref<10112x16xf32, #tpu.memory_space<hbm>> -> memref<632x16xf32, #tpu.memory_space<hbm>>
        %dma_wait3A_49 = arith.constant 0 : i32
        %dma_wait3A_50 = tpu.memref_slice %arg25[%mul3A_41, %dma_wait3A_49] : memref<10112x16xf32, #tpu.memory_space<vmem_shared>> -> memref<632x16xf32, #tpu.memory_space<vmem_shared>>
        tpu.wait_dma2 semaphore(%run_scoped3A : memref<!tpu.dma_semaphore, #tpu.memory_space<semaphore_mem>>) src(%dma_wait3A_50 : memref<632x16xf32, #tpu.memory_space<vmem_shared>>) dst(%dma_wait3A_48 : memref<632x16xf32, #tpu.memory_space<hbm>>)
        tpu.yield
      }) : () -> ()
    } else {
    }
    return
  }
}

#map = affine_map<(d0, d1) -> (0, 0)>
module attributes {stable_mosaic.version = 14 : i64} {
  func.func @run(%arg0: i32, %arg1: i32, %arg2: memref<10000x128xbf16, #tpu.memory_space<hbm>>, %arg3: memref<10000x128xbf16, #tpu.memory_space<hbm>>, %arg4: memref<1280x256xi32, #tpu.memory_space<hbm>>, %arg5: memref<1280x256xi32, #tpu.memory_space<hbm>>, %arg6: memref<1280x256xi32, #tpu.memory_space<hbm>>, %arg7: memref<1280x256xi32, #tpu.memory_space<hbm>>, %arg8: memref<10112x128xbf16, #tpu.memory_space<hbm>>, %arg9: memref<10112x16xf32, #tpu.memory_space<hbm>>, %arg10: memref<256x16xf32, #tpu.memory_space<hbm>>, %arg11: memref<10112x128xbf16, #tpu.memory_space<hbm>>, %arg12: memref<10112x128xbf16, #tpu.memory_space<hbm>>, %arg13: memref<80x256xi32, #tpu.memory_space<vmem>>, %arg14: memref<80x256xi32, #tpu.memory_space<vmem>>, %arg15: memref<256x128xbf16, #tpu.memory_space<vmem>>, %arg16: memref<256x128xbf16, #tpu.memory_space<vmem>>, %arg17: memref<10112x128xbf16, #tpu.memory_space<vmem_shared>>, %arg18: memref<256x16xf32, #tpu.memory_space<vmem>>, %arg19: memref<!tpu.dma_semaphore, #tpu.memory_space<semaphore_mem>>, %arg20: memref<!tpu.dma_semaphore, #tpu.memory_space<semaphore_mem>>, %arg21: memref<!tpu.dma_semaphore, #tpu.memory_space<semaphore_mem>>, %arg22: memref<!tpu.dma_semaphore, #tpu.memory_space<semaphore_mem>>) attributes {dimension_semantics = [#tpu.dimension_semantics<core_parallel>, #tpu.dimension_semantics<subcore_parallel>], iteration_bounds = array<i64: 2, 16>, scalar_prefetch = 0 : i64, scratch_operands = 10 : i64, tpu.core_type = #tpu.core_type<sc_vector_subcore>, window_params = [{transform_indices = #map}, {transform_indices = #map}, {transform_indices = #map}, {transform_indices = #map}, {transform_indices = #map}, {transform_indices = #map}, {transform_indices = #map}, {transform_indices = #map}, {transform_indices = #map}, {transform_indices = #map}, {transform_indices = #map}]} {
    %eq3A = arith.constant 0 : i32
    %eq3A_0 = arith.cmpi eq, %arg0, %eq3A : i32
    %convert_element_type3A = arith.extui %eq3A_0 : i1 to i32
    %cond3A = arith.constant 0 : i32
    %cond3A_1 = arith.cmpi ne, %convert_element_type3A, %cond3A : i32
    scf.if %cond3A_1 {
      %mul3A = arith.constant 80 : i32
      %mul3A_7 = arith.muli %arg1, %mul3A : i32
      "tpu.region"() ({
        %run_scoped3A = tpu.sem_alloc : memref<!tpu.dma_semaphore, #tpu.memory_space<semaphore_mem>>
        %dma_start3A_36 = arith.constant 0 : i32
        %dma_start3A_37 = tpu.memref_slice %arg4[%mul3A_7, %dma_start3A_36] : memref<1280x256xi32, #tpu.memory_space<hbm>> -> memref<80x256xi32, #tpu.memory_space<hbm>>
        %dma_start3A_38 = arith.constant 0 : i32
        %dma_start3A_39 = tpu.memref_slice %arg4[%mul3A_7, %dma_start3A_38] : memref<1280x256xi32, #tpu.memory_space<hbm>> -> memref<80x256xi32, #tpu.memory_space<hbm>>
        tpu.enqueue_dma source(%dma_start3A_39 : memref<80x256xi32, #tpu.memory_space<hbm>>) target(%arg13 : memref<80x256xi32, #tpu.memory_space<vmem>>) target_semaphore(%run_scoped3A : memref<!tpu.dma_semaphore, #tpu.memory_space<semaphore_mem>>)
        %dma_wait3A = arith.constant 0 : i32
        %dma_wait3A_40 = tpu.memref_slice %arg4[%mul3A_7, %dma_wait3A] : memref<1280x256xi32, #tpu.memory_space<hbm>> -> memref<80x256xi32, #tpu.memory_space<hbm>>
        %dma_wait3A_41 = arith.constant 0 : i32
        %dma_wait3A_42 = tpu.memref_slice %arg4[%mul3A_7, %dma_wait3A_41] : memref<1280x256xi32, #tpu.memory_space<hbm>> -> memref<80x256xi32, #tpu.memory_space<hbm>>
        tpu.wait_dma2 semaphore(%run_scoped3A : memref<!tpu.dma_semaphore, #tpu.memory_space<semaphore_mem>>) src(%dma_wait3A_42 : memref<80x256xi32, #tpu.memory_space<hbm>>) dst(%arg13 : memref<80x256xi32, #tpu.memory_space<vmem>>)
        tpu.yield
      }) : () -> ()
      %mul3A_8 = arith.constant 80 : i32
      %mul3A_9 = arith.muli %arg1, %mul3A_8 : i32
      "tpu.region"() ({
        %run_scoped3A = tpu.sem_alloc : memref<!tpu.dma_semaphore, #tpu.memory_space<semaphore_mem>>
        %dma_start3A_36 = arith.constant 0 : i32
        %dma_start3A_37 = tpu.memref_slice %arg5[%mul3A_9, %dma_start3A_36] : memref<1280x256xi32, #tpu.memory_space<hbm>> -> memref<80x256xi32, #tpu.memory_space<hbm>>
        %dma_start3A_38 = arith.constant 0 : i32
        %dma_start3A_39 = tpu.memref_slice %arg5[%mul3A_9, %dma_start3A_38] : memref<1280x256xi32, #tpu.memory_space<hbm>> -> memref<80x256xi32, #tpu.memory_space<hbm>>
        tpu.enqueue_dma source(%dma_start3A_39 : memref<80x256xi32, #tpu.memory_space<hbm>>) target(%arg14 : memref<80x256xi32, #tpu.memory_space<vmem>>) target_semaphore(%run_scoped3A : memref<!tpu.dma_semaphore, #tpu.memory_space<semaphore_mem>>)
        %dma_wait3A = arith.constant 0 : i32
        %dma_wait3A_40 = tpu.memref_slice %arg5[%mul3A_9, %dma_wait3A] : memref<1280x256xi32, #tpu.memory_space<hbm>> -> memref<80x256xi32, #tpu.memory_space<hbm>>
        %dma_wait3A_41 = arith.constant 0 : i32
        %dma_wait3A_42 = tpu.memref_slice %arg5[%mul3A_9, %dma_wait3A_41] : memref<1280x256xi32, #tpu.memory_space<hbm>> -> memref<80x256xi32, #tpu.memory_space<hbm>>
        tpu.wait_dma2 semaphore(%run_scoped3A : memref<!tpu.dma_semaphore, #tpu.memory_space<semaphore_mem>>) src(%dma_wait3A_42 : memref<80x256xi32, #tpu.memory_space<hbm>>) dst(%arg14 : memref<80x256xi32, #tpu.memory_space<vmem>>)
        tpu.yield
      }) : () -> ()
      %mul3A_10 = arith.constant 632 : i32
      %mul3A_11 = arith.muli %arg1, %mul3A_10 : i32
      %mul3A_12 = arith.constant 632 : i32
      %mul3A_13 = arith.muli %arg1, %mul3A_12 : i32
      "tpu.region"() ({
        %run_scoped3A = tpu.sem_alloc : memref<!tpu.dma_semaphore, #tpu.memory_space<semaphore_mem>>
        %dma_start3A_36 = arith.constant 0 : i32
        %dma_start3A_37 = tpu.memref_slice %arg17[%mul3A_13, %dma_start3A_36] : memref<10112x128xbf16, #tpu.memory_space<vmem_shared>> -> memref<632x128xbf16, #tpu.memory_space<vmem_shared>>
        %dma_start3A_38 = arith.constant 0 : i32
        %dma_start3A_39 = tpu.memref_slice %arg8[%mul3A_11, %dma_start3A_38] : memref<10112x128xbf16, #tpu.memory_space<hbm>> -> memref<632x128xbf16, #tpu.memory_space<hbm>>
        tpu.enqueue_dma source(%dma_start3A_39 : memref<632x128xbf16, #tpu.memory_space<hbm>>) target(%dma_start3A_37 : memref<632x128xbf16, #tpu.memory_space<vmem_shared>>) target_semaphore(%run_scoped3A : memref<!tpu.dma_semaphore, #tpu.memory_space<semaphore_mem>>)
        %dma_wait3A = arith.constant 0 : i32
        %dma_wait3A_40 = tpu.memref_slice %arg17[%mul3A_13, %dma_wait3A] : memref<10112x128xbf16, #tpu.memory_space<vmem_shared>> -> memref<632x128xbf16, #tpu.memory_space<vmem_shared>>
        %dma_wait3A_41 = arith.constant 0 : i32
        %dma_wait3A_42 = tpu.memref_slice %arg8[%mul3A_11, %dma_wait3A_41] : memref<10112x128xbf16, #tpu.memory_space<hbm>> -> memref<632x128xbf16, #tpu.memory_space<hbm>>
        tpu.wait_dma2 semaphore(%run_scoped3A : memref<!tpu.dma_semaphore, #tpu.memory_space<semaphore_mem>>) src(%dma_wait3A_42 : memref<632x128xbf16, #tpu.memory_space<hbm>>) dst(%dma_wait3A_40 : memref<632x128xbf16, #tpu.memory_space<vmem_shared>>)
        tpu.yield
      }) : () -> ()
      %barrier3A = arith.constant 0 : index
      tpu.barrier barrier_id(%barrier3A)
      %dma_start3A = arith.constant 0 : i32
      %dma_start3A_14 = arith.constant 0 : i32
      %dma_start3A_15 = tpu.memref_slice %arg13[%dma_start3A, %dma_start3A_14] : memref<80x256xi32, #tpu.memory_space<vmem>> -> memref<1x256xi32, #tpu.memory_space<vmem>>
      %dma_start3A_16 = tpu.memref_squeeze %dma_start3A_15 : memref<1x256xi32, #tpu.memory_space<vmem>> -> memref<256xi32, #tpu.memory_space<vmem>>
      %dma_start3A_17 = arith.constant 0 : i32
      %dma_start3A_18 = arith.constant 0 : i32
      %dma_start3A_19 = tpu.memref_slice %arg2[%dma_start3A_17, %dma_start3A_18] : memref<10000x128xbf16, #tpu.memory_space<hbm>> -> memref<10000x128xbf16, #tpu.memory_space<hbm>>
      tpu.enqueue_indirect_dma source(%dma_start3A_19 : memref<10000x128xbf16, #tpu.memory_space<hbm>>) target(%arg15 : memref<256x128xbf16, #tpu.memory_space<vmem>>) offsets(%dma_start3A_16 : memref<256xi32, #tpu.memory_space<vmem>>) semaphore(%arg19 : memref<!tpu.dma_semaphore, #tpu.memory_space<semaphore_mem>>)
      %dma_start3A_20 = arith.constant 1 : i32
      %dma_start3A_21 = arith.constant 0 : i32
      %dma_start3A_22 = tpu.memref_slice %arg13[%dma_start3A_20, %dma_start3A_21] : memref<80x256xi32, #tpu.memory_space<vmem>> -> memref<1x256xi32, #tpu.memory_space<vmem>>
      %dma_start3A_23 = tpu.memref_squeeze %dma_start3A_22 : memref<1x256xi32, #tpu.memory_space<vmem>> -> memref<256xi32, #tpu.memory_space<vmem>>
      %dma_start3A_24 = arith.constant 0 : i32
      %dma_start3A_25 = arith.constant 0 : i32
      %dma_start3A_26 = tpu.memref_slice %arg2[%dma_start3A_24, %dma_start3A_25] : memref<10000x128xbf16, #tpu.memory_space<hbm>> -> memref<10000x128xbf16, #tpu.memory_space<hbm>>
      tpu.enqueue_indirect_dma source(%dma_start3A_26 : memref<10000x128xbf16, #tpu.memory_space<hbm>>) target(%arg16 : memref<256x128xbf16, #tpu.memory_space<vmem>>) offsets(%dma_start3A_23 : memref<256xi32, #tpu.memory_space<vmem>>) semaphore(%arg20 : memref<!tpu.dma_semaphore, #tpu.memory_space<semaphore_mem>>)
      %scan3A = arith.constant 0 : i32
      %scan3A_27 = arith.constant 40 : i32
      %scan3A_28 = arith.addi %scan3A, %scan3A_27 : i32
      %scan3A_29 = arith.constant 1 : i32
      scf.for %scan3A_36 = %scan3A to %scan3A_28 step %scan3A_29  : i32 {
        %mul3A_37 = arith.constant 2 : i32
        %mul3A_38 = arith.muli %scan3A_36, %mul3A_37 : i32
        %add3A = arith.constant 0 : i32
        %add3A_39 = arith.addi %add3A, %mul3A_38 : i32
        %add3A_40 = arith.constant 0 : i32
        %add3A_41 = arith.addi %add3A_39, %add3A_40 : i32
        %dma_wait3A = arith.constant 0 : i32
        %dma_wait3A_42 = tpu.memref_slice %arg13[%add3A_41, %dma_wait3A] : memref<80x256xi32, #tpu.memory_space<vmem>> -> memref<1x256xi32, #tpu.memory_space<vmem>>
        %dma_wait3A_43 = tpu.memref_squeeze %dma_wait3A_42 : memref<1x256xi32, #tpu.memory_space<vmem>> -> memref<256xi32, #tpu.memory_space<vmem>>
        %dma_wait3A_44 = arith.constant 0 : i32
        %dma_wait3A_45 = arith.constant 0 : i32
        %dma_wait3A_46 = tpu.memref_slice %arg2[%dma_wait3A_44, %dma_wait3A_45] : memref<10000x128xbf16, #tpu.memory_space<hbm>> -> memref<10000x128xbf16, #tpu.memory_space<hbm>>
        tpu.wait_indirect_dma semaphore(%arg19 : memref<!tpu.dma_semaphore, #tpu.memory_space<semaphore_mem>>) src(%dma_wait3A_46 : memref<10000x128xbf16, #tpu.memory_space<hbm>>) dst(%arg15 : memref<256x128xbf16, #tpu.memory_space<vmem>>)
        %dma_start3A_47 = arith.constant 0 : i32
        %dma_start3A_48 = tpu.memref_slice %arg14[%add3A_41, %dma_start3A_47] : memref<80x256xi32, #tpu.memory_space<vmem>> -> memref<1x256xi32, #tpu.memory_space<vmem>>
        %dma_start3A_49 = tpu.memref_squeeze %dma_start3A_48 : memref<1x256xi32, #tpu.memory_space<vmem>> -> memref<256xi32, #tpu.memory_space<vmem>>
        %dma_start3A_50 = arith.constant 0 : i32
        %dma_start3A_51 = arith.constant 0 : i32
        %dma_start3A_52 = tpu.memref_slice %arg17[%dma_start3A_50, %dma_start3A_51] : memref<10112x128xbf16, #tpu.memory_space<vmem_shared>> -> memref<10112x128xbf16, #tpu.memory_space<vmem_shared>>
        tpu.enqueue_indirect_dma source(%arg15 : memref<256x128xbf16, #tpu.memory_space<vmem>>) target(%dma_start3A_52 : memref<10112x128xbf16, #tpu.memory_space<vmem_shared>>) offsets(%dma_start3A_49 : memref<256xi32, #tpu.memory_space<vmem>>) semaphore(%arg21 : memref<!tpu.dma_semaphore, #tpu.memory_space<semaphore_mem>>) {add = true}
        %dma_wait3A_53 = arith.constant 0 : i32
        %dma_wait3A_54 = tpu.memref_slice %arg14[%add3A_41, %dma_wait3A_53] : memref<80x256xi32, #tpu.memory_space<vmem>> -> memref<1x256xi32, #tpu.memory_space<vmem>>
        %dma_wait3A_55 = tpu.memref_squeeze %dma_wait3A_54 : memref<1x256xi32, #tpu.memory_space<vmem>> -> memref<256xi32, #tpu.memory_space<vmem>>
        %dma_wait3A_56 = arith.constant 0 : i32
        %dma_wait3A_57 = arith.constant 0 : i32
        %dma_wait3A_58 = tpu.memref_slice %arg17[%dma_wait3A_56, %dma_wait3A_57] : memref<10112x128xbf16, #tpu.memory_space<vmem_shared>> -> memref<10112x128xbf16, #tpu.memory_space<vmem_shared>>
        tpu.wait_indirect_dma semaphore(%arg21 : memref<!tpu.dma_semaphore, #tpu.memory_space<semaphore_mem>>) src(%arg15 : memref<256x128xbf16, #tpu.memory_space<vmem>>) dst(%dma_wait3A_58 : memref<10112x128xbf16, #tpu.memory_space<vmem_shared>>)
        %add3A_59 = arith.constant 2 : i32
        %add3A_60 = arith.addi %add3A_41, %add3A_59 : i32
        %lt3A = arith.constant 80 : i32
        %lt3A_61 = arith.cmpi slt, %add3A_60, %lt3A : i32
        %convert_element_type3A_62 = arith.extui %lt3A_61 : i1 to i32
        %cond3A_63 = arith.constant 0 : i32
        %cond3A_64 = arith.cmpi ne, %convert_element_type3A_62, %cond3A_63 : i32
        scf.if %cond3A_64 {
          %add3A_92 = arith.constant 2 : i32
          %add3A_93 = arith.addi %add3A_41, %add3A_92 : i32
          %dma_start3A_94 = arith.constant 0 : i32
          %dma_start3A_95 = tpu.memref_slice %arg13[%add3A_93, %dma_start3A_94] : memref<80x256xi32, #tpu.memory_space<vmem>> -> memref<1x256xi32, #tpu.memory_space<vmem>>
          %dma_start3A_96 = tpu.memref_squeeze %dma_start3A_95 : memref<1x256xi32, #tpu.memory_space<vmem>> -> memref<256xi32, #tpu.memory_space<vmem>>
          %dma_start3A_97 = arith.constant 0 : i32
          %dma_start3A_98 = arith.constant 0 : i32
          %dma_start3A_99 = tpu.memref_slice %arg2[%dma_start3A_97, %dma_start3A_98] : memref<10000x128xbf16, #tpu.memory_space<hbm>> -> memref<10000x128xbf16, #tpu.memory_space<hbm>>
          tpu.enqueue_indirect_dma source(%dma_start3A_99 : memref<10000x128xbf16, #tpu.memory_space<hbm>>) target(%arg15 : memref<256x128xbf16, #tpu.memory_space<vmem>>) offsets(%dma_start3A_96 : memref<256xi32, #tpu.memory_space<vmem>>) semaphore(%arg19 : memref<!tpu.dma_semaphore, #tpu.memory_space<semaphore_mem>>)
        } else {
        }
        %add3A_65 = arith.constant 1 : i32
        %add3A_66 = arith.addi %add3A_39, %add3A_65 : i32
        %dma_wait3A_67 = arith.constant 0 : i32
        %dma_wait3A_68 = tpu.memref_slice %arg13[%add3A_66, %dma_wait3A_67] : memref<80x256xi32, #tpu.memory_space<vmem>> -> memref<1x256xi32, #tpu.memory_space<vmem>>
        %dma_wait3A_69 = tpu.memref_squeeze %dma_wait3A_68 : memref<1x256xi32, #tpu.memory_space<vmem>> -> memref<256xi32, #tpu.memory_space<vmem>>
        %dma_wait3A_70 = arith.constant 0 : i32
        %dma_wait3A_71 = arith.constant 0 : i32
        %dma_wait3A_72 = tpu.memref_slice %arg2[%dma_wait3A_70, %dma_wait3A_71] : memref<10000x128xbf16, #tpu.memory_space<hbm>> -> memref<10000x128xbf16, #tpu.memory_space<hbm>>
        tpu.wait_indirect_dma semaphore(%arg20 : memref<!tpu.dma_semaphore, #tpu.memory_space<semaphore_mem>>) src(%dma_wait3A_72 : memref<10000x128xbf16, #tpu.memory_space<hbm>>) dst(%arg16 : memref<256x128xbf16, #tpu.memory_space<vmem>>)
        %dma_start3A_73 = arith.constant 0 : i32
        %dma_start3A_74 = tpu.memref_slice %arg14[%add3A_66, %dma_start3A_73] : memref<80x256xi32, #tpu.memory_space<vmem>> -> memref<1x256xi32, #tpu.memory_space<vmem>>
        %dma_start3A_75 = tpu.memref_squeeze %dma_start3A_74 : memref<1x256xi32, #tpu.memory_space<vmem>> -> memref<256xi32, #tpu.memory_space<vmem>>
        %dma_start3A_76 = arith.constant 0 : i32
        %dma_start3A_77 = arith.constant 0 : i32
        %dma_start3A_78 = tpu.memref_slice %arg17[%dma_start3A_76, %dma_start3A_77] : memref<10112x128xbf16, #tpu.memory_space<vmem_shared>> -> memref<10112x128xbf16, #tpu.memory_space<vmem_shared>>
        tpu.enqueue_indirect_dma source(%arg16 : memref<256x128xbf16, #tpu.memory_space<vmem>>) target(%dma_start3A_78 : memref<10112x128xbf16, #tpu.memory_space<vmem_shared>>) offsets(%dma_start3A_75 : memref<256xi32, #tpu.memory_space<vmem>>) semaphore(%arg22 : memref<!tpu.dma_semaphore, #tpu.memory_space<semaphore_mem>>) {add = true}
        %dma_wait3A_79 = arith.constant 0 : i32
        %dma_wait3A_80 = tpu.memref_slice %arg14[%add3A_66, %dma_wait3A_79] : memref<80x256xi32, #tpu.memory_space<vmem>> -> memref<1x256xi32, #tpu.memory_space<vmem>>
        %dma_wait3A_81 = tpu.memref_squeeze %dma_wait3A_80 : memref<1x256xi32, #tpu.memory_space<vmem>> -> memref<256xi32, #tpu.memory_space<vmem>>
        %dma_wait3A_82 = arith.constant 0 : i32
        %dma_wait3A_83 = arith.constant 0 : i32
        %dma_wait3A_84 = tpu.memref_slice %arg17[%dma_wait3A_82, %dma_wait3A_83] : memref<10112x128xbf16, #tpu.memory_space<vmem_shared>> -> memref<10112x128xbf16, #tpu.memory_space<vmem_shared>>
        tpu.wait_indirect_dma semaphore(%arg22 : memref<!tpu.dma_semaphore, #tpu.memory_space<semaphore_mem>>) src(%arg16 : memref<256x128xbf16, #tpu.memory_space<vmem>>) dst(%dma_wait3A_84 : memref<10112x128xbf16, #tpu.memory_space<vmem_shared>>)
        %add3A_85 = arith.constant 2 : i32
        %add3A_86 = arith.addi %add3A_66, %add3A_85 : i32
        %lt3A_87 = arith.constant 80 : i32
        %lt3A_88 = arith.cmpi slt, %add3A_86, %lt3A_87 : i32
        %convert_element_type3A_89 = arith.extui %lt3A_88 : i1 to i32
        %cond3A_90 = arith.constant 0 : i32
        %cond3A_91 = arith.cmpi ne, %convert_element_type3A_89, %cond3A_90 : i32
        scf.if %cond3A_91 {
          %add3A_92 = arith.constant 2 : i32
          %add3A_93 = arith.addi %add3A_66, %add3A_92 : i32
          %dma_start3A_94 = arith.constant 0 : i32
          %dma_start3A_95 = tpu.memref_slice %arg13[%add3A_93, %dma_start3A_94] : memref<80x256xi32, #tpu.memory_space<vmem>> -> memref<1x256xi32, #tpu.memory_space<vmem>>
          %dma_start3A_96 = tpu.memref_squeeze %dma_start3A_95 : memref<1x256xi32, #tpu.memory_space<vmem>> -> memref<256xi32, #tpu.memory_space<vmem>>
          %dma_start3A_97 = arith.constant 0 : i32
          %dma_start3A_98 = arith.constant 0 : i32
          %dma_start3A_99 = tpu.memref_slice %arg2[%dma_start3A_97, %dma_start3A_98] : memref<10000x128xbf16, #tpu.memory_space<hbm>> -> memref<10000x128xbf16, #tpu.memory_space<hbm>>
          tpu.enqueue_indirect_dma source(%dma_start3A_99 : memref<10000x128xbf16, #tpu.memory_space<hbm>>) target(%arg16 : memref<256x128xbf16, #tpu.memory_space<vmem>>) offsets(%dma_start3A_96 : memref<256xi32, #tpu.memory_space<vmem>>) semaphore(%arg20 : memref<!tpu.dma_semaphore, #tpu.memory_space<semaphore_mem>>)
        } else {
        }
      }
      %scan3A_30 = arith.constant 40 : i32
      %barrier3A_31 = arith.constant 0 : index
      tpu.barrier barrier_id(%barrier3A_31)
      %mul3A_32 = arith.constant 632 : i32
      %mul3A_33 = arith.muli %arg1, %mul3A_32 : i32
      %mul3A_34 = arith.constant 632 : i32
      %mul3A_35 = arith.muli %arg1, %mul3A_34 : i32
      "tpu.region"() ({
        %run_scoped3A = tpu.sem_alloc : memref<!tpu.dma_semaphore, #tpu.memory_space<semaphore_mem>>
        %dma_start3A_36 = arith.constant 0 : i32
        %dma_start3A_37 = tpu.memref_slice %arg11[%mul3A_35, %dma_start3A_36] : memref<10112x128xbf16, #tpu.memory_space<hbm>> -> memref<632x128xbf16, #tpu.memory_space<hbm>>
        %dma_start3A_38 = arith.constant 0 : i32
        %dma_start3A_39 = tpu.memref_slice %arg17[%mul3A_33, %dma_start3A_38] : memref<10112x128xbf16, #tpu.memory_space<vmem_shared>> -> memref<632x128xbf16, #tpu.memory_space<vmem_shared>>
        tpu.enqueue_dma source(%dma_start3A_39 : memref<632x128xbf16, #tpu.memory_space<vmem_shared>>) target(%dma_start3A_37 : memref<632x128xbf16, #tpu.memory_space<hbm>>) target_semaphore(%run_scoped3A : memref<!tpu.dma_semaphore, #tpu.memory_space<semaphore_mem>>)
        %dma_wait3A = arith.constant 0 : i32
        %dma_wait3A_40 = tpu.memref_slice %arg11[%mul3A_35, %dma_wait3A] : memref<10112x128xbf16, #tpu.memory_space<hbm>> -> memref<632x128xbf16, #tpu.memory_space<hbm>>
        %dma_wait3A_41 = arith.constant 0 : i32
        %dma_wait3A_42 = tpu.memref_slice %arg17[%mul3A_33, %dma_wait3A_41] : memref<10112x128xbf16, #tpu.memory_space<vmem_shared>> -> memref<632x128xbf16, #tpu.memory_space<vmem_shared>>
        tpu.wait_dma2 semaphore(%run_scoped3A : memref<!tpu.dma_semaphore, #tpu.memory_space<semaphore_mem>>) src(%dma_wait3A_42 : memref<632x128xbf16, #tpu.memory_space<vmem_shared>>) dst(%dma_wait3A_40 : memref<632x128xbf16, #tpu.memory_space<hbm>>)
        tpu.yield
      }) : () -> ()
    } else {
    }
    %eq3A_2 = arith.constant 1 : i32
    %eq3A_3 = arith.cmpi eq, %arg0, %eq3A_2 : i32
    %convert_element_type3A_4 = arith.extui %eq3A_3 : i1 to i32
    %cond3A_5 = arith.constant 0 : i32
    %cond3A_6 = arith.cmpi ne, %convert_element_type3A_4, %cond3A_5 : i32
    scf.if %cond3A_6 {
      %mul3A = arith.constant 80 : i32
      %mul3A_7 = arith.muli %arg1, %mul3A : i32
      "tpu.region"() ({
        %run_scoped3A = tpu.sem_alloc : memref<!tpu.dma_semaphore, #tpu.memory_space<semaphore_mem>>
        %dma_start3A_36 = arith.constant 0 : i32
        %dma_start3A_37 = tpu.memref_slice %arg6[%mul3A_7, %dma_start3A_36] : memref<1280x256xi32, #tpu.memory_space<hbm>> -> memref<80x256xi32, #tpu.memory_space<hbm>>
        %dma_start3A_38 = arith.constant 0 : i32
        %dma_start3A_39 = tpu.memref_slice %arg6[%mul3A_7, %dma_start3A_38] : memref<1280x256xi32, #tpu.memory_space<hbm>> -> memref<80x256xi32, #tpu.memory_space<hbm>>
        tpu.enqueue_dma source(%dma_start3A_39 : memref<80x256xi32, #tpu.memory_space<hbm>>) target(%arg13 : memref<80x256xi32, #tpu.memory_space<vmem>>) target_semaphore(%run_scoped3A : memref<!tpu.dma_semaphore, #tpu.memory_space<semaphore_mem>>)
        %dma_wait3A = arith.constant 0 : i32
        %dma_wait3A_40 = tpu.memref_slice %arg6[%mul3A_7, %dma_wait3A] : memref<1280x256xi32, #tpu.memory_space<hbm>> -> memref<80x256xi32, #tpu.memory_space<hbm>>
        %dma_wait3A_41 = arith.constant 0 : i32
        %dma_wait3A_42 = tpu.memref_slice %arg6[%mul3A_7, %dma_wait3A_41] : memref<1280x256xi32, #tpu.memory_space<hbm>> -> memref<80x256xi32, #tpu.memory_space<hbm>>
        tpu.wait_dma2 semaphore(%run_scoped3A : memref<!tpu.dma_semaphore, #tpu.memory_space<semaphore_mem>>) src(%dma_wait3A_42 : memref<80x256xi32, #tpu.memory_space<hbm>>) dst(%arg13 : memref<80x256xi32, #tpu.memory_space<vmem>>)
        tpu.yield
      }) : () -> ()
      %mul3A_8 = arith.constant 80 : i32
      %mul3A_9 = arith.muli %arg1, %mul3A_8 : i32
      "tpu.region"() ({
        %run_scoped3A = tpu.sem_alloc : memref<!tpu.dma_semaphore, #tpu.memory_space<semaphore_mem>>
        %dma_start3A_36 = arith.constant 0 : i32
        %dma_start3A_37 = tpu.memref_slice %arg7[%mul3A_9, %dma_start3A_36] : memref<1280x256xi32, #tpu.memory_space<hbm>> -> memref<80x256xi32, #tpu.memory_space<hbm>>
        %dma_start3A_38 = arith.constant 0 : i32
        %dma_start3A_39 = tpu.memref_slice %arg7[%mul3A_9, %dma_start3A_38] : memref<1280x256xi32, #tpu.memory_space<hbm>> -> memref<80x256xi32, #tpu.memory_space<hbm>>
        tpu.enqueue_dma source(%dma_start3A_39 : memref<80x256xi32, #tpu.memory_space<hbm>>) target(%arg14 : memref<80x256xi32, #tpu.memory_space<vmem>>) target_semaphore(%run_scoped3A : memref<!tpu.dma_semaphore, #tpu.memory_space<semaphore_mem>>)
        %dma_wait3A = arith.constant 0 : i32
        %dma_wait3A_40 = tpu.memref_slice %arg7[%mul3A_9, %dma_wait3A] : memref<1280x256xi32, #tpu.memory_space<hbm>> -> memref<80x256xi32, #tpu.memory_space<hbm>>
        %dma_wait3A_41 = arith.constant 0 : i32
        %dma_wait3A_42 = tpu.memref_slice %arg7[%mul3A_9, %dma_wait3A_41] : memref<1280x256xi32, #tpu.memory_space<hbm>> -> memref<80x256xi32, #tpu.memory_space<hbm>>
        tpu.wait_dma2 semaphore(%run_scoped3A : memref<!tpu.dma_semaphore, #tpu.memory_space<semaphore_mem>>) src(%dma_wait3A_42 : memref<80x256xi32, #tpu.memory_space<hbm>>) dst(%arg14 : memref<80x256xi32, #tpu.memory_space<vmem>>)
        tpu.yield
      }) : () -> ()
      %mul3A_10 = arith.constant 632 : i32
      %mul3A_11 = arith.muli %arg1, %mul3A_10 : i32
      %mul3A_12 = arith.constant 632 : i32
      %mul3A_13 = arith.muli %arg1, %mul3A_12 : i32
      "tpu.region"() ({
        %run_scoped3A = tpu.sem_alloc : memref<!tpu.dma_semaphore, #tpu.memory_space<semaphore_mem>>
        %dma_start3A_36 = arith.constant 0 : i32
        %dma_start3A_37 = tpu.memref_slice %arg17[%mul3A_13, %dma_start3A_36] : memref<10112x128xbf16, #tpu.memory_space<vmem_shared>> -> memref<632x128xbf16, #tpu.memory_space<vmem_shared>>
        %dma_start3A_38 = arith.constant 0 : i32
        %dma_start3A_39 = tpu.memref_slice %arg8[%mul3A_11, %dma_start3A_38] : memref<10112x128xbf16, #tpu.memory_space<hbm>> -> memref<632x128xbf16, #tpu.memory_space<hbm>>
        tpu.enqueue_dma source(%dma_start3A_39 : memref<632x128xbf16, #tpu.memory_space<hbm>>) target(%dma_start3A_37 : memref<632x128xbf16, #tpu.memory_space<vmem_shared>>) target_semaphore(%run_scoped3A : memref<!tpu.dma_semaphore, #tpu.memory_space<semaphore_mem>>)
        %dma_wait3A = arith.constant 0 : i32
        %dma_wait3A_40 = tpu.memref_slice %arg17[%mul3A_13, %dma_wait3A] : memref<10112x128xbf16, #tpu.memory_space<vmem_shared>> -> memref<632x128xbf16, #tpu.memory_space<vmem_shared>>
        %dma_wait3A_41 = arith.constant 0 : i32
        %dma_wait3A_42 = tpu.memref_slice %arg8[%mul3A_11, %dma_wait3A_41] : memref<10112x128xbf16, #tpu.memory_space<hbm>> -> memref<632x128xbf16, #tpu.memory_space<hbm>>
        tpu.wait_dma2 semaphore(%run_scoped3A : memref<!tpu.dma_semaphore, #tpu.memory_space<semaphore_mem>>) src(%dma_wait3A_42 : memref<632x128xbf16, #tpu.memory_space<hbm>>) dst(%dma_wait3A_40 : memref<632x128xbf16, #tpu.memory_space<vmem_shared>>)
        tpu.yield
      }) : () -> ()
      %barrier3A = arith.constant 0 : index
      tpu.barrier barrier_id(%barrier3A)
      %dma_start3A = arith.constant 0 : i32
      %dma_start3A_14 = arith.constant 0 : i32
      %dma_start3A_15 = tpu.memref_slice %arg13[%dma_start3A, %dma_start3A_14] : memref<80x256xi32, #tpu.memory_space<vmem>> -> memref<1x256xi32, #tpu.memory_space<vmem>>
      %dma_start3A_16 = tpu.memref_squeeze %dma_start3A_15 : memref<1x256xi32, #tpu.memory_space<vmem>> -> memref<256xi32, #tpu.memory_space<vmem>>
      %dma_start3A_17 = arith.constant 0 : i32
      %dma_start3A_18 = arith.constant 0 : i32
      %dma_start3A_19 = tpu.memref_slice %arg3[%dma_start3A_17, %dma_start3A_18] : memref<10000x128xbf16, #tpu.memory_space<hbm>> -> memref<10000x128xbf16, #tpu.memory_space<hbm>>
      tpu.enqueue_indirect_dma source(%dma_start3A_19 : memref<10000x128xbf16, #tpu.memory_space<hbm>>) target(%arg15 : memref<256x128xbf16, #tpu.memory_space<vmem>>) offsets(%dma_start3A_16 : memref<256xi32, #tpu.memory_space<vmem>>) semaphore(%arg19 : memref<!tpu.dma_semaphore, #tpu.memory_space<semaphore_mem>>)
      %dma_start3A_20 = arith.constant 1 : i32
      %dma_start3A_21 = arith.constant 0 : i32
      %dma_start3A_22 = tpu.memref_slice %arg13[%dma_start3A_20, %dma_start3A_21] : memref<80x256xi32, #tpu.memory_space<vmem>> -> memref<1x256xi32, #tpu.memory_space<vmem>>
      %dma_start3A_23 = tpu.memref_squeeze %dma_start3A_22 : memref<1x256xi32, #tpu.memory_space<vmem>> -> memref<256xi32, #tpu.memory_space<vmem>>
      %dma_start3A_24 = arith.constant 0 : i32
      %dma_start3A_25 = arith.constant 0 : i32
      %dma_start3A_26 = tpu.memref_slice %arg3[%dma_start3A_24, %dma_start3A_25] : memref<10000x128xbf16, #tpu.memory_space<hbm>> -> memref<10000x128xbf16, #tpu.memory_space<hbm>>
      tpu.enqueue_indirect_dma source(%dma_start3A_26 : memref<10000x128xbf16, #tpu.memory_space<hbm>>) target(%arg16 : memref<256x128xbf16, #tpu.memory_space<vmem>>) offsets(%dma_start3A_23 : memref<256xi32, #tpu.memory_space<vmem>>) semaphore(%arg20 : memref<!tpu.dma_semaphore, #tpu.memory_space<semaphore_mem>>)
      %scan3A = arith.constant 0 : i32
      %scan3A_27 = arith.constant 40 : i32
      %scan3A_28 = arith.addi %scan3A, %scan3A_27 : i32
      %scan3A_29 = arith.constant 1 : i32
      scf.for %scan3A_36 = %scan3A to %scan3A_28 step %scan3A_29  : i32 {
        %mul3A_37 = arith.constant 2 : i32
        %mul3A_38 = arith.muli %scan3A_36, %mul3A_37 : i32
        %add3A = arith.constant 0 : i32
        %add3A_39 = arith.addi %add3A, %mul3A_38 : i32
        %add3A_40 = arith.constant 0 : i32
        %add3A_41 = arith.addi %add3A_39, %add3A_40 : i32
        %dma_wait3A = arith.constant 0 : i32
        %dma_wait3A_42 = tpu.memref_slice %arg13[%add3A_41, %dma_wait3A] : memref<80x256xi32, #tpu.memory_space<vmem>> -> memref<1x256xi32, #tpu.memory_space<vmem>>
        %dma_wait3A_43 = tpu.memref_squeeze %dma_wait3A_42 : memref<1x256xi32, #tpu.memory_space<vmem>> -> memref<256xi32, #tpu.memory_space<vmem>>
        %dma_wait3A_44 = arith.constant 0 : i32
        %dma_wait3A_45 = arith.constant 0 : i32
        %dma_wait3A_46 = tpu.memref_slice %arg3[%dma_wait3A_44, %dma_wait3A_45] : memref<10000x128xbf16, #tpu.memory_space<hbm>> -> memref<10000x128xbf16, #tpu.memory_space<hbm>>
        tpu.wait_indirect_dma semaphore(%arg19 : memref<!tpu.dma_semaphore, #tpu.memory_space<semaphore_mem>>) src(%dma_wait3A_46 : memref<10000x128xbf16, #tpu.memory_space<hbm>>) dst(%arg15 : memref<256x128xbf16, #tpu.memory_space<vmem>>)
        %dma_start3A_47 = arith.constant 0 : i32
        %dma_start3A_48 = tpu.memref_slice %arg14[%add3A_41, %dma_start3A_47] : memref<80x256xi32, #tpu.memory_space<vmem>> -> memref<1x256xi32, #tpu.memory_space<vmem>>
        %dma_start3A_49 = tpu.memref_squeeze %dma_start3A_48 : memref<1x256xi32, #tpu.memory_space<vmem>> -> memref<256xi32, #tpu.memory_space<vmem>>
        %dma_start3A_50 = arith.constant 0 : i32
        %dma_start3A_51 = arith.constant 0 : i32
        %dma_start3A_52 = tpu.memref_slice %arg17[%dma_start3A_50, %dma_start3A_51] : memref<10112x128xbf16, #tpu.memory_space<vmem_shared>> -> memref<10112x128xbf16, #tpu.memory_space<vmem_shared>>
        tpu.enqueue_indirect_dma source(%arg15 : memref<256x128xbf16, #tpu.memory_space<vmem>>) target(%dma_start3A_52 : memref<10112x128xbf16, #tpu.memory_space<vmem_shared>>) offsets(%dma_start3A_49 : memref<256xi32, #tpu.memory_space<vmem>>) semaphore(%arg21 : memref<!tpu.dma_semaphore, #tpu.memory_space<semaphore_mem>>) {add = true}
        %dma_wait3A_53 = arith.constant 0 : i32
        %dma_wait3A_54 = tpu.memref_slice %arg14[%add3A_41, %dma_wait3A_53] : memref<80x256xi32, #tpu.memory_space<vmem>> -> memref<1x256xi32, #tpu.memory_space<vmem>>
        %dma_wait3A_55 = tpu.memref_squeeze %dma_wait3A_54 : memref<1x256xi32, #tpu.memory_space<vmem>> -> memref<256xi32, #tpu.memory_space<vmem>>
        %dma_wait3A_56 = arith.constant 0 : i32
        %dma_wait3A_57 = arith.constant 0 : i32
        %dma_wait3A_58 = tpu.memref_slice %arg17[%dma_wait3A_56, %dma_wait3A_57] : memref<10112x128xbf16, #tpu.memory_space<vmem_shared>> -> memref<10112x128xbf16, #tpu.memory_space<vmem_shared>>
        tpu.wait_indirect_dma semaphore(%arg21 : memref<!tpu.dma_semaphore, #tpu.memory_space<semaphore_mem>>) src(%arg15 : memref<256x128xbf16, #tpu.memory_space<vmem>>) dst(%dma_wait3A_58 : memref<10112x128xbf16, #tpu.memory_space<vmem_shared>>)
        %add3A_59 = arith.constant 2 : i32
        %add3A_60 = arith.addi %add3A_41, %add3A_59 : i32
        %lt3A = arith.constant 80 : i32
        %lt3A_61 = arith.cmpi slt, %add3A_60, %lt3A : i32
        %convert_element_type3A_62 = arith.extui %lt3A_61 : i1 to i32
        %cond3A_63 = arith.constant 0 : i32
        %cond3A_64 = arith.cmpi ne, %convert_element_type3A_62, %cond3A_63 : i32
        scf.if %cond3A_64 {
          %add3A_92 = arith.constant 2 : i32
          %add3A_93 = arith.addi %add3A_41, %add3A_92 : i32
          %dma_start3A_94 = arith.constant 0 : i32
          %dma_start3A_95 = tpu.memref_slice %arg13[%add3A_93, %dma_start3A_94] : memref<80x256xi32, #tpu.memory_space<vmem>> -> memref<1x256xi32, #tpu.memory_space<vmem>>
          %dma_start3A_96 = tpu.memref_squeeze %dma_start3A_95 : memref<1x256xi32, #tpu.memory_space<vmem>> -> memref<256xi32, #tpu.memory_space<vmem>>
          %dma_start3A_97 = arith.constant 0 : i32
          %dma_start3A_98 = arith.constant 0 : i32
          %dma_start3A_99 = tpu.memref_slice %arg3[%dma_start3A_97, %dma_start3A_98] : memref<10000x128xbf16, #tpu.memory_space<hbm>> -> memref<10000x128xbf16, #tpu.memory_space<hbm>>
          tpu.enqueue_indirect_dma source(%dma_start3A_99 : memref<10000x128xbf16, #tpu.memory_space<hbm>>) target(%arg15 : memref<256x128xbf16, #tpu.memory_space<vmem>>) offsets(%dma_start3A_96 : memref<256xi32, #tpu.memory_space<vmem>>) semaphore(%arg19 : memref<!tpu.dma_semaphore, #tpu.memory_space<semaphore_mem>>)
        } else {
        }
        %add3A_65 = arith.constant 1 : i32
        %add3A_66 = arith.addi %add3A_39, %add3A_65 : i32
        %dma_wait3A_67 = arith.constant 0 : i32
        %dma_wait3A_68 = tpu.memref_slice %arg13[%add3A_66, %dma_wait3A_67] : memref<80x256xi32, #tpu.memory_space<vmem>> -> memref<1x256xi32, #tpu.memory_space<vmem>>
        %dma_wait3A_69 = tpu.memref_squeeze %dma_wait3A_68 : memref<1x256xi32, #tpu.memory_space<vmem>> -> memref<256xi32, #tpu.memory_space<vmem>>
        %dma_wait3A_70 = arith.constant 0 : i32
        %dma_wait3A_71 = arith.constant 0 : i32
        %dma_wait3A_72 = tpu.memref_slice %arg3[%dma_wait3A_70, %dma_wait3A_71] : memref<10000x128xbf16, #tpu.memory_space<hbm>> -> memref<10000x128xbf16, #tpu.memory_space<hbm>>
        tpu.wait_indirect_dma semaphore(%arg20 : memref<!tpu.dma_semaphore, #tpu.memory_space<semaphore_mem>>) src(%dma_wait3A_72 : memref<10000x128xbf16, #tpu.memory_space<hbm>>) dst(%arg16 : memref<256x128xbf16, #tpu.memory_space<vmem>>)
        %dma_start3A_73 = arith.constant 0 : i32
        %dma_start3A_74 = tpu.memref_slice %arg14[%add3A_66, %dma_start3A_73] : memref<80x256xi32, #tpu.memory_space<vmem>> -> memref<1x256xi32, #tpu.memory_space<vmem>>
        %dma_start3A_75 = tpu.memref_squeeze %dma_start3A_74 : memref<1x256xi32, #tpu.memory_space<vmem>> -> memref<256xi32, #tpu.memory_space<vmem>>
        %dma_start3A_76 = arith.constant 0 : i32
        %dma_start3A_77 = arith.constant 0 : i32
        %dma_start3A_78 = tpu.memref_slice %arg17[%dma_start3A_76, %dma_start3A_77] : memref<10112x128xbf16, #tpu.memory_space<vmem_shared>> -> memref<10112x128xbf16, #tpu.memory_space<vmem_shared>>
        tpu.enqueue_indirect_dma source(%arg16 : memref<256x128xbf16, #tpu.memory_space<vmem>>) target(%dma_start3A_78 : memref<10112x128xbf16, #tpu.memory_space<vmem_shared>>) offsets(%dma_start3A_75 : memref<256xi32, #tpu.memory_space<vmem>>) semaphore(%arg22 : memref<!tpu.dma_semaphore, #tpu.memory_space<semaphore_mem>>) {add = true}
        %dma_wait3A_79 = arith.constant 0 : i32
        %dma_wait3A_80 = tpu.memref_slice %arg14[%add3A_66, %dma_wait3A_79] : memref<80x256xi32, #tpu.memory_space<vmem>> -> memref<1x256xi32, #tpu.memory_space<vmem>>
        %dma_wait3A_81 = tpu.memref_squeeze %dma_wait3A_80 : memref<1x256xi32, #tpu.memory_space<vmem>> -> memref<256xi32, #tpu.memory_space<vmem>>
        %dma_wait3A_82 = arith.constant 0 : i32
        %dma_wait3A_83 = arith.constant 0 : i32
        %dma_wait3A_84 = tpu.memref_slice %arg17[%dma_wait3A_82, %dma_wait3A_83] : memref<10112x128xbf16, #tpu.memory_space<vmem_shared>> -> memref<10112x128xbf16, #tpu.memory_space<vmem_shared>>
        tpu.wait_indirect_dma semaphore(%arg22 : memref<!tpu.dma_semaphore, #tpu.memory_space<semaphore_mem>>) src(%arg16 : memref<256x128xbf16, #tpu.memory_space<vmem>>) dst(%dma_wait3A_84 : memref<10112x128xbf16, #tpu.memory_space<vmem_shared>>)
        %add3A_85 = arith.constant 2 : i32
        %add3A_86 = arith.addi %add3A_66, %add3A_85 : i32
        %lt3A_87 = arith.constant 80 : i32
        %lt3A_88 = arith.cmpi slt, %add3A_86, %lt3A_87 : i32
        %convert_element_type3A_89 = arith.extui %lt3A_88 : i1 to i32
        %cond3A_90 = arith.constant 0 : i32
        %cond3A_91 = arith.cmpi ne, %convert_element_type3A_89, %cond3A_90 : i32
        scf.if %cond3A_91 {
          %add3A_92 = arith.constant 2 : i32
          %add3A_93 = arith.addi %add3A_66, %add3A_92 : i32
          %dma_start3A_94 = arith.constant 0 : i32
          %dma_start3A_95 = tpu.memref_slice %arg13[%add3A_93, %dma_start3A_94] : memref<80x256xi32, #tpu.memory_space<vmem>> -> memref<1x256xi32, #tpu.memory_space<vmem>>
          %dma_start3A_96 = tpu.memref_squeeze %dma_start3A_95 : memref<1x256xi32, #tpu.memory_space<vmem>> -> memref<256xi32, #tpu.memory_space<vmem>>
          %dma_start3A_97 = arith.constant 0 : i32
          %dma_start3A_98 = arith.constant 0 : i32
          %dma_start3A_99 = tpu.memref_slice %arg3[%dma_start3A_97, %dma_start3A_98] : memref<10000x128xbf16, #tpu.memory_space<hbm>> -> memref<10000x128xbf16, #tpu.memory_space<hbm>>
          tpu.enqueue_indirect_dma source(%dma_start3A_99 : memref<10000x128xbf16, #tpu.memory_space<hbm>>) target(%arg16 : memref<256x128xbf16, #tpu.memory_space<vmem>>) offsets(%dma_start3A_96 : memref<256xi32, #tpu.memory_space<vmem>>) semaphore(%arg20 : memref<!tpu.dma_semaphore, #tpu.memory_space<semaphore_mem>>)
        } else {
        }
      }
      %scan3A_30 = arith.constant 40 : i32
      %barrier3A_31 = arith.constant 0 : index
      tpu.barrier barrier_id(%barrier3A_31)
      %mul3A_32 = arith.constant 632 : i32
      %mul3A_33 = arith.muli %arg1, %mul3A_32 : i32
      %mul3A_34 = arith.constant 632 : i32
      %mul3A_35 = arith.muli %arg1, %mul3A_34 : i32
      "tpu.region"() ({
        %run_scoped3A = tpu.sem_alloc : memref<!tpu.dma_semaphore, #tpu.memory_space<semaphore_mem>>
        %dma_start3A_36 = arith.constant 0 : i32
        %dma_start3A_37 = tpu.memref_slice %arg12[%mul3A_35, %dma_start3A_36] : memref<10112x128xbf16, #tpu.memory_space<hbm>> -> memref<632x128xbf16, #tpu.memory_space<hbm>>
        %dma_start3A_38 = arith.constant 0 : i32
        %dma_start3A_39 = tpu.memref_slice %arg17[%mul3A_33, %dma_start3A_38] : memref<10112x128xbf16, #tpu.memory_space<vmem_shared>> -> memref<632x128xbf16, #tpu.memory_space<vmem_shared>>
        tpu.enqueue_dma source(%dma_start3A_39 : memref<632x128xbf16, #tpu.memory_space<vmem_shared>>) target(%dma_start3A_37 : memref<632x128xbf16, #tpu.memory_space<hbm>>) target_semaphore(%run_scoped3A : memref<!tpu.dma_semaphore, #tpu.memory_space<semaphore_mem>>)
        %dma_wait3A = arith.constant 0 : i32
        %dma_wait3A_40 = tpu.memref_slice %arg12[%mul3A_35, %dma_wait3A] : memref<10112x128xbf16, #tpu.memory_space<hbm>> -> memref<632x128xbf16, #tpu.memory_space<hbm>>
        %dma_wait3A_41 = arith.constant 0 : i32
        %dma_wait3A_42 = tpu.memref_slice %arg17[%mul3A_33, %dma_wait3A_41] : memref<10112x128xbf16, #tpu.memory_space<vmem_shared>> -> memref<632x128xbf16, #tpu.memory_space<vmem_shared>>
        tpu.wait_dma2 semaphore(%run_scoped3A : memref<!tpu.dma_semaphore, #tpu.memory_space<semaphore_mem>>) src(%dma_wait3A_42 : memref<632x128xbf16, #tpu.memory_space<vmem_shared>>) dst(%dma_wait3A_40 : memref<632x128xbf16, #tpu.memory_space<hbm>>)
        tpu.yield
      }) : () -> ()
    } else {
    }
    return
  }
}

#map = affine_map<(d0, d1) -> (0, 0)>
module attributes {stable_mosaic.version = 14 : i64} {
  func.func @run(%arg0: i32, %arg1: i32, %arg2: memref<10000x128xbf16, #tpu.memory_space<hbm>>, %arg3: memref<10000x128xbf16, #tpu.memory_space<hbm>>, %arg4: memref<1280x256xi32, #tpu.memory_space<hbm>>, %arg5: memref<1280x256xi32, #tpu.memory_space<hbm>>, %arg6: memref<1280x256xi32, #tpu.memory_space<hbm>>, %arg7: memref<1280x256xi32, #tpu.memory_space<hbm>>, %arg8: memref<10112x128xbf16, #tpu.memory_space<hbm>>, %arg9: memref<10112x16xf32, #tpu.memory_space<hbm>>, %arg10: memref<256x16xf32, #tpu.memory_space<hbm>>, %arg11: memref<10112x128xbf16, #tpu.memory_space<hbm>>, %arg12: memref<10112x128xbf16, #tpu.memory_space<hbm>>, %arg13: memref<80x256xi32, #tpu.memory_space<vmem>>, %arg14: memref<80x256xi32, #tpu.memory_space<vmem>>, %arg15: memref<256x128xbf16, #tpu.memory_space<vmem>>, %arg16: memref<256x128xbf16, #tpu.memory_space<vmem>>, %arg17: memref<10112x128xbf16, #tpu.memory_space<vmem_shared>>, %arg18: memref<256x16xf32, #tpu.memory_space<vmem>>, %arg19: memref<!tpu.dma_semaphore, #tpu.memory_space<semaphore_mem>>, %arg20: memref<!tpu.dma_semaphore, #tpu.memory_space<semaphore_mem>>, %arg21: memref<!tpu.dma_semaphore, #tpu.memory_space<semaphore_mem>>, %arg22: memref<!tpu.dma_semaphore, #tpu.memory_space<semaphore_mem>>) attributes {dimension_semantics = [#tpu.dimension_semantics<core_parallel>, #tpu.dimension_semantics<subcore_parallel>], iteration_bounds = array<i64: 2, 16>, scalar_prefetch = 0 : i64, scratch_operands = 10 : i64, tpu.core_type = #tpu.core_type<sc_vector_subcore>, window_params = [{transform_indices = #map}, {transform_indices = #map}, {transform_indices = #map}, {transform_indices = #map}, {transform_indices = #map}, {transform_indices = #map}, {transform_indices = #map}, {transform_indices = #map}, {transform_indices = #map}, {transform_indices = #map}, {transform_indices = #map}]} {
    %eq3A = arith.constant 0 : i32
    %eq3A_0 = arith.cmpi eq, %arg0, %eq3A : i32
    %convert_element_type3A = arith.extui %eq3A_0 : i1 to i32
    %cond3A = arith.constant 0 : i32
    %cond3A_1 = arith.cmpi ne, %convert_element_type3A, %cond3A : i32
    scf.if %cond3A_1 {
      %mul3A = arith.constant 80 : i32
      %mul3A_7 = arith.muli %arg1, %mul3A : i32
      "tpu.region"() ({
        %run_scoped3A = tpu.sem_alloc : memref<!tpu.dma_semaphore, #tpu.memory_space<semaphore_mem>>
        %dma_start3A_36 = arith.constant 0 : i32
        %dma_start3A_37 = tpu.memref_slice %arg4[%mul3A_7, %dma_start3A_36] : memref<1280x256xi32, #tpu.memory_space<hbm>> -> memref<80x256xi32, #tpu.memory_space<hbm>>
        %dma_start3A_38 = arith.constant 0 : i32
        %dma_start3A_39 = tpu.memref_slice %arg4[%mul3A_7, %dma_start3A_38] : memref<1280x256xi32, #tpu.memory_space<hbm>> -> memref<80x256xi32, #tpu.memory_space<hbm>>
        tpu.enqueue_dma source(%dma_start3A_39 : memref<80x256xi32, #tpu.memory_space<hbm>>) target(%arg13 : memref<80x256xi32, #tpu.memory_space<vmem>>) target_semaphore(%run_scoped3A : memref<!tpu.dma_semaphore, #tpu.memory_space<semaphore_mem>>)
        %dma_wait3A = arith.constant 0 : i32
        %dma_wait3A_40 = tpu.memref_slice %arg4[%mul3A_7, %dma_wait3A] : memref<1280x256xi32, #tpu.memory_space<hbm>> -> memref<80x256xi32, #tpu.memory_space<hbm>>
        %dma_wait3A_41 = arith.constant 0 : i32
        %dma_wait3A_42 = tpu.memref_slice %arg4[%mul3A_7, %dma_wait3A_41] : memref<1280x256xi32, #tpu.memory_space<hbm>> -> memref<80x256xi32, #tpu.memory_space<hbm>>
        tpu.wait_dma2 semaphore(%run_scoped3A : memref<!tpu.dma_semaphore, #tpu.memory_space<semaphore_mem>>) src(%dma_wait3A_42 : memref<80x256xi32, #tpu.memory_space<hbm>>) dst(%arg13 : memref<80x256xi32, #tpu.memory_space<vmem>>)
        tpu.yield
      }) : () -> ()
      %mul3A_8 = arith.constant 80 : i32
      %mul3A_9 = arith.muli %arg1, %mul3A_8 : i32
      "tpu.region"() ({
        %run_scoped3A = tpu.sem_alloc : memref<!tpu.dma_semaphore, #tpu.memory_space<semaphore_mem>>
        %dma_start3A_36 = arith.constant 0 : i32
        %dma_start3A_37 = tpu.memref_slice %arg5[%mul3A_9, %dma_start3A_36] : memref<1280x256xi32, #tpu.memory_space<hbm>> -> memref<80x256xi32, #tpu.memory_space<hbm>>
        %dma_start3A_38 = arith.constant 0 : i32
        %dma_start3A_39 = tpu.memref_slice %arg5[%mul3A_9, %dma_start3A_38] : memref<1280x256xi32, #tpu.memory_space<hbm>> -> memref<80x256xi32, #tpu.memory_space<hbm>>
        tpu.enqueue_dma source(%dma_start3A_39 : memref<80x256xi32, #tpu.memory_space<hbm>>) target(%arg14 : memref<80x256xi32, #tpu.memory_space<vmem>>) target_semaphore(%run_scoped3A : memref<!tpu.dma_semaphore, #tpu.memory_space<semaphore_mem>>)
        %dma_wait3A = arith.constant 0 : i32
        %dma_wait3A_40 = tpu.memref_slice %arg5[%mul3A_9, %dma_wait3A] : memref<1280x256xi32, #tpu.memory_space<hbm>> -> memref<80x256xi32, #tpu.memory_space<hbm>>
        %dma_wait3A_41 = arith.constant 0 : i32
        %dma_wait3A_42 = tpu.memref_slice %arg5[%mul3A_9, %dma_wait3A_41] : memref<1280x256xi32, #tpu.memory_space<hbm>> -> memref<80x256xi32, #tpu.memory_space<hbm>>
        tpu.wait_dma2 semaphore(%run_scoped3A : memref<!tpu.dma_semaphore, #tpu.memory_space<semaphore_mem>>) src(%dma_wait3A_42 : memref<80x256xi32, #tpu.memory_space<hbm>>) dst(%arg14 : memref<80x256xi32, #tpu.memory_space<vmem>>)
        tpu.yield
      }) : () -> ()
      %mul3A_10 = arith.constant 632 : i32
      %mul3A_11 = arith.muli %arg1, %mul3A_10 : i32
      %mul3A_12 = arith.constant 632 : i32
      %mul3A_13 = arith.muli %arg1, %mul3A_12 : i32
      "tpu.region"() ({
        %run_scoped3A = tpu.sem_alloc : memref<!tpu.dma_semaphore, #tpu.memory_space<semaphore_mem>>
        %dma_start3A_36 = arith.constant 0 : i32
        %dma_start3A_37 = tpu.memref_slice %arg17[%mul3A_13, %dma_start3A_36] : memref<10112x128xbf16, #tpu.memory_space<vmem_shared>> -> memref<632x128xbf16, #tpu.memory_space<vmem_shared>>
        %dma_start3A_38 = arith.constant 0 : i32
        %dma_start3A_39 = tpu.memref_slice %arg8[%mul3A_11, %dma_start3A_38] : memref<10112x128xbf16, #tpu.memory_space<hbm>> -> memref<632x128xbf16, #tpu.memory_space<hbm>>
        tpu.enqueue_dma source(%dma_start3A_39 : memref<632x128xbf16, #tpu.memory_space<hbm>>) target(%dma_start3A_37 : memref<632x128xbf16, #tpu.memory_space<vmem_shared>>) target_semaphore(%run_scoped3A : memref<!tpu.dma_semaphore, #tpu.memory_space<semaphore_mem>>)
        %dma_wait3A = arith.constant 0 : i32
        %dma_wait3A_40 = tpu.memref_slice %arg17[%mul3A_13, %dma_wait3A] : memref<10112x128xbf16, #tpu.memory_space<vmem_shared>> -> memref<632x128xbf16, #tpu.memory_space<vmem_shared>>
        %dma_wait3A_41 = arith.constant 0 : i32
        %dma_wait3A_42 = tpu.memref_slice %arg8[%mul3A_11, %dma_wait3A_41] : memref<10112x128xbf16, #tpu.memory_space<hbm>> -> memref<632x128xbf16, #tpu.memory_space<hbm>>
        tpu.wait_dma2 semaphore(%run_scoped3A : memref<!tpu.dma_semaphore, #tpu.memory_space<semaphore_mem>>) src(%dma_wait3A_42 : memref<632x128xbf16, #tpu.memory_space<hbm>>) dst(%dma_wait3A_40 : memref<632x128xbf16, #tpu.memory_space<vmem_shared>>)
        tpu.yield
      }) : () -> ()
      %barrier3A = arith.constant 0 : index
      tpu.barrier barrier_id(%barrier3A)
      %dma_start3A = arith.constant 0 : i32
      %dma_start3A_14 = arith.constant 0 : i32
      %dma_start3A_15 = tpu.memref_slice %arg13[%dma_start3A, %dma_start3A_14] : memref<80x256xi32, #tpu.memory_space<vmem>> -> memref<1x256xi32, #tpu.memory_space<vmem>>
      %dma_start3A_16 = tpu.memref_squeeze %dma_start3A_15 : memref<1x256xi32, #tpu.memory_space<vmem>> -> memref<256xi32, #tpu.memory_space<vmem>>
      %dma_start3A_17 = arith.constant 0 : i32
      %dma_start3A_18 = arith.constant 0 : i32
      %dma_start3A_19 = tpu.memref_slice %arg2[%dma_start3A_17, %dma_start3A_18] : memref<10000x128xbf16, #tpu.memory_space<hbm>> -> memref<10000x128xbf16, #tpu.memory_space<hbm>>
      tpu.enqueue_indirect_dma source(%dma_start3A_19 : memref<10000x128xbf16, #tpu.memory_space<hbm>>) target(%arg15 : memref<256x128xbf16, #tpu.memory_space<vmem>>) offsets(%dma_start3A_16 : memref<256xi32, #tpu.memory_space<vmem>>) semaphore(%arg19 : memref<!tpu.dma_semaphore, #tpu.memory_space<semaphore_mem>>)
      %dma_start3A_20 = arith.constant 1 : i32
      %dma_start3A_21 = arith.constant 0 : i32
      %dma_start3A_22 = tpu.memref_slice %arg13[%dma_start3A_20, %dma_start3A_21] : memref<80x256xi32, #tpu.memory_space<vmem>> -> memref<1x256xi32, #tpu.memory_space<vmem>>
      %dma_start3A_23 = tpu.memref_squeeze %dma_start3A_22 : memref<1x256xi32, #tpu.memory_space<vmem>> -> memref<256xi32, #tpu.memory_space<vmem>>
      %dma_start3A_24 = arith.constant 0 : i32
      %dma_start3A_25 = arith.constant 0 : i32
      %dma_start3A_26 = tpu.memref_slice %arg2[%dma_start3A_24, %dma_start3A_25] : memref<10000x128xbf16, #tpu.memory_space<hbm>> -> memref<10000x128xbf16, #tpu.memory_space<hbm>>
      tpu.enqueue_indirect_dma source(%dma_start3A_26 : memref<10000x128xbf16, #tpu.memory_space<hbm>>) target(%arg16 : memref<256x128xbf16, #tpu.memory_space<vmem>>) offsets(%dma_start3A_23 : memref<256xi32, #tpu.memory_space<vmem>>) semaphore(%arg20 : memref<!tpu.dma_semaphore, #tpu.memory_space<semaphore_mem>>)
      %scan3A = arith.constant 0 : i32
      %scan3A_27 = arith.constant 40 : i32
      %scan3A_28 = arith.addi %scan3A, %scan3A_27 : i32
      %scan3A_29 = arith.constant 1 : i32
      scf.for %scan3A_36 = %scan3A to %scan3A_28 step %scan3A_29  : i32 {
        %mul3A_37 = arith.constant 2 : i32
        %mul3A_38 = arith.muli %scan3A_36, %mul3A_37 : i32
        %add3A = arith.constant 0 : i32
        %add3A_39 = arith.addi %add3A, %mul3A_38 : i32
        %add3A_40 = arith.constant 0 : i32
        %add3A_41 = arith.addi %add3A_39, %add3A_40 : i32
        %dma_wait3A = arith.constant 0 : i32
        %dma_wait3A_42 = tpu.memref_slice %arg13[%add3A_41, %dma_wait3A] : memref<80x256xi32, #tpu.memory_space<vmem>> -> memref<1x256xi32, #tpu.memory_space<vmem>>
        %dma_wait3A_43 = tpu.memref_squeeze %dma_wait3A_42 : memref<1x256xi32, #tpu.memory_space<vmem>> -> memref<256xi32, #tpu.memory_space<vmem>>
        %dma_wait3A_44 = arith.constant 0 : i32
        %dma_wait3A_45 = arith.constant 0 : i32
        %dma_wait3A_46 = tpu.memref_slice %arg2[%dma_wait3A_44, %dma_wait3A_45] : memref<10000x128xbf16, #tpu.memory_space<hbm>> -> memref<10000x128xbf16, #tpu.memory_space<hbm>>
        tpu.wait_indirect_dma semaphore(%arg19 : memref<!tpu.dma_semaphore, #tpu.memory_space<semaphore_mem>>) src(%dma_wait3A_46 : memref<10000x128xbf16, #tpu.memory_space<hbm>>) dst(%arg15 : memref<256x128xbf16, #tpu.memory_space<vmem>>)
        %dma_start3A_47 = arith.constant 0 : i32
        %dma_start3A_48 = tpu.memref_slice %arg14[%add3A_41, %dma_start3A_47] : memref<80x256xi32, #tpu.memory_space<vmem>> -> memref<1x256xi32, #tpu.memory_space<vmem>>
        %dma_start3A_49 = tpu.memref_squeeze %dma_start3A_48 : memref<1x256xi32, #tpu.memory_space<vmem>> -> memref<256xi32, #tpu.memory_space<vmem>>
        %dma_start3A_50 = arith.constant 0 : i32
        %dma_start3A_51 = arith.constant 0 : i32
        %dma_start3A_52 = tpu.memref_slice %arg17[%dma_start3A_50, %dma_start3A_51] : memref<10112x128xbf16, #tpu.memory_space<vmem_shared>> -> memref<10112x128xbf16, #tpu.memory_space<vmem_shared>>
        tpu.enqueue_indirect_dma source(%arg15 : memref<256x128xbf16, #tpu.memory_space<vmem>>) target(%dma_start3A_52 : memref<10112x128xbf16, #tpu.memory_space<vmem_shared>>) offsets(%dma_start3A_49 : memref<256xi32, #tpu.memory_space<vmem>>) semaphore(%arg21 : memref<!tpu.dma_semaphore, #tpu.memory_space<semaphore_mem>>) {add = true}
        %dma_wait3A_53 = arith.constant 0 : i32
        %dma_wait3A_54 = tpu.memref_slice %arg14[%add3A_41, %dma_wait3A_53] : memref<80x256xi32, #tpu.memory_space<vmem>> -> memref<1x256xi32, #tpu.memory_space<vmem>>
        %dma_wait3A_55 = tpu.memref_squeeze %dma_wait3A_54 : memref<1x256xi32, #tpu.memory_space<vmem>> -> memref<256xi32, #tpu.memory_space<vmem>>
        %dma_wait3A_56 = arith.constant 0 : i32
        %dma_wait3A_57 = arith.constant 0 : i32
        %dma_wait3A_58 = tpu.memref_slice %arg17[%dma_wait3A_56, %dma_wait3A_57] : memref<10112x128xbf16, #tpu.memory_space<vmem_shared>> -> memref<10112x128xbf16, #tpu.memory_space<vmem_shared>>
        tpu.wait_indirect_dma semaphore(%arg21 : memref<!tpu.dma_semaphore, #tpu.memory_space<semaphore_mem>>) src(%arg15 : memref<256x128xbf16, #tpu.memory_space<vmem>>) dst(%dma_wait3A_58 : memref<10112x128xbf16, #tpu.memory_space<vmem_shared>>)
        %add3A_59 = arith.constant 2 : i32
        %add3A_60 = arith.addi %add3A_41, %add3A_59 : i32
        %lt3A = arith.constant 80 : i32
        %lt3A_61 = arith.cmpi slt, %add3A_60, %lt3A : i32
        %convert_element_type3A_62 = arith.extui %lt3A_61 : i1 to i32
        %cond3A_63 = arith.constant 0 : i32
        %cond3A_64 = arith.cmpi ne, %convert_element_type3A_62, %cond3A_63 : i32
        scf.if %cond3A_64 {
          %add3A_92 = arith.constant 2 : i32
          %add3A_93 = arith.addi %add3A_41, %add3A_92 : i32
          %dma_start3A_94 = arith.constant 0 : i32
          %dma_start3A_95 = tpu.memref_slice %arg13[%add3A_93, %dma_start3A_94] : memref<80x256xi32, #tpu.memory_space<vmem>> -> memref<1x256xi32, #tpu.memory_space<vmem>>
          %dma_start3A_96 = tpu.memref_squeeze %dma_start3A_95 : memref<1x256xi32, #tpu.memory_space<vmem>> -> memref<256xi32, #tpu.memory_space<vmem>>
          %dma_start3A_97 = arith.constant 0 : i32
          %dma_start3A_98 = arith.constant 0 : i32
          %dma_start3A_99 = tpu.memref_slice %arg2[%dma_start3A_97, %dma_start3A_98] : memref<10000x128xbf16, #tpu.memory_space<hbm>> -> memref<10000x128xbf16, #tpu.memory_space<hbm>>
          tpu.enqueue_indirect_dma source(%dma_start3A_99 : memref<10000x128xbf16, #tpu.memory_space<hbm>>) target(%arg15 : memref<256x128xbf16, #tpu.memory_space<vmem>>) offsets(%dma_start3A_96 : memref<256xi32, #tpu.memory_space<vmem>>) semaphore(%arg19 : memref<!tpu.dma_semaphore, #tpu.memory_space<semaphore_mem>>)
        } else {
        }
        %add3A_65 = arith.constant 1 : i32
        %add3A_66 = arith.addi %add3A_39, %add3A_65 : i32
        %dma_wait3A_67 = arith.constant 0 : i32
        %dma_wait3A_68 = tpu.memref_slice %arg13[%add3A_66, %dma_wait3A_67] : memref<80x256xi32, #tpu.memory_space<vmem>> -> memref<1x256xi32, #tpu.memory_space<vmem>>
        %dma_wait3A_69 = tpu.memref_squeeze %dma_wait3A_68 : memref<1x256xi32, #tpu.memory_space<vmem>> -> memref<256xi32, #tpu.memory_space<vmem>>
        %dma_wait3A_70 = arith.constant 0 : i32
        %dma_wait3A_71 = arith.constant 0 : i32
        %dma_wait3A_72 = tpu.memref_slice %arg2[%dma_wait3A_70, %dma_wait3A_71] : memref<10000x128xbf16, #tpu.memory_space<hbm>> -> memref<10000x128xbf16, #tpu.memory_space<hbm>>
        tpu.wait_indirect_dma semaphore(%arg20 : memref<!tpu.dma_semaphore, #tpu.memory_space<semaphore_mem>>) src(%dma_wait3A_72 : memref<10000x128xbf16, #tpu.memory_space<hbm>>) dst(%arg16 : memref<256x128xbf16, #tpu.memory_space<vmem>>)
        %dma_start3A_73 = arith.constant 0 : i32
        %dma_start3A_74 = tpu.memref_slice %arg14[%add3A_66, %dma_start3A_73] : memref<80x256xi32, #tpu.memory_space<vmem>> -> memref<1x256xi32, #tpu.memory_space<vmem>>
        %dma_start3A_75 = tpu.memref_squeeze %dma_start3A_74 : memref<1x256xi32, #tpu.memory_space<vmem>> -> memref<256xi32, #tpu.memory_space<vmem>>
        %dma_start3A_76 = arith.constant 0 : i32
        %dma_start3A_77 = arith.constant 0 : i32
        %dma_start3A_78 = tpu.memref_slice %arg17[%dma_start3A_76, %dma_start3A_77] : memref<10112x128xbf16, #tpu.memory_space<vmem_shared>> -> memref<10112x128xbf16, #tpu.memory_space<vmem_shared>>
        tpu.enqueue_indirect_dma source(%arg16 : memref<256x128xbf16, #tpu.memory_space<vmem>>) target(%dma_start3A_78 : memref<10112x128xbf16, #tpu.memory_space<vmem_shared>>) offsets(%dma_start3A_75 : memref<256xi32, #tpu.memory_space<vmem>>) semaphore(%arg22 : memref<!tpu.dma_semaphore, #tpu.memory_space<semaphore_mem>>) {add = true}
        %dma_wait3A_79 = arith.constant 0 : i32
        %dma_wait3A_80 = tpu.memref_slice %arg14[%add3A_66, %dma_wait3A_79] : memref<80x256xi32, #tpu.memory_space<vmem>> -> memref<1x256xi32, #tpu.memory_space<vmem>>
        %dma_wait3A_81 = tpu.memref_squeeze %dma_wait3A_80 : memref<1x256xi32, #tpu.memory_space<vmem>> -> memref<256xi32, #tpu.memory_space<vmem>>
        %dma_wait3A_82 = arith.constant 0 : i32
        %dma_wait3A_83 = arith.constant 0 : i32
        %dma_wait3A_84 = tpu.memref_slice %arg17[%dma_wait3A_82, %dma_wait3A_83] : memref<10112x128xbf16, #tpu.memory_space<vmem_shared>> -> memref<10112x128xbf16, #tpu.memory_space<vmem_shared>>
        tpu.wait_indirect_dma semaphore(%arg22 : memref<!tpu.dma_semaphore, #tpu.memory_space<semaphore_mem>>) src(%arg16 : memref<256x128xbf16, #tpu.memory_space<vmem>>) dst(%dma_wait3A_84 : memref<10112x128xbf16, #tpu.memory_space<vmem_shared>>)
        %add3A_85 = arith.constant 2 : i32
        %add3A_86 = arith.addi %add3A_66, %add3A_85 : i32
        %lt3A_87 = arith.constant 80 : i32
        %lt3A_88 = arith.cmpi slt, %add3A_86, %lt3A_87 : i32
        %convert_element_type3A_89 = arith.extui %lt3A_88 : i1 to i32
        %cond3A_90 = arith.constant 0 : i32
        %cond3A_91 = arith.cmpi ne, %convert_element_type3A_89, %cond3A_90 : i32
        scf.if %cond3A_91 {
          %add3A_92 = arith.constant 2 : i32
          %add3A_93 = arith.addi %add3A_66, %add3A_92 : i32
          %dma_start3A_94 = arith.constant 0 : i32
          %dma_start3A_95 = tpu.memref_slice %arg13[%add3A_93, %dma_start3A_94] : memref<80x256xi32, #tpu.memory_space<vmem>> -> memref<1x256xi32, #tpu.memory_space<vmem>>
          %dma_start3A_96 = tpu.memref_squeeze %dma_start3A_95 : memref<1x256xi32, #tpu.memory_space<vmem>> -> memref<256xi32, #tpu.memory_space<vmem>>
          %dma_start3A_97 = arith.constant 0 : i32
          %dma_start3A_98 = arith.constant 0 : i32
          %dma_start3A_99 = tpu.memref_slice %arg2[%dma_start3A_97, %dma_start3A_98] : memref<10000x128xbf16, #tpu.memory_space<hbm>> -> memref<10000x128xbf16, #tpu.memory_space<hbm>>
          tpu.enqueue_indirect_dma source(%dma_start3A_99 : memref<10000x128xbf16, #tpu.memory_space<hbm>>) target(%arg16 : memref<256x128xbf16, #tpu.memory_space<vmem>>) offsets(%dma_start3A_96 : memref<256xi32, #tpu.memory_space<vmem>>) semaphore(%arg20 : memref<!tpu.dma_semaphore, #tpu.memory_space<semaphore_mem>>)
        } else {
        }
      }
      %scan3A_30 = arith.constant 40 : i32
      %barrier3A_31 = arith.constant 0 : index
      tpu.barrier barrier_id(%barrier3A_31)
      %mul3A_32 = arith.constant 632 : i32
      %mul3A_33 = arith.muli %arg1, %mul3A_32 : i32
      %mul3A_34 = arith.constant 632 : i32
      %mul3A_35 = arith.muli %arg1, %mul3A_34 : i32
      "tpu.region"() ({
        %run_scoped3A = tpu.sem_alloc : memref<!tpu.dma_semaphore, #tpu.memory_space<semaphore_mem>>
        %dma_start3A_36 = arith.constant 0 : i32
        %dma_start3A_37 = tpu.memref_slice %arg11[%mul3A_35, %dma_start3A_36] : memref<10112x128xbf16, #tpu.memory_space<hbm>> -> memref<632x128xbf16, #tpu.memory_space<hbm>>
        %dma_start3A_38 = arith.constant 0 : i32
        %dma_start3A_39 = tpu.memref_slice %arg17[%mul3A_33, %dma_start3A_38] : memref<10112x128xbf16, #tpu.memory_space<vmem_shared>> -> memref<632x128xbf16, #tpu.memory_space<vmem_shared>>
        tpu.enqueue_dma source(%dma_start3A_39 : memref<632x128xbf16, #tpu.memory_space<vmem_shared>>) target(%dma_start3A_37 : memref<632x128xbf16, #tpu.memory_space<hbm>>) target_semaphore(%run_scoped3A : memref<!tpu.dma_semaphore, #tpu.memory_space<semaphore_mem>>)
        %dma_wait3A = arith.constant 0 : i32
        %dma_wait3A_40 = tpu.memref_slice %arg11[%mul3A_35, %dma_wait3A] : memref<10112x128xbf16, #tpu.memory_space<hbm>> -> memref<632x128xbf16, #tpu.memory_space<hbm>>
        %dma_wait3A_41 = arith.constant 0 : i32
        %dma_wait3A_42 = tpu.memref_slice %arg17[%mul3A_33, %dma_wait3A_41] : memref<10112x128xbf16, #tpu.memory_space<vmem_shared>> -> memref<632x128xbf16, #tpu.memory_space<vmem_shared>>
        tpu.wait_dma2 semaphore(%run_scoped3A : memref<!tpu.dma_semaphore, #tpu.memory_space<semaphore_mem>>) src(%dma_wait3A_42 : memref<632x128xbf16, #tpu.memory_space<vmem_shared>>) dst(%dma_wait3A_40 : memref<632x128xbf16, #tpu.memory_space<hbm>>)
        tpu.yield
      }) : () -> ()
    } else {
    }
    %eq3A_2 = arith.constant 1 : i32
    %eq3A_3 = arith.cmpi eq, %arg0, %eq3A_2 : i32
    %convert_element_type3A_4 = arith.extui %eq3A_3 : i1 to i32
    %cond3A_5 = arith.constant 0 : i32
    %cond3A_6 = arith.cmpi ne, %convert_element_type3A_4, %cond3A_5 : i32
    scf.if %cond3A_6 {
      %mul3A = arith.constant 80 : i32
      %mul3A_7 = arith.muli %arg1, %mul3A : i32
      "tpu.region"() ({
        %run_scoped3A = tpu.sem_alloc : memref<!tpu.dma_semaphore, #tpu.memory_space<semaphore_mem>>
        %dma_start3A_36 = arith.constant 0 : i32
        %dma_start3A_37 = tpu.memref_slice %arg6[%mul3A_7, %dma_start3A_36] : memref<1280x256xi32, #tpu.memory_space<hbm>> -> memref<80x256xi32, #tpu.memory_space<hbm>>
        %dma_start3A_38 = arith.constant 0 : i32
        %dma_start3A_39 = tpu.memref_slice %arg6[%mul3A_7, %dma_start3A_38] : memref<1280x256xi32, #tpu.memory_space<hbm>> -> memref<80x256xi32, #tpu.memory_space<hbm>>
        tpu.enqueue_dma source(%dma_start3A_39 : memref<80x256xi32, #tpu.memory_space<hbm>>) target(%arg13 : memref<80x256xi32, #tpu.memory_space<vmem>>) target_semaphore(%run_scoped3A : memref<!tpu.dma_semaphore, #tpu.memory_space<semaphore_mem>>)
        %dma_wait3A = arith.constant 0 : i32
        %dma_wait3A_40 = tpu.memref_slice %arg6[%mul3A_7, %dma_wait3A] : memref<1280x256xi32, #tpu.memory_space<hbm>> -> memref<80x256xi32, #tpu.memory_space<hbm>>
        %dma_wait3A_41 = arith.constant 0 : i32
        %dma_wait3A_42 = tpu.memref_slice %arg6[%mul3A_7, %dma_wait3A_41] : memref<1280x256xi32, #tpu.memory_space<hbm>> -> memref<80x256xi32, #tpu.memory_space<hbm>>
        tpu.wait_dma2 semaphore(%run_scoped3A : memref<!tpu.dma_semaphore, #tpu.memory_space<semaphore_mem>>) src(%dma_wait3A_42 : memref<80x256xi32, #tpu.memory_space<hbm>>) dst(%arg13 : memref<80x256xi32, #tpu.memory_space<vmem>>)
        tpu.yield
      }) : () -> ()
      %mul3A_8 = arith.constant 80 : i32
      %mul3A_9 = arith.muli %arg1, %mul3A_8 : i32
      "tpu.region"() ({
        %run_scoped3A = tpu.sem_alloc : memref<!tpu.dma_semaphore, #tpu.memory_space<semaphore_mem>>
        %dma_start3A_36 = arith.constant 0 : i32
        %dma_start3A_37 = tpu.memref_slice %arg7[%mul3A_9, %dma_start3A_36] : memref<1280x256xi32, #tpu.memory_space<hbm>> -> memref<80x256xi32, #tpu.memory_space<hbm>>
        %dma_start3A_38 = arith.constant 0 : i32
        %dma_start3A_39 = tpu.memref_slice %arg7[%mul3A_9, %dma_start3A_38] : memref<1280x256xi32, #tpu.memory_space<hbm>> -> memref<80x256xi32, #tpu.memory_space<hbm>>
        tpu.enqueue_dma source(%dma_start3A_39 : memref<80x256xi32, #tpu.memory_space<hbm>>) target(%arg14 : memref<80x256xi32, #tpu.memory_space<vmem>>) target_semaphore(%run_scoped3A : memref<!tpu.dma_semaphore, #tpu.memory_space<semaphore_mem>>)
        %dma_wait3A = arith.constant 0 : i32
        %dma_wait3A_40 = tpu.memref_slice %arg7[%mul3A_9, %dma_wait3A] : memref<1280x256xi32, #tpu.memory_space<hbm>> -> memref<80x256xi32, #tpu.memory_space<hbm>>
        %dma_wait3A_41 = arith.constant 0 : i32
        %dma_wait3A_42 = tpu.memref_slice %arg7[%mul3A_9, %dma_wait3A_41] : memref<1280x256xi32, #tpu.memory_space<hbm>> -> memref<80x256xi32, #tpu.memory_space<hbm>>
        tpu.wait_dma2 semaphore(%run_scoped3A : memref<!tpu.dma_semaphore, #tpu.memory_space<semaphore_mem>>) src(%dma_wait3A_42 : memref<80x256xi32, #tpu.memory_space<hbm>>) dst(%arg14 : memref<80x256xi32, #tpu.memory_space<vmem>>)
        tpu.yield
      }) : () -> ()
      %mul3A_10 = arith.constant 632 : i32
      %mul3A_11 = arith.muli %arg1, %mul3A_10 : i32
      %mul3A_12 = arith.constant 632 : i32
      %mul3A_13 = arith.muli %arg1, %mul3A_12 : i32
      "tpu.region"() ({
        %run_scoped3A = tpu.sem_alloc : memref<!tpu.dma_semaphore, #tpu.memory_space<semaphore_mem>>
        %dma_start3A_36 = arith.constant 0 : i32
        %dma_start3A_37 = tpu.memref_slice %arg17[%mul3A_13, %dma_start3A_36] : memref<10112x128xbf16, #tpu.memory_space<vmem_shared>> -> memref<632x128xbf16, #tpu.memory_space<vmem_shared>>
        %dma_start3A_38 = arith.constant 0 : i32
        %dma_start3A_39 = tpu.memref_slice %arg8[%mul3A_11, %dma_start3A_38] : memref<10112x128xbf16, #tpu.memory_space<hbm>> -> memref<632x128xbf16, #tpu.memory_space<hbm>>
        tpu.enqueue_dma source(%dma_start3A_39 : memref<632x128xbf16, #tpu.memory_space<hbm>>) target(%dma_start3A_37 : memref<632x128xbf16, #tpu.memory_space<vmem_shared>>) target_semaphore(%run_scoped3A : memref<!tpu.dma_semaphore, #tpu.memory_space<semaphore_mem>>)
        %dma_wait3A = arith.constant 0 : i32
        %dma_wait3A_40 = tpu.memref_slice %arg17[%mul3A_13, %dma_wait3A] : memref<10112x128xbf16, #tpu.memory_space<vmem_shared>> -> memref<632x128xbf16, #tpu.memory_space<vmem_shared>>
        %dma_wait3A_41 = arith.constant 0 : i32
        %dma_wait3A_42 = tpu.memref_slice %arg8[%mul3A_11, %dma_wait3A_41] : memref<10112x128xbf16, #tpu.memory_space<hbm>> -> memref<632x128xbf16, #tpu.memory_space<hbm>>
        tpu.wait_dma2 semaphore(%run_scoped3A : memref<!tpu.dma_semaphore, #tpu.memory_space<semaphore_mem>>) src(%dma_wait3A_42 : memref<632x128xbf16, #tpu.memory_space<hbm>>) dst(%dma_wait3A_40 : memref<632x128xbf16, #tpu.memory_space<vmem_shared>>)
        tpu.yield
      }) : () -> ()
      %barrier3A = arith.constant 0 : index
      tpu.barrier barrier_id(%barrier3A)
      %dma_start3A = arith.constant 0 : i32
      %dma_start3A_14 = arith.constant 0 : i32
      %dma_start3A_15 = tpu.memref_slice %arg13[%dma_start3A, %dma_start3A_14] : memref<80x256xi32, #tpu.memory_space<vmem>> -> memref<1x256xi32, #tpu.memory_space<vmem>>
      %dma_start3A_16 = tpu.memref_squeeze %dma_start3A_15 : memref<1x256xi32, #tpu.memory_space<vmem>> -> memref<256xi32, #tpu.memory_space<vmem>>
      %dma_start3A_17 = arith.constant 0 : i32
      %dma_start3A_18 = arith.constant 0 : i32
      %dma_start3A_19 = tpu.memref_slice %arg3[%dma_start3A_17, %dma_start3A_18] : memref<10000x128xbf16, #tpu.memory_space<hbm>> -> memref<10000x128xbf16, #tpu.memory_space<hbm>>
      tpu.enqueue_indirect_dma source(%dma_start3A_19 : memref<10000x128xbf16, #tpu.memory_space<hbm>>) target(%arg15 : memref<256x128xbf16, #tpu.memory_space<vmem>>) offsets(%dma_start3A_16 : memref<256xi32, #tpu.memory_space<vmem>>) semaphore(%arg19 : memref<!tpu.dma_semaphore, #tpu.memory_space<semaphore_mem>>)
      %dma_start3A_20 = arith.constant 1 : i32
      %dma_start3A_21 = arith.constant 0 : i32
      %dma_start3A_22 = tpu.memref_slice %arg13[%dma_start3A_20, %dma_start3A_21] : memref<80x256xi32, #tpu.memory_space<vmem>> -> memref<1x256xi32, #tpu.memory_space<vmem>>
      %dma_start3A_23 = tpu.memref_squeeze %dma_start3A_22 : memref<1x256xi32, #tpu.memory_space<vmem>> -> memref<256xi32, #tpu.memory_space<vmem>>
      %dma_start3A_24 = arith.constant 0 : i32
      %dma_start3A_25 = arith.constant 0 : i32
      %dma_start3A_26 = tpu.memref_slice %arg3[%dma_start3A_24, %dma_start3A_25] : memref<10000x128xbf16, #tpu.memory_space<hbm>> -> memref<10000x128xbf16, #tpu.memory_space<hbm>>
      tpu.enqueue_indirect_dma source(%dma_start3A_26 : memref<10000x128xbf16, #tpu.memory_space<hbm>>) target(%arg16 : memref<256x128xbf16, #tpu.memory_space<vmem>>) offsets(%dma_start3A_23 : memref<256xi32, #tpu.memory_space<vmem>>) semaphore(%arg20 : memref<!tpu.dma_semaphore, #tpu.memory_space<semaphore_mem>>)
      %scan3A = arith.constant 0 : i32
      %scan3A_27 = arith.constant 40 : i32
      %scan3A_28 = arith.addi %scan3A, %scan3A_27 : i32
      %scan3A_29 = arith.constant 1 : i32
      scf.for %scan3A_36 = %scan3A to %scan3A_28 step %scan3A_29  : i32 {
        %mul3A_37 = arith.constant 2 : i32
        %mul3A_38 = arith.muli %scan3A_36, %mul3A_37 : i32
        %add3A = arith.constant 0 : i32
        %add3A_39 = arith.addi %add3A, %mul3A_38 : i32
        %add3A_40 = arith.constant 0 : i32
        %add3A_41 = arith.addi %add3A_39, %add3A_40 : i32
        %dma_wait3A = arith.constant 0 : i32
        %dma_wait3A_42 = tpu.memref_slice %arg13[%add3A_41, %dma_wait3A] : memref<80x256xi32, #tpu.memory_space<vmem>> -> memref<1x256xi32, #tpu.memory_space<vmem>>
        %dma_wait3A_43 = tpu.memref_squeeze %dma_wait3A_42 : memref<1x256xi32, #tpu.memory_space<vmem>> -> memref<256xi32, #tpu.memory_space<vmem>>
        %dma_wait3A_44 = arith.constant 0 : i32
        %dma_wait3A_45 = arith.constant 0 : i32
        %dma_wait3A_46 = tpu.memref_slice %arg3[%dma_wait3A_44, %dma_wait3A_45] : memref<10000x128xbf16, #tpu.memory_space<hbm>> -> memref<10000x128xbf16, #tpu.memory_space<hbm>>
        tpu.wait_indirect_dma semaphore(%arg19 : memref<!tpu.dma_semaphore, #tpu.memory_space<semaphore_mem>>) src(%dma_wait3A_46 : memref<10000x128xbf16, #tpu.memory_space<hbm>>) dst(%arg15 : memref<256x128xbf16, #tpu.memory_space<vmem>>)
        %dma_start3A_47 = arith.constant 0 : i32
        %dma_start3A_48 = tpu.memref_slice %arg14[%add3A_41, %dma_start3A_47] : memref<80x256xi32, #tpu.memory_space<vmem>> -> memref<1x256xi32, #tpu.memory_space<vmem>>
        %dma_start3A_49 = tpu.memref_squeeze %dma_start3A_48 : memref<1x256xi32, #tpu.memory_space<vmem>> -> memref<256xi32, #tpu.memory_space<vmem>>
        %dma_start3A_50 = arith.constant 0 : i32
        %dma_start3A_51 = arith.constant 0 : i32
        %dma_start3A_52 = tpu.memref_slice %arg17[%dma_start3A_50, %dma_start3A_51] : memref<10112x128xbf16, #tpu.memory_space<vmem_shared>> -> memref<10112x128xbf16, #tpu.memory_space<vmem_shared>>
        tpu.enqueue_indirect_dma source(%arg15 : memref<256x128xbf16, #tpu.memory_space<vmem>>) target(%dma_start3A_52 : memref<10112x128xbf16, #tpu.memory_space<vmem_shared>>) offsets(%dma_start3A_49 : memref<256xi32, #tpu.memory_space<vmem>>) semaphore(%arg21 : memref<!tpu.dma_semaphore, #tpu.memory_space<semaphore_mem>>) {add = true}
        %dma_wait3A_53 = arith.constant 0 : i32
        %dma_wait3A_54 = tpu.memref_slice %arg14[%add3A_41, %dma_wait3A_53] : memref<80x256xi32, #tpu.memory_space<vmem>> -> memref<1x256xi32, #tpu.memory_space<vmem>>
        %dma_wait3A_55 = tpu.memref_squeeze %dma_wait3A_54 : memref<1x256xi32, #tpu.memory_space<vmem>> -> memref<256xi32, #tpu.memory_space<vmem>>
        %dma_wait3A_56 = arith.constant 0 : i32
        %dma_wait3A_57 = arith.constant 0 : i32
        %dma_wait3A_58 = tpu.memref_slice %arg17[%dma_wait3A_56, %dma_wait3A_57] : memref<10112x128xbf16, #tpu.memory_space<vmem_shared>> -> memref<10112x128xbf16, #tpu.memory_space<vmem_shared>>
        tpu.wait_indirect_dma semaphore(%arg21 : memref<!tpu.dma_semaphore, #tpu.memory_space<semaphore_mem>>) src(%arg15 : memref<256x128xbf16, #tpu.memory_space<vmem>>) dst(%dma_wait3A_58 : memref<10112x128xbf16, #tpu.memory_space<vmem_shared>>)
        %add3A_59 = arith.constant 2 : i32
        %add3A_60 = arith.addi %add3A_41, %add3A_59 : i32
        %lt3A = arith.constant 80 : i32
        %lt3A_61 = arith.cmpi slt, %add3A_60, %lt3A : i32
        %convert_element_type3A_62 = arith.extui %lt3A_61 : i1 to i32
        %cond3A_63 = arith.constant 0 : i32
        %cond3A_64 = arith.cmpi ne, %convert_element_type3A_62, %cond3A_63 : i32
        scf.if %cond3A_64 {
          %add3A_92 = arith.constant 2 : i32
          %add3A_93 = arith.addi %add3A_41, %add3A_92 : i32
          %dma_start3A_94 = arith.constant 0 : i32
          %dma_start3A_95 = tpu.memref_slice %arg13[%add3A_93, %dma_start3A_94] : memref<80x256xi32, #tpu.memory_space<vmem>> -> memref<1x256xi32, #tpu.memory_space<vmem>>
          %dma_start3A_96 = tpu.memref_squeeze %dma_start3A_95 : memref<1x256xi32, #tpu.memory_space<vmem>> -> memref<256xi32, #tpu.memory_space<vmem>>
          %dma_start3A_97 = arith.constant 0 : i32
          %dma_start3A_98 = arith.constant 0 : i32
          %dma_start3A_99 = tpu.memref_slice %arg3[%dma_start3A_97, %dma_start3A_98] : memref<10000x128xbf16, #tpu.memory_space<hbm>> -> memref<10000x128xbf16, #tpu.memory_space<hbm>>
          tpu.enqueue_indirect_dma source(%dma_start3A_99 : memref<10000x128xbf16, #tpu.memory_space<hbm>>) target(%arg15 : memref<256x128xbf16, #tpu.memory_space<vmem>>) offsets(%dma_start3A_96 : memref<256xi32, #tpu.memory_space<vmem>>) semaphore(%arg19 : memref<!tpu.dma_semaphore, #tpu.memory_space<semaphore_mem>>)
        } else {
        }
        %add3A_65 = arith.constant 1 : i32
        %add3A_66 = arith.addi %add3A_39, %add3A_65 : i32
        %dma_wait3A_67 = arith.constant 0 : i32
        %dma_wait3A_68 = tpu.memref_slice %arg13[%add3A_66, %dma_wait3A_67] : memref<80x256xi32, #tpu.memory_space<vmem>> -> memref<1x256xi32, #tpu.memory_space<vmem>>
        %dma_wait3A_69 = tpu.memref_squeeze %dma_wait3A_68 : memref<1x256xi32, #tpu.memory_space<vmem>> -> memref<256xi32, #tpu.memory_space<vmem>>
        %dma_wait3A_70 = arith.constant 0 : i32
        %dma_wait3A_71 = arith.constant 0 : i32
        %dma_wait3A_72 = tpu.memref_slice %arg3[%dma_wait3A_70, %dma_wait3A_71] : memref<10000x128xbf16, #tpu.memory_space<hbm>> -> memref<10000x128xbf16, #tpu.memory_space<hbm>>
        tpu.wait_indirect_dma semaphore(%arg20 : memref<!tpu.dma_semaphore, #tpu.memory_space<semaphore_mem>>) src(%dma_wait3A_72 : memref<10000x128xbf16, #tpu.memory_space<hbm>>) dst(%arg16 : memref<256x128xbf16, #tpu.memory_space<vmem>>)
        %dma_start3A_73 = arith.constant 0 : i32
        %dma_start3A_74 = tpu.memref_slice %arg14[%add3A_66, %dma_start3A_73] : memref<80x256xi32, #tpu.memory_space<vmem>> -> memref<1x256xi32, #tpu.memory_space<vmem>>
        %dma_start3A_75 = tpu.memref_squeeze %dma_start3A_74 : memref<1x256xi32, #tpu.memory_space<vmem>> -> memref<256xi32, #tpu.memory_space<vmem>>
        %dma_start3A_76 = arith.constant 0 : i32
        %dma_start3A_77 = arith.constant 0 : i32
        %dma_start3A_78 = tpu.memref_slice %arg17[%dma_start3A_76, %dma_start3A_77] : memref<10112x128xbf16, #tpu.memory_space<vmem_shared>> -> memref<10112x128xbf16, #tpu.memory_space<vmem_shared>>
        tpu.enqueue_indirect_dma source(%arg16 : memref<256x128xbf16, #tpu.memory_space<vmem>>) target(%dma_start3A_78 : memref<10112x128xbf16, #tpu.memory_space<vmem_shared>>) offsets(%dma_start3A_75 : memref<256xi32, #tpu.memory_space<vmem>>) semaphore(%arg22 : memref<!tpu.dma_semaphore, #tpu.memory_space<semaphore_mem>>) {add = true}
        %dma_wait3A_79 = arith.constant 0 : i32
        %dma_wait3A_80 = tpu.memref_slice %arg14[%add3A_66, %dma_wait3A_79] : memref<80x256xi32, #tpu.memory_space<vmem>> -> memref<1x256xi32, #tpu.memory_space<vmem>>
        %dma_wait3A_81 = tpu.memref_squeeze %dma_wait3A_80 : memref<1x256xi32, #tpu.memory_space<vmem>> -> memref<256xi32, #tpu.memory_space<vmem>>
        %dma_wait3A_82 = arith.constant 0 : i32
        %dma_wait3A_83 = arith.constant 0 : i32
        %dma_wait3A_84 = tpu.memref_slice %arg17[%dma_wait3A_82, %dma_wait3A_83] : memref<10112x128xbf16, #tpu.memory_space<vmem_shared>> -> memref<10112x128xbf16, #tpu.memory_space<vmem_shared>>
        tpu.wait_indirect_dma semaphore(%arg22 : memref<!tpu.dma_semaphore, #tpu.memory_space<semaphore_mem>>) src(%arg16 : memref<256x128xbf16, #tpu.memory_space<vmem>>) dst(%dma_wait3A_84 : memref<10112x128xbf16, #tpu.memory_space<vmem_shared>>)
        %add3A_85 = arith.constant 2 : i32
        %add3A_86 = arith.addi %add3A_66, %add3A_85 : i32
        %lt3A_87 = arith.constant 80 : i32
        %lt3A_88 = arith.cmpi slt, %add3A_86, %lt3A_87 : i32
        %convert_element_type3A_89 = arith.extui %lt3A_88 : i1 to i32
        %cond3A_90 = arith.constant 0 : i32
        %cond3A_91 = arith.cmpi ne, %convert_element_type3A_89, %cond3A_90 : i32
        scf.if %cond3A_91 {
          %add3A_92 = arith.constant 2 : i32
          %add3A_93 = arith.addi %add3A_66, %add3A_92 : i32
          %dma_start3A_94 = arith.constant 0 : i32
          %dma_start3A_95 = tpu.memref_slice %arg13[%add3A_93, %dma_start3A_94] : memref<80x256xi32, #tpu.memory_space<vmem>> -> memref<1x256xi32, #tpu.memory_space<vmem>>
          %dma_start3A_96 = tpu.memref_squeeze %dma_start3A_95 : memref<1x256xi32, #tpu.memory_space<vmem>> -> memref<256xi32, #tpu.memory_space<vmem>>
          %dma_start3A_97 = arith.constant 0 : i32
          %dma_start3A_98 = arith.constant 0 : i32
          %dma_start3A_99 = tpu.memref_slice %arg3[%dma_start3A_97, %dma_start3A_98] : memref<10000x128xbf16, #tpu.memory_space<hbm>> -> memref<10000x128xbf16, #tpu.memory_space<hbm>>
          tpu.enqueue_indirect_dma source(%dma_start3A_99 : memref<10000x128xbf16, #tpu.memory_space<hbm>>) target(%arg16 : memref<256x128xbf16, #tpu.memory_space<vmem>>) offsets(%dma_start3A_96 : memref<256xi32, #tpu.memory_space<vmem>>) semaphore(%arg20 : memref<!tpu.dma_semaphore, #tpu.memory_space<semaphore_mem>>)
        } else {
        }
      }
      %scan3A_30 = arith.constant 40 : i32
      %barrier3A_31 = arith.constant 0 : index
      tpu.barrier barrier_id(%barrier3A_31)
      %mul3A_32 = arith.constant 632 : i32
      %mul3A_33 = arith.muli %arg1, %mul3A_32 : i32
      %mul3A_34 = arith.constant 632 : i32
      %mul3A_35 = arith.muli %arg1, %mul3A_34 : i32
      "tpu.region"() ({
        %run_scoped3A = tpu.sem_alloc : memref<!tpu.dma_semaphore, #tpu.memory_space<semaphore_mem>>
        %dma_start3A_36 = arith.constant 0 : i32
        %dma_start3A_37 = tpu.memref_slice %arg12[%mul3A_35, %dma_start3A_36] : memref<10112x128xbf16, #tpu.memory_space<hbm>> -> memref<632x128xbf16, #tpu.memory_space<hbm>>
        %dma_start3A_38 = arith.constant 0 : i32
        %dma_start3A_39 = tpu.memref_slice %arg17[%mul3A_33, %dma_start3A_38] : memref<10112x128xbf16, #tpu.memory_space<vmem_shared>> -> memref<632x128xbf16, #tpu.memory_space<vmem_shared>>
        tpu.enqueue_dma source(%dma_start3A_39 : memref<632x128xbf16, #tpu.memory_space<vmem_shared>>) target(%dma_start3A_37 : memref<632x128xbf16, #tpu.memory_space<hbm>>) target_semaphore(%run_scoped3A : memref<!tpu.dma_semaphore, #tpu.memory_space<semaphore_mem>>)
        %dma_wait3A = arith.constant 0 : i32
        %dma_wait3A_40 = tpu.memref_slice %arg12[%mul3A_35, %dma_wait3A] : memref<10112x128xbf16, #tpu.memory_space<hbm>> -> memref<632x128xbf16, #tpu.memory_space<hbm>>
        %dma_wait3A_41 = arith.constant 0 : i32
        %dma_wait3A_42 = tpu.memref_slice %arg17[%mul3A_33, %dma_wait3A_41] : memref<10112x128xbf16, #tpu.memory_space<vmem_shared>> -> memref<632x128xbf16, #tpu.memory_space<vmem_shared>>
        tpu.wait_dma2 semaphore(%run_scoped3A : memref<!tpu.dma_semaphore, #tpu.memory_space<semaphore_mem>>) src(%dma_wait3A_42 : memref<632x128xbf16, #tpu.memory_space<vmem_shared>>) dst(%dma_wait3A_40 : memref<632x128xbf16, #tpu.memory_space<hbm>>)
        tpu.yield
      }) : () -> ()
    } else {
    }
    return
  }
}

module attributes {stable_mosaic.version = 14 : i64} {
  func.func @body(%arg0: i32, %arg1: memref<1000x128xbf16, #tpu.memory_space<vmem>>, %arg2: memref<1000x128xbf16, #tpu.memory_space<vmem>>, %arg3: memref<1000x128xf32, #tpu.memory_space<vmem>>, %arg4: memref<1000x128xf32, #tpu.memory_space<vmem>>, %arg5: memref<1000x16xf32, #tpu.memory_space<vmem>>, %arg6: memref<1000x16xf32, #tpu.memory_space<vmem>>, %arg7: memref<128x128xf32, #tpu.memory_space<vmem>>, %arg8: memref<1x128xf32, #tpu.memory_space<vmem>>, %arg9: memref<128x128xf32, #tpu.memory_space<vmem>>, %arg10: memref<128x128xf32, #tpu.memory_space<vmem>>, %arg11: memref<1x128xf32, #tpu.memory_space<vmem>>, %arg12: memref<128x128xf32, #tpu.memory_space<vmem>>, %arg13: memref<1000x128xf32, #tpu.memory_space<vmem>>, %arg14: memref<1000x128xf32, #tpu.memory_space<vmem>>, %arg15: memref<1000x128xbf16, #tpu.memory_space<vmem>>, %arg16: memref<1000x128xbf16, #tpu.memory_space<vmem>>) attributes {dimension_semantics = [#tpu.dimension_semantics<arbitrary>], iteration_bounds = array<i64: 10>, scalar_prefetch = 0 : i64, scratch_operands = 0 : i64, tpu.core_type = #tpu.core_type<tc>, window_params = [{transform_indices = @transform_0, window_bounds = array<i64: 1000, 128>}, {transform_indices = @transform_1, window_bounds = array<i64: 1000, 128>}, {transform_indices = @transform_2, window_bounds = array<i64: 1000, 128>}, {transform_indices = @transform_3, window_bounds = array<i64: 1000, 128>}, {transform_indices = @transform_4, window_bounds = array<i64: 1000, 16>}, {transform_indices = @transform_5, window_bounds = array<i64: 1000, 16>}, {pipeline_mode = #tpu.pipeline_mode<synchronous>, transform_indices = @transform_6, window_bounds = array<i64: 128, 128>}, {pipeline_mode = #tpu.pipeline_mode<synchronous>, transform_indices = @transform_7, window_bounds = array<i64: 1, 128>}, {pipeline_mode = #tpu.pipeline_mode<synchronous>, transform_indices = @transform_8, window_bounds = array<i64: 128, 128>}, {pipeline_mode = #tpu.pipeline_mode<synchronous>, transform_indices = @transform_9, window_bounds = array<i64: 128, 128>}, {pipeline_mode = #tpu.pipeline_mode<synchronous>, transform_indices = @transform_10, window_bounds = array<i64: 1, 128>}, {pipeline_mode = #tpu.pipeline_mode<synchronous>, transform_indices = @transform_11, window_bounds = array<i64: 128, 128>}, {transform_indices = @transform_12, window_bounds = array<i64: 1000, 128>}, {transform_indices = @transform_13, window_bounds = array<i64: 1000, 128>}, {transform_indices = @transform_14, window_bounds = array<i64: 1000, 128>}, {transform_indices = @transform_15, window_bounds = array<i64: 1000, 128>}]} {
    %get3A = arith.constant 0 : index
    %get3A_0 = arith.constant 0 : index
    %get3A_1 = vector.load %arg6[%get3A, %get3A_0] : memref<1000x16xf32, #tpu.memory_space<vmem>>, vector<1000x1xf32>
    %max3A = arith.constant 1.000000e+00 : f32
    %max3A_2 = vector.broadcast %max3A : f32 to vector<1000x1xf32>
    %max3A_3 = arith.maximumf %get3A_1, %max3A_2 : vector<1000x1xf32>
    %div3A = arith.constant 1.000000e+00 : f32
    %div3A_4 = vector.broadcast %div3A : f32 to vector<1000x1xf32>
    %div3A_5 = arith.divf %div3A_4, %max3A_3 : vector<1000x1xf32>
    %get3A_6 = arith.constant 0 : index
    %get3A_7 = arith.constant 0 : index
    %get3A_8 = vector.load %arg5[%get3A_6, %get3A_7] : memref<1000x16xf32, #tpu.memory_space<vmem>>, vector<1000x1xf32>
    %max3A_9 = arith.constant 1.000000e+00 : f32
    %max3A_10 = vector.broadcast %max3A_9 : f32 to vector<1000x1xf32>
    %max3A_11 = arith.maximumf %get3A_8, %max3A_10 : vector<1000x1xf32>
    %div3A_12 = arith.constant 1.000000e+00 : f32
    %div3A_13 = vector.broadcast %div3A_12 : f32 to vector<1000x1xf32>
    %div3A_14 = arith.divf %div3A_13, %max3A_11 : vector<1000x1xf32>
    %get3A_15 = arith.constant 0 : index
    %get3A_16 = arith.constant 0 : index
    %get3A_17 = vector.load %arg2[%get3A_15, %get3A_16] : memref<1000x128xbf16, #tpu.memory_space<vmem>>, vector<1000x128xbf16>
    %convert_element_type3A = arith.extf %get3A_17 : vector<1000x128xbf16> to vector<1000x128xf32>
    %mul3A = vector.broadcast %div3A_5 : vector<1000x1xf32> to vector<1000x128xf32>
    %mul3A_18 = arith.mulf %convert_element_type3A, %mul3A : vector<1000x128xf32>
    %get3A_19 = arith.constant 0 : index
    %get3A_20 = arith.constant 0 : index
    %get3A_21 = vector.load %arg7[%get3A_19, %get3A_20] : memref<128x128xf32, #tpu.memory_space<vmem>>, vector<128x128xf32>
    %dot_general3A = arith.constant dense<0.000000e+00> : vector<1000x128xf32>
    %dot_general3A_22 = tpu.matmul %mul3A_18, %get3A_21, %dot_general3A {dimension_numbers = #tpu.dot_dimension_numbers<[1], [0], [0], [1], [0, 0, 1, 1], [], []>, transpose_lhs_hint = false} : vector<1000x128xf32>, vector<128x128xf32>, vector<1000x128xf32> -> vector<1000x128xf32>
    %get3A_23 = arith.constant 0 : index
    %get3A_24 = arith.constant 0 : index
    %get3A_25 = vector.load %arg1[%get3A_23, %get3A_24] : memref<1000x128xbf16, #tpu.memory_space<vmem>>, vector<1000x128xbf16>
    %convert_element_type3A_26 = arith.extf %get3A_25 : vector<1000x128xbf16> to vector<1000x128xf32>
    %mul3A_27 = vector.broadcast %div3A_14 : vector<1000x1xf32> to vector<1000x128xf32>
    %mul3A_28 = arith.mulf %convert_element_type3A_26, %mul3A_27 : vector<1000x128xf32>
    %get3A_29 = arith.constant 0 : index
    %get3A_30 = arith.constant 0 : index
    %get3A_31 = vector.load %arg10[%get3A_29, %get3A_30] : memref<128x128xf32, #tpu.memory_space<vmem>>, vector<128x128xf32>
    %dot_general3A_32 = arith.constant dense<0.000000e+00> : vector<1000x128xf32>
    %dot_general3A_33 = tpu.matmul %mul3A_28, %get3A_31, %dot_general3A_32 {dimension_numbers = #tpu.dot_dimension_numbers<[1], [0], [0], [1], [0, 0, 1, 1], [], []>, transpose_lhs_hint = false} : vector<1000x128xf32>, vector<128x128xf32>, vector<1000x128xf32> -> vector<1000x128xf32>
    %get3A_34 = arith.constant 0 : index
    %get3A_35 = arith.constant 0 : index
    %get3A_36 = vector.load %arg8[%get3A_34, %get3A_35] : memref<1x128xf32, #tpu.memory_space<vmem>>, vector<1x128xf32>
    %add3A = vector.broadcast %get3A_36 : vector<1x128xf32> to vector<1000x128xf32>
    %add3A_37 = arith.addf %dot_general3A_22, %add3A : vector<1000x128xf32>
    %get3A_38 = arith.constant 0 : index
    %get3A_39 = arith.constant 0 : index
    %get3A_40 = vector.load %arg4[%get3A_38, %get3A_39] : memref<1000x128xf32, #tpu.memory_space<vmem>>, vector<1000x128xf32>
    %get3A_41 = arith.constant 0 : index
    %get3A_42 = arith.constant 0 : index
    %get3A_43 = vector.load %arg9[%get3A_41, %get3A_42] : memref<128x128xf32, #tpu.memory_space<vmem>>, vector<128x128xf32>
    %dot_general3A_44 = arith.constant dense<0.000000e+00> : vector<1000x128xf32>
    %dot_general3A_45 = tpu.matmul %get3A_40, %get3A_43, %dot_general3A_44 {dimension_numbers = #tpu.dot_dimension_numbers<[1], [0], [0], [1], [0, 0, 1, 1], [], []>, transpose_lhs_hint = false} : vector<1000x128xf32>, vector<128x128xf32>, vector<1000x128xf32> -> vector<1000x128xf32>
    %add3A_46 = arith.addf %add3A_37, %dot_general3A_45 : vector<1000x128xf32>
    %max3A_47 = arith.constant 0.000000e+00 : f32
    %max3A_48 = vector.broadcast %max3A_47 : f32 to vector<1000x128xf32>
    %max3A_49 = arith.maximumf %add3A_46, %max3A_48 : vector<1000x128xf32>
    %get3A_50 = arith.constant 0 : index
    %get3A_51 = arith.constant 0 : index
    %get3A_52 = vector.load %arg11[%get3A_50, %get3A_51] : memref<1x128xf32, #tpu.memory_space<vmem>>, vector<1x128xf32>
    %add3A_53 = vector.broadcast %get3A_52 : vector<1x128xf32> to vector<1000x128xf32>
    %add3A_54 = arith.addf %dot_general3A_33, %add3A_53 : vector<1000x128xf32>
    %get3A_55 = arith.constant 0 : index
    %get3A_56 = arith.constant 0 : index
    %get3A_57 = vector.load %arg3[%get3A_55, %get3A_56] : memref<1000x128xf32, #tpu.memory_space<vmem>>, vector<1000x128xf32>
    %get3A_58 = arith.constant 0 : index
    %get3A_59 = arith.constant 0 : index
    %get3A_60 = vector.load %arg12[%get3A_58, %get3A_59] : memref<128x128xf32, #tpu.memory_space<vmem>>, vector<128x128xf32>
    %dot_general3A_61 = arith.constant dense<0.000000e+00> : vector<1000x128xf32>
    %dot_general3A_62 = tpu.matmul %get3A_57, %get3A_60, %dot_general3A_61 {dimension_numbers = #tpu.dot_dimension_numbers<[1], [0], [0], [1], [0, 0, 1, 1], [], []>, transpose_lhs_hint = false} : vector<1000x128xf32>, vector<128x128xf32>, vector<1000x128xf32> -> vector<1000x128xf32>
    %add3A_63 = arith.addf %add3A_54, %dot_general3A_62 : vector<1000x128xf32>
    %max3A_64 = arith.constant 0.000000e+00 : f32
    %max3A_65 = vector.broadcast %max3A_64 : f32 to vector<1000x128xf32>
    %max3A_66 = arith.maximumf %add3A_63, %max3A_65 : vector<1000x128xf32>
    %swap3A = arith.constant 0 : index
    %swap3A_67 = arith.constant 0 : index
    %swap3A_68 = vector.load %arg13[%swap3A, %swap3A_67] : memref<1000x128xf32, #tpu.memory_space<vmem>>, vector<1000x128xf32>
    tpu.vector_store %arg13[%swap3A, %swap3A_67], %max3A_66 {strides = array<i32>} : memref<1000x128xf32, #tpu.memory_space<vmem>>, vector<1000x128xf32>,
    %swap3A_69 = arith.constant 0 : index
    %swap3A_70 = arith.constant 0 : index
    %swap3A_71 = vector.load %arg14[%swap3A_69, %swap3A_70] : memref<1000x128xf32, #tpu.memory_space<vmem>>, vector<1000x128xf32>
    tpu.vector_store %arg14[%swap3A_69, %swap3A_70], %max3A_49 {strides = array<i32>} : memref<1000x128xf32, #tpu.memory_space<vmem>>, vector<1000x128xf32>,
    %convert_element_type3A_72 = arith.truncf %max3A_66 : vector<1000x128xf32> to vector<1000x128xbf16>
    %swap3A_73 = arith.constant 0 : index
    %swap3A_74 = arith.constant 0 : index
    %swap3A_75 = vector.load %arg15[%swap3A_73, %swap3A_74] : memref<1000x128xbf16, #tpu.memory_space<vmem>>, vector<1000x128xbf16>
    tpu.vector_store %arg15[%swap3A_73, %swap3A_74], %convert_element_type3A_72 {strides = array<i32>} : memref<1000x128xbf16, #tpu.memory_space<vmem>>, vector<1000x128xbf16>,
    %convert_element_type3A_76 = arith.truncf %max3A_49 : vector<1000x128xf32> to vector<1000x128xbf16>
    %swap3A_77 = arith.constant 0 : index
    %swap3A_78 = arith.constant 0 : index
    %swap3A_79 = vector.load %arg16[%swap3A_77, %swap3A_78] : memref<1000x128xbf16, #tpu.memory_space<vmem>>, vector<1000x128xbf16>
    tpu.vector_store %arg16[%swap3A_77, %swap3A_78], %convert_element_type3A_76 {strides = array<i32>} : memref<1000x128xbf16, #tpu.memory_space<vmem>>, vector<1000x128xbf16>,
    return
  }
  func.func @transform_0(%arg0: i32) -> (i32, i32) {
    %c0_i32 = arith.constant 0 : i32
    %c0_i32_0 = arith.constant 0 : i32
    return %arg0, %c0_i32 : i32, i32
  }
  func.func @transform_1(%arg0: i32) -> (i32, i32) {
    %c0_i32 = arith.constant 0 : i32
    %c0_i32_0 = arith.constant 0 : i32
    return %arg0, %c0_i32 : i32, i32
  }
  func.func @transform_2(%arg0: i32) -> (i32, i32) {
    %c0_i32 = arith.constant 0 : i32
    %c0_i32_0 = arith.constant 0 : i32
    return %arg0, %c0_i32 : i32, i32
  }
  func.func @transform_3(%arg0: i32) -> (i32, i32) {
    %c0_i32 = arith.constant 0 : i32
    %c0_i32_0 = arith.constant 0 : i32
    return %arg0, %c0_i32 : i32, i32
  }
  func.func @transform_4(%arg0: i32) -> (i32, i32) {
    %c0_i32 = arith.constant 0 : i32
    %c0_i32_0 = arith.constant 0 : i32
    return %arg0, %c0_i32 : i32, i32
  }
  func.func @transform_5(%arg0: i32) -> (i32, i32) {
    %c0_i32 = arith.constant 0 : i32
    %c0_i32_0 = arith.constant 0 : i32
    return %arg0, %c0_i32 : i32, i32
  }
  func.func @transform_6(%arg0: i32) -> (i32, i32) {
    %c0_i32 = arith.constant 0 : i32
    %c0_i32_0 = arith.constant 0 : i32
    %c0_i32_1 = arith.constant 0 : i32
    return %c0_i32, %c0_i32_0 : i32, i32
  }
  func.func @transform_7(%arg0: i32) -> (i32, i32) {
    %c0_i32 = arith.constant 0 : i32
    %c0_i32_0 = arith.constant 0 : i32
    %c0_i32_1 = arith.constant 0 : i32
    return %c0_i32, %c0_i32_0 : i32, i32
  }
  func.func @transform_8(%arg0: i32) -> (i32, i32) {
    %c0_i32 = arith.constant 0 : i32
    %c0_i32_0 = arith.constant 0 : i32
    %c0_i32_1 = arith.constant 0 : i32
    return %c0_i32, %c0_i32_0 : i32, i32
  }
  func.func @transform_9(%arg0: i32) -> (i32, i32) {
    %c0_i32 = arith.constant 0 : i32
    %c0_i32_0 = arith.constant 0 : i32
    %c0_i32_1 = arith.constant 0 : i32
    return %c0_i32, %c0_i32_0 : i32, i32
  }
  func.func @transform_10(%arg0: i32) -> (i32, i32) {
    %c0_i32 = arith.constant 0 : i32
    %c0_i32_0 = arith.constant 0 : i32
    %c0_i32_1 = arith.constant 0 : i32
    return %c0_i32, %c0_i32_0 : i32, i32
  }
  func.func @transform_11(%arg0: i32) -> (i32, i32) {
    %c0_i32 = arith.constant 0 : i32
    %c0_i32_0 = arith.constant 0 : i32
    %c0_i32_1 = arith.constant 0 : i32
    return %c0_i32, %c0_i32_0 : i32, i32
  }
  func.func @transform_12(%arg0: i32) -> (i32, i32) {
    %c0_i32 = arith.constant 0 : i32
    %c0_i32_0 = arith.constant 0 : i32
    return %arg0, %c0_i32 : i32, i32
  }
  func.func @transform_13(%arg0: i32) -> (i32, i32) {
    %c0_i32 = arith.constant 0 : i32
    %c0_i32_0 = arith.constant 0 : i32
    return %arg0, %c0_i32 : i32, i32
  }
  func.func @transform_14(%arg0: i32) -> (i32, i32) {
    %c0_i32 = arith.constant 0 : i32
    %c0_i32_0 = arith.constant 0 : i32
    return %arg0, %c0_i32 : i32, i32
  }
  func.func @transform_15(%arg0: i32) -> (i32, i32) {
    %c0_i32 = arith.constant 0 : i32
    %c0_i32_0 = arith.constant 0 : i32
    return %arg0, %c0_i32 : i32, i32
  }
}

module attributes {stable_mosaic.version = 14 : i64} {
  func.func @body(%arg0: i32, %arg1: memref<1000x128xbf16, #tpu.memory_space<vmem>>, %arg2: memref<1000x128xbf16, #tpu.memory_space<vmem>>, %arg3: memref<1000x128xf32, #tpu.memory_space<vmem>>, %arg4: memref<1000x128xf32, #tpu.memory_space<vmem>>, %arg5: memref<1000x16xf32, #tpu.memory_space<vmem>>, %arg6: memref<1000x16xf32, #tpu.memory_space<vmem>>, %arg7: memref<128x128xf32, #tpu.memory_space<vmem>>, %arg8: memref<1x128xf32, #tpu.memory_space<vmem>>, %arg9: memref<128x128xf32, #tpu.memory_space<vmem>>, %arg10: memref<128x128xf32, #tpu.memory_space<vmem>>, %arg11: memref<1x128xf32, #tpu.memory_space<vmem>>, %arg12: memref<128x128xf32, #tpu.memory_space<vmem>>, %arg13: memref<128x32xf32, #tpu.memory_space<vmem>>, %arg14: memref<1x32xf32, #tpu.memory_space<vmem>>, %arg15: memref<128x32xf32, #tpu.memory_space<vmem>>, %arg16: memref<1x32xf32, #tpu.memory_space<vmem>>, %arg17: memref<1000x32xf32, #tpu.memory_space<vmem>>, %arg18: memref<1000x32xf32, #tpu.memory_space<vmem>>) attributes {dimension_semantics = [#tpu.dimension_semantics<arbitrary>], iteration_bounds = array<i64: 10>, scalar_prefetch = 0 : i64, scratch_operands = 0 : i64, tpu.core_type = #tpu.core_type<tc>, window_params = [{transform_indices = @transform_0, window_bounds = array<i64: 1000, 128>}, {transform_indices = @transform_1, window_bounds = array<i64: 1000, 128>}, {transform_indices = @transform_2, window_bounds = array<i64: 1000, 128>}, {transform_indices = @transform_3, window_bounds = array<i64: 1000, 128>}, {transform_indices = @transform_4, window_bounds = array<i64: 1000, 16>}, {transform_indices = @transform_5, window_bounds = array<i64: 1000, 16>}, {pipeline_mode = #tpu.pipeline_mode<synchronous>, transform_indices = @transform_6, window_bounds = array<i64: 128, 128>}, {pipeline_mode = #tpu.pipeline_mode<synchronous>, transform_indices = @transform_7, window_bounds = array<i64: 1, 128>}, {pipeline_mode = #tpu.pipeline_mode<synchronous>, transform_indices = @transform_8, window_bounds = array<i64: 128, 128>}, {pipeline_mode = #tpu.pipeline_mode<synchronous>, transform_indices = @transform_9, window_bounds = array<i64: 128, 128>}, {pipeline_mode = #tpu.pipeline_mode<synchronous>, transform_indices = @transform_10, window_bounds = array<i64: 1, 128>}, {pipeline_mode = #tpu.pipeline_mode<synchronous>, transform_indices = @transform_11, window_bounds = array<i64: 128, 128>}, {pipeline_mode = #tpu.pipeline_mode<synchronous>, transform_indices = @transform_12, window_bounds = array<i64: 128, 32>}, {pipeline_mode = #tpu.pipeline_mode<synchronous>, transform_indices = @transform_13, window_bounds = array<i64: 1, 32>}, {pipeline_mode = #tpu.pipeline_mode<synchronous>, transform_indices = @transform_14, window_bounds = array<i64: 128, 32>}, {pipeline_mode = #tpu.pipeline_mode<synchronous>, transform_indices = @transform_15, window_bounds = array<i64: 1, 32>}, {transform_indices = @transform_16, window_bounds = array<i64: 1000, 32>}, {transform_indices = @transform_17, window_bounds = array<i64: 1000, 32>}]} {
    %get3A = arith.constant 0 : index
    %get3A_0 = arith.constant 0 : index
    %get3A_1 = vector.load %arg6[%get3A, %get3A_0] : memref<1000x16xf32, #tpu.memory_space<vmem>>, vector<1000x1xf32>
    %max3A = arith.constant 1.000000e+00 : f32
    %max3A_2 = vector.broadcast %max3A : f32 to vector<1000x1xf32>
    %max3A_3 = arith.maximumf %get3A_1, %max3A_2 : vector<1000x1xf32>
    %div3A = arith.constant 1.000000e+00 : f32
    %div3A_4 = vector.broadcast %div3A : f32 to vector<1000x1xf32>
    %div3A_5 = arith.divf %div3A_4, %max3A_3 : vector<1000x1xf32>
    %get3A_6 = arith.constant 0 : index
    %get3A_7 = arith.constant 0 : index
    %get3A_8 = vector.load %arg5[%get3A_6, %get3A_7] : memref<1000x16xf32, #tpu.memory_space<vmem>>, vector<1000x1xf32>
    %max3A_9 = arith.constant 1.000000e+00 : f32
    %max3A_10 = vector.broadcast %max3A_9 : f32 to vector<1000x1xf32>
    %max3A_11 = arith.maximumf %get3A_8, %max3A_10 : vector<1000x1xf32>
    %div3A_12 = arith.constant 1.000000e+00 : f32
    %div3A_13 = vector.broadcast %div3A_12 : f32 to vector<1000x1xf32>
    %div3A_14 = arith.divf %div3A_13, %max3A_11 : vector<1000x1xf32>
    %get3A_15 = arith.constant 0 : index
    %get3A_16 = arith.constant 0 : index
    %get3A_17 = vector.load %arg2[%get3A_15, %get3A_16] : memref<1000x128xbf16, #tpu.memory_space<vmem>>, vector<1000x128xbf16>
    %convert_element_type3A = arith.extf %get3A_17 : vector<1000x128xbf16> to vector<1000x128xf32>
    %mul3A = vector.broadcast %div3A_5 : vector<1000x1xf32> to vector<1000x128xf32>
    %mul3A_18 = arith.mulf %convert_element_type3A, %mul3A : vector<1000x128xf32>
    %get3A_19 = arith.constant 0 : index
    %get3A_20 = arith.constant 0 : index
    %get3A_21 = vector.load %arg7[%get3A_19, %get3A_20] : memref<128x128xf32, #tpu.memory_space<vmem>>, vector<128x128xf32>
    %dot_general3A = arith.constant dense<0.000000e+00> : vector<1000x128xf32>
    %dot_general3A_22 = tpu.matmul %mul3A_18, %get3A_21, %dot_general3A {dimension_numbers = #tpu.dot_dimension_numbers<[1], [0], [0], [1], [0, 0, 1, 1], [], []>, transpose_lhs_hint = false} : vector<1000x128xf32>, vector<128x128xf32>, vector<1000x128xf32> -> vector<1000x128xf32>
    %get3A_23 = arith.constant 0 : index
    %get3A_24 = arith.constant 0 : index
    %get3A_25 = vector.load %arg1[%get3A_23, %get3A_24] : memref<1000x128xbf16, #tpu.memory_space<vmem>>, vector<1000x128xbf16>
    %convert_element_type3A_26 = arith.extf %get3A_25 : vector<1000x128xbf16> to vector<1000x128xf32>
    %mul3A_27 = vector.broadcast %div3A_14 : vector<1000x1xf32> to vector<1000x128xf32>
    %mul3A_28 = arith.mulf %convert_element_type3A_26, %mul3A_27 : vector<1000x128xf32>
    %get3A_29 = arith.constant 0 : index
    %get3A_30 = arith.constant 0 : index
    %get3A_31 = vector.load %arg10[%get3A_29, %get3A_30] : memref<128x128xf32, #tpu.memory_space<vmem>>, vector<128x128xf32>
    %dot_general3A_32 = arith.constant dense<0.000000e+00> : vector<1000x128xf32>
    %dot_general3A_33 = tpu.matmul %mul3A_28, %get3A_31, %dot_general3A_32 {dimension_numbers = #tpu.dot_dimension_numbers<[1], [0], [0], [1], [0, 0, 1, 1], [], []>, transpose_lhs_hint = false} : vector<1000x128xf32>, vector<128x128xf32>, vector<1000x128xf32> -> vector<1000x128xf32>
    %get3A_34 = arith.constant 0 : index
    %get3A_35 = arith.constant 0 : index
    %get3A_36 = vector.load %arg8[%get3A_34, %get3A_35] : memref<1x128xf32, #tpu.memory_space<vmem>>, vector<1x128xf32>
    %add3A = vector.broadcast %get3A_36 : vector<1x128xf32> to vector<1000x128xf32>
    %add3A_37 = arith.addf %dot_general3A_22, %add3A : vector<1000x128xf32>
    %get3A_38 = arith.constant 0 : index
    %get3A_39 = arith.constant 0 : index
    %get3A_40 = vector.load %arg4[%get3A_38, %get3A_39] : memref<1000x128xf32, #tpu.memory_space<vmem>>, vector<1000x128xf32>
    %get3A_41 = arith.constant 0 : index
    %get3A_42 = arith.constant 0 : index
    %get3A_43 = vector.load %arg9[%get3A_41, %get3A_42] : memref<128x128xf32, #tpu.memory_space<vmem>>, vector<128x128xf32>
    %dot_general3A_44 = arith.constant dense<0.000000e+00> : vector<1000x128xf32>
    %dot_general3A_45 = tpu.matmul %get3A_40, %get3A_43, %dot_general3A_44 {dimension_numbers = #tpu.dot_dimension_numbers<[1], [0], [0], [1], [0, 0, 1, 1], [], []>, transpose_lhs_hint = false} : vector<1000x128xf32>, vector<128x128xf32>, vector<1000x128xf32> -> vector<1000x128xf32>
    %add3A_46 = arith.addf %add3A_37, %dot_general3A_45 : vector<1000x128xf32>
    %max3A_47 = arith.constant 0.000000e+00 : f32
    %max3A_48 = vector.broadcast %max3A_47 : f32 to vector<1000x128xf32>
    %max3A_49 = arith.maximumf %add3A_46, %max3A_48 : vector<1000x128xf32>
    %get3A_50 = arith.constant 0 : index
    %get3A_51 = arith.constant 0 : index
    %get3A_52 = vector.load %arg11[%get3A_50, %get3A_51] : memref<1x128xf32, #tpu.memory_space<vmem>>, vector<1x128xf32>
    %add3A_53 = vector.broadcast %get3A_52 : vector<1x128xf32> to vector<1000x128xf32>
    %add3A_54 = arith.addf %dot_general3A_33, %add3A_53 : vector<1000x128xf32>
    %get3A_55 = arith.constant 0 : index
    %get3A_56 = arith.constant 0 : index
    %get3A_57 = vector.load %arg3[%get3A_55, %get3A_56] : memref<1000x128xf32, #tpu.memory_space<vmem>>, vector<1000x128xf32>
    %get3A_58 = arith.constant 0 : index
    %get3A_59 = arith.constant 0 : index
    %get3A_60 = vector.load %arg12[%get3A_58, %get3A_59] : memref<128x128xf32, #tpu.memory_space<vmem>>, vector<128x128xf32>
    %dot_general3A_61 = arith.constant dense<0.000000e+00> : vector<1000x128xf32>
    %dot_general3A_62 = tpu.matmul %get3A_57, %get3A_60, %dot_general3A_61 {dimension_numbers = #tpu.dot_dimension_numbers<[1], [0], [0], [1], [0, 0, 1, 1], [], []>, transpose_lhs_hint = false} : vector<1000x128xf32>, vector<128x128xf32>, vector<1000x128xf32> -> vector<1000x128xf32>
    %add3A_63 = arith.addf %add3A_54, %dot_general3A_62 : vector<1000x128xf32>
    %max3A_64 = arith.constant 0.000000e+00 : f32
    %max3A_65 = vector.broadcast %max3A_64 : f32 to vector<1000x128xf32>
    %max3A_66 = arith.maximumf %add3A_63, %max3A_65 : vector<1000x128xf32>
    %get3A_67 = arith.constant 0 : index
    %get3A_68 = arith.constant 0 : index
    %get3A_69 = vector.load %arg13[%get3A_67, %get3A_68] : memref<128x32xf32, #tpu.memory_space<vmem>>, vector<128x32xf32>
    %dot_general3A_70 = arith.constant dense<0.000000e+00> : vector<1000x32xf32>
    %dot_general3A_71 = tpu.matmul %max3A_66, %get3A_69, %dot_general3A_70 {dimension_numbers = #tpu.dot_dimension_numbers<[1], [0], [0], [1], [0, 0, 1, 1], [], []>, transpose_lhs_hint = false} : vector<1000x128xf32>, vector<128x32xf32>, vector<1000x32xf32> -> vector<1000x32xf32>
    %get3A_72 = arith.constant 0 : index
    %get3A_73 = arith.constant 0 : index
    %get3A_74 = vector.load %arg14[%get3A_72, %get3A_73] : memref<1x32xf32, #tpu.memory_space<vmem>>, vector<1x32xf32>
    %add3A_75 = vector.broadcast %get3A_74 : vector<1x32xf32> to vector<1000x32xf32>
    %add3A_76 = arith.addf %dot_general3A_71, %add3A_75 : vector<1000x32xf32>
    %swap3A = arith.constant 0 : index
    %swap3A_77 = arith.constant 0 : index
    %swap3A_78 = vector.load %arg17[%swap3A, %swap3A_77] : memref<1000x32xf32, #tpu.memory_space<vmem>>, vector<1000x32xf32>
    tpu.vector_store %arg17[%swap3A, %swap3A_77], %add3A_76 {strides = array<i32>} : memref<1000x32xf32, #tpu.memory_space<vmem>>, vector<1000x32xf32>,
    %get3A_79 = arith.constant 0 : index
    %get3A_80 = arith.constant 0 : index
    %get3A_81 = vector.load %arg15[%get3A_79, %get3A_80] : memref<128x32xf32, #tpu.memory_space<vmem>>, vector<128x32xf32>
    %dot_general3A_82 = arith.constant dense<0.000000e+00> : vector<1000x32xf32>
    %dot_general3A_83 = tpu.matmul %max3A_49, %get3A_81, %dot_general3A_82 {dimension_numbers = #tpu.dot_dimension_numbers<[1], [0], [0], [1], [0, 0, 1, 1], [], []>, transpose_lhs_hint = false} : vector<1000x128xf32>, vector<128x32xf32>, vector<1000x32xf32> -> vector<1000x32xf32>
    %get3A_84 = arith.constant 0 : index
    %get3A_85 = arith.constant 0 : index
    %get3A_86 = vector.load %arg16[%get3A_84, %get3A_85] : memref<1x32xf32, #tpu.memory_space<vmem>>, vector<1x32xf32>
    %add3A_87 = vector.broadcast %get3A_86 : vector<1x32xf32> to vector<1000x32xf32>
    %add3A_88 = arith.addf %dot_general3A_83, %add3A_87 : vector<1000x32xf32>
    %swap3A_89 = arith.constant 0 : index
    %swap3A_90 = arith.constant 0 : index
    %swap3A_91 = vector.load %arg18[%swap3A_89, %swap3A_90] : memref<1000x32xf32, #tpu.memory_space<vmem>>, vector<1000x32xf32>
    tpu.vector_store %arg18[%swap3A_89, %swap3A_90], %add3A_88 {strides = array<i32>} : memref<1000x32xf32, #tpu.memory_space<vmem>>, vector<1000x32xf32>,
    return
  }
  func.func @transform_0(%arg0: i32) -> (i32, i32) {
    %c0_i32 = arith.constant 0 : i32
    %c0_i32_0 = arith.constant 0 : i32
    return %arg0, %c0_i32 : i32, i32
  }
  func.func @transform_1(%arg0: i32) -> (i32, i32) {
    %c0_i32 = arith.constant 0 : i32
    %c0_i32_0 = arith.constant 0 : i32
    return %arg0, %c0_i32 : i32, i32
  }
  func.func @transform_2(%arg0: i32) -> (i32, i32) {
    %c0_i32 = arith.constant 0 : i32
    %c0_i32_0 = arith.constant 0 : i32
    return %arg0, %c0_i32 : i32, i32
  }
  func.func @transform_3(%arg0: i32) -> (i32, i32) {
    %c0_i32 = arith.constant 0 : i32
    %c0_i32_0 = arith.constant 0 : i32
    return %arg0, %c0_i32 : i32, i32
  }
  func.func @transform_4(%arg0: i32) -> (i32, i32) {
    %c0_i32 = arith.constant 0 : i32
    %c0_i32_0 = arith.constant 0 : i32
    return %arg0, %c0_i32 : i32, i32
  }
  func.func @transform_5(%arg0: i32) -> (i32, i32) {
    %c0_i32 = arith.constant 0 : i32
    %c0_i32_0 = arith.constant 0 : i32
    return %arg0, %c0_i32 : i32, i32
  }
  func.func @transform_6(%arg0: i32) -> (i32, i32) {
    %c0_i32 = arith.constant 0 : i32
    %c0_i32_0 = arith.constant 0 : i32
    %c0_i32_1 = arith.constant 0 : i32
    return %c0_i32, %c0_i32_0 : i32, i32
  }
  func.func @transform_7(%arg0: i32) -> (i32, i32) {
    %c0_i32 = arith.constant 0 : i32
    %c0_i32_0 = arith.constant 0 : i32
    %c0_i32_1 = arith.constant 0 : i32
    return %c0_i32, %c0_i32_0 : i32, i32
  }
  func.func @transform_8(%arg0: i32) -> (i32, i32) {
    %c0_i32 = arith.constant 0 : i32
    %c0_i32_0 = arith.constant 0 : i32
    %c0_i32_1 = arith.constant 0 : i32
    return %c0_i32, %c0_i32_0 : i32, i32
  }
  func.func @transform_9(%arg0: i32) -> (i32, i32) {
    %c0_i32 = arith.constant 0 : i32
    %c0_i32_0 = arith.constant 0 : i32
    %c0_i32_1 = arith.constant 0 : i32
    return %c0_i32, %c0_i32_0 : i32, i32
  }
  func.func @transform_10(%arg0: i32) -> (i32, i32) {
    %c0_i32 = arith.constant 0 : i32
    %c0_i32_0 = arith.constant 0 : i32
    %c0_i32_1 = arith.constant 0 : i32
    return %c0_i32, %c0_i32_0 : i32, i32
  }
  func.func @transform_11(%arg0: i32) -> (i32, i32) {
    %c0_i32 = arith.constant 0 : i32
    %c0_i32_0 = arith.constant 0 : i32
    %c0_i32_1 = arith.constant 0 : i32
    return %c0_i32, %c0_i32_0 : i32, i32
  }
  func.func @transform_12(%arg0: i32) -> (i32, i32) {
    %c0_i32 = arith.constant 0 : i32
    %c0_i32_0 = arith.constant 0 : i32
    %c0_i32_1 = arith.constant 0 : i32
    return %c0_i32, %c0_i32_0 : i32, i32
  }
  func.func @transform_13(%arg0: i32) -> (i32, i32) {
    %c0_i32 = arith.constant 0 : i32
    %c0_i32_0 = arith.constant 0 : i32
    %c0_i32_1 = arith.constant 0 : i32
    return %c0_i32, %c0_i32_0 : i32, i32
  }
  func.func @transform_14(%arg0: i32) -> (i32, i32) {
    %c0_i32 = arith.constant 0 : i32
    %c0_i32_0 = arith.constant 0 : i32
    %c0_i32_1 = arith.constant 0 : i32
    return %c0_i32, %c0_i32_0 : i32, i32
  }
  func.func @transform_15(%arg0: i32) -> (i32, i32) {
    %c0_i32 = arith.constant 0 : i32
    %c0_i32_0 = arith.constant 0 : i32
    %c0_i32_1 = arith.constant 0 : i32
    return %c0_i32, %c0_i32_0 : i32, i32
  }
  func.func @transform_16(%arg0: i32) -> (i32, i32) {
    %c0_i32 = arith.constant 0 : i32
    %c0_i32_0 = arith.constant 0 : i32
    return %arg0, %c0_i32 : i32, i32
  }
  func.func @transform_17(%arg0: i32) -> (i32, i32) {
    %c0_i32 = arith.constant 0 : i32
    %c0_i32_0 = arith.constant 0 : i32
    return %arg0, %c0_i32 : i32, i32
  }
}

module attributes {stable_mosaic.version = 14 : i64} {
  func.func @body(%arg0: i32, %arg1: memref<200x32xf32, #tpu.memory_space<vmem>>, %arg2: memref<10000x32xf32, #tpu.memory_space<vmem>>, %arg3: memref<200x10000xf32, #tpu.memory_space<vmem>>) attributes {dimension_semantics = [#tpu.dimension_semantics<arbitrary>], iteration_bounds = array<i64: 50>, scalar_prefetch = 0 : i64, scratch_operands = 0 : i64, tpu.core_type = #tpu.core_type<tc>, window_params = [{transform_indices = @transform_0, window_bounds = array<i64: 200, 32>}, {pipeline_mode = #tpu.pipeline_mode<synchronous>, transform_indices = @transform_1, window_bounds = array<i64: 10000, 32>}, {transform_indices = @transform_2, window_bounds = array<i64: 200, 10000>}]} {
    %get3A = arith.constant 0 : index
    %get3A_0 = arith.constant 0 : index
    %get3A_1 = vector.load %arg1[%get3A, %get3A_0] : memref<200x32xf32, #tpu.memory_space<vmem>>, vector<200x32xf32>
    %get3A_2 = arith.constant 0 : index
    %get3A_3 = arith.constant 0 : index
    %get3A_4 = vector.load %arg2[%get3A_2, %get3A_3] : memref<10000x32xf32, #tpu.memory_space<vmem>>, vector<10000x32xf32>
    %dot_general3A = arith.constant dense<0.000000e+00> : vector<200x10000xf32>
    %dot_general3A_5 = tpu.matmul %get3A_1, %get3A_4, %dot_general3A {dimension_numbers = #tpu.dot_dimension_numbers<[1], [1], [0], [0], [0, 0, 1, 0], [], []>, transpose_lhs_hint = false} : vector<200x32xf32>, vector<10000x32xf32>, vector<200x10000xf32> -> vector<200x10000xf32>
    %neg3A = arith.constant 0.000000e+00 : f32
    %neg3A_6 = vector.broadcast %neg3A : f32 to vector<200x10000xf32>
    %neg3A_7 = arith.subf %neg3A_6, %dot_general3A_5 : vector<200x10000xf32>
    %exp3A = math.exp %neg3A_7 : vector<200x10000xf32>
    %add3A = arith.constant 1.000000e+00 : f32
    %add3A_8 = vector.broadcast %add3A : f32 to vector<200x10000xf32>
    %add3A_9 = arith.addf %add3A_8, %exp3A : vector<200x10000xf32>
    %div3A = arith.constant 1.000000e+00 : f32
    %div3A_10 = vector.broadcast %div3A : f32 to vector<200x10000xf32>
    %div3A_11 = arith.divf %div3A_10, %add3A_9 : vector<200x10000xf32>
    %swap3A = arith.constant 0 : index
    %swap3A_12 = arith.constant 0 : index
    %swap3A_13 = vector.load %arg3[%swap3A, %swap3A_12] : memref<200x10000xf32, #tpu.memory_space<vmem>>, vector<200x10000xf32>
    tpu.vector_store %arg3[%swap3A, %swap3A_12], %div3A_11 {strides = array<i32>} : memref<200x10000xf32, #tpu.memory_space<vmem>>, vector<200x10000xf32>,
    return
  }
  func.func @transform_0(%arg0: i32) -> (i32, i32) {
    %c0_i32 = arith.constant 0 : i32
    %c0_i32_0 = arith.constant 0 : i32
    return %arg0, %c0_i32 : i32, i32
  }
  func.func @transform_1(%arg0: i32) -> (i32, i32) {
    %c0_i32 = arith.constant 0 : i32
    %c0_i32_0 = arith.constant 0 : i32
    %c0_i32_1 = arith.constant 0 : i32
    return %c0_i32, %c0_i32_0 : i32, i32
  }
  func.func @transform_2(%arg0: i32) -> (i32, i32) {
    %c0_i32 = arith.constant 0 : i32
    %c0_i32_0 = arith.constant 0 : i32
    return %arg0, %c0_i32 : i32, i32
  }
}

</mosaic_0001>

<sc_bundles>
// kernel: kernel.12.cloned.1.call-start
scs
__scs_entry_jumppad:
0x0: {  	(pc) =	sbr.rel $0x88, $3  }
0x1: {  	(tag) =	ssettag $0x0;
	lr =	simm.s32 $0x1  }
0x2: {  	[smem:$0x3F87] =	sst lr;
	_ =	strace $0xD0000000  }
0x3: {  	_ = 	snop  }
0x4: {  	_ = 	snop  }
0x5: {  	_ = 	snop  }
0x6: {  	_ = 	snop  }
0x7: {  	_ = 	snop  }
__scs_overlays_trampoline_lowered:
0x8: {  	[smem:$0x3F96] =	sst s0  }
0x9: {  	[smem:$0x3F97] =	sst s1  }
0xa: {  	[smem:$0x3F98] =	sst s2  }
0xb: {  	[smem:$0x3F99] =	sst s3  }
0xc: {  	[smem:$0x3F9A] =	sst s4  }
0xd: {  	[smem:$0x3F9B] =	sst s5  }
0xe: {  	[smem:$0x3F9C] =	sst s6  }
0xf: {  	[smem:$0x3F9D] =	sst s7  }
0x10: {  	[smem:$0x3F9E] =	sst s8  }
0x11: {  	[smem:$0x3F9F] =	sst s9;
	s0 =	simm.s32 @!p0 $0x0  }
0x12: {  	s1 =	sld [smem:$0x3F85];
	s0 =	simm.s32 @p0 $0x1  }
0x13: {  	[smem:$0x3FA0] =	sst s0;
	s0 =	simm.s32 @!p1 $0x0  }
0x14: {  	s2 =	sld [smem:$0x3F84];
	s0 =	simm.s32 @p1 $0x1  }
0x15: {  	[smem:$0x3FA1] =	sst s0;
	s0 =	simm.s32 @!p2 $0x0  }
0x16: {  	s3 =	sld [smem:$0x3FDB];
	s0 =	simm.s32 @p2 $0x1  }
0x17: {  	s4 =	simm.s32 $0x1BF5;
	[smem:$0x3FA3] =	sst s0  }
0x18: {  	s0 =	sld [smem:$0x3F86];
	_ =	swait.ge [sflag:s4], $0x0  }
0x19: {  	s7 =	sld [smem:$0x3F87]  }
0x1a: {  	s8 =	sadd.s32 $0xFFFFE003, lr  }
0x1b: {  	s9 =	sadd.s32 $0xFFFFFEF7, lr;
	s5 =	simm.s32 $0xFFFFFFFF;
	p2 =	slt.u32 s8, $0xFFFFF086  }
0x1c: {  	p1 =	slt.u32 s9, $0xF7A;
	s5 =	simm.s32 @!p2 $0x0  }
0x1d: {  	s5 =	simm.s32 @p1 $0x1;
	p0 =	seq.s32 s7, s2  }
0x1e: {  	s7 =	smul.u32 @!p0 $0xF7A, s2;
	p2 =	seq.s32 @!p0 s5, $0x0  }
0x1f: {  	s9 =	smul.u32 $0xF7A, s1;
	s8 =	simm.s32 @!p0 $0x1BF5;
	p2 =	por !p2, p0  }
0x20: {  	[sflag:s8] =	ssyncset.s32 @!p0 $0xFFFFF086;
	s6 =	sadd.s32 @!p0 s3, s7;
	s7 =	simm.s32 @!p0 $0x108  }
0x21: {  	s3 =	sadd.s32 s3, s9;
	s6 =	sadd.s32 @!p0 $0x88, s6;
	s7 =	simm.s32 @p2 $0x1082  }
0x22: {  	[simem:s7], [sflag:s8] =	dma.local @!p0 [hbm:s6], $0xF7A  }
0x23: {  	s9 =	sor.u32 $0xD0000000, s2;
	s6 =	simm.s32 $0x108;
	_ =	swait.ge @!p0 [sflag:s8], $0x0  }
0x24: {  	s3 =	sadd.s32 $0x88, s3;
	s6 =	simm.s32 @!p1 $0x1082;
	[sflag:s4] =	ssyncset.s32 $0xFFFFF086  }
0x25: {  	[simem:s6], [sflag:s4] =	dma.local [hbm:s3], $0xF7A  }
0x26: {  	[smem:$0x3F87] =	sst s1;
	(tag) =	ssettag s2;
	_ =	strace s9  }
0x27: {  	s1 =	sld [smem:$0x3F97]  }
0x28: {  	s2 =	sld [smem:$0x3F98]  }
0x29: {  	s4 =	sld [smem:$0x3F9A]  }
0x2a: {  	p0 =	seq.s32 s5, $0x0;
	s5 =	sld [smem:$0x3F9B]  }
0x2b: {  	s6 =	sld [smem:$0x3F9C]  }
0x2c: {  	s7 =	sld [smem:$0x3F9D]  }
0x2d: {  	s3 =	simm.s32 $0x108;
	s8 =	sld [smem:$0x3F9E]  }
0x2e: {  	s3 =	simm.s32 @!p0 $0x1082;
	s9 =	sld [smem:$0x3F9F]  }
0x2f: {  	lr =	sadd.s32 s0, s3;
	s0 =	sld [smem:$0x3F96]  }
0x30: {  	s3 =	sld [smem:$0x3F99]  }
0x31: {  	[smem:$0x3FA2] =	sst s10  }
0x32: {  	s10 =	sld [smem:$0x3FA0];
	_ =	sdelay $0x3  }
0x33: {  	p0 =	seq.s32 s10, $0x1;
	s10 =	sld [smem:$0x3FA2];
	_ =	sdelay $0x3  }
0x34: {  	[smem:$0x3FA2] =	sst s10  }
0x35: {  	s10 =	sld [smem:$0x3FA1];
	_ =	sdelay $0x3  }
0x36: {  	p1 =	seq.s32 s10, $0x1;
	s10 =	sld [smem:$0x3FA2];
	_ =	sdelay $0x3  }
0x37: {  	[smem:$0x3FA2] =	sst s10  }
0x38: {  	s10 =	sld [smem:$0x3FA3]  }
0x39: {  	_ = 	snop;
	(pc) =	sbr.ind lr, $3  }
0x3a: {  	_ = 	snop  }
0x3b: {  	_ = 	snop  }
0x3c: {  	p2 =	seq.s32 s10, $0x1;
	s10 =	sld [smem:$0x3FA2]  }
0x3d: {  	_ =	shalt  }
0x3e: {  	_ =	shalt  }
0x3f: {  	_ =	shalt  }
0x40: {  	_ =	shalt  }
0x41: {  	_ =	shalt  }
0x42: {  	_ =	shalt  }
0x43: {  	_ =	shalt  }
0x44: {  	_ =	shalt  }
0x45: {  	_ =	shalt  }
0x46: {  	_ =	shalt  }
0x47: {  	_ =	shalt  }
0x48: {  	_ =	shalt  }
0x49: {  	_ =	shalt  }
0x4a: {  	_ =	shalt  }
0x4b: {  	_ =	shalt  }
0x4c: {  	_ =	shalt  }
0x4d: {  	_ =	shalt  }
0x4e: {  	_ =	shalt  }
0x4f: {  	_ =	shalt  }
0x50: {  	_ =	shalt  }
0x51: {  	_ =	shalt  }
0x52: {  	_ =	shalt  }
0x53: {  	_ =	shalt  }
0x54: {  	_ =	shalt  }
0x55: {  	_ =	shalt  }
0x56: {  	_ =	shalt  }
0x57: {  	_ =	shalt  }
0x58: {  	_ =	shalt  }
0x59: {  	_ =	shalt  }
0x5a: {  	_ =	shalt  }
0x5b: {  	_ =	shalt  }
0x5c: {  	_ =	shalt  }
0x5d: {  	_ =	shalt  }
0x5e: {  	_ =	shalt  }
0x5f: {  	_ =	shalt  }
0x60: {  	_ =	shalt  }
0x61: {  	_ =	shalt  }
0x62: {  	_ =	shalt  }
0x63: {  	_ =	shalt  }
0x64: {  	_ =	shalt  }
0x65: {  	_ =	shalt  }
0x66: {  	_ =	shalt  }
0x67: {  	_ =	shalt  }
0x68: {  	_ =	shalt  }
0x69: {  	_ =	shalt  }
0x6a: {  	_ =	shalt  }
0x6b: {  	_ =	shalt  }
0x6c: {  	_ =	shalt  }
0x6d: {  	_ =	shalt  }
0x6e: {  	_ =	shalt  }
0x6f: {  	_ =	shalt  }
0x70: {  	_ =	shalt  }
0x71: {  	_ =	shalt  }
0x72: {  	_ =	shalt  }
0x73: {  	_ =	shalt  }
0x74: {  	_ =	shalt  }
0x75: {  	_ =	shalt  }
0x76: {  	_ =	shalt  }
0x77: {  	_ =	shalt  }
0x78: {  	_ =	shalt  }
0x79: {  	_ =	shalt  }
0x7a: {  	_ =	shalt  }
0x7b: {  	_ =	shalt  }
0x7c: {  	_ =	shalt  }
0x7d: {  	_ =	shalt  }
0x7e: {  	_ =	shalt  }
0x7f: {  	_ =	shalt  }
0x80: {  	_ =	shalt  }
0x81: {  	_ =	shalt  }
0x82: {  	_ =	shalt  }
0x83: {  	_ =	shalt  }
0x84: {  	_ =	shalt  }
0x85: {  	_ =	shalt  }
0x86: {  	_ =	shalt  }
0x87: {  	_ =	shalt  }
.Lfunc_end0:
.L_simem_size_0:
called_computation.1_lowered:
.L_overlay_start_0:
0x88: {  	s2 =	sld [smem:$0x3FD9]  }
0x89: {  	s3 =	sld [smem:$0x3FFE];
	_ =	sdelay $0x1  }
0x8a: {  	s1 =	srdreg.scid  }
0x8b: {  	s0 =	sand.u32 $0x1, s1  }
0x8c: {  	s16 =	sshll.u32 s0, $0xA;
	s2 =	sadd.s32 s3, s2  }
0x8d: {  	s2 =	sadd.s32 s2, s16  }
0x8e: {  	[smem:$0x3FAE] =	sst s2  }
0x8f: {  	_ = 	snop  }
0x90: {  	(tm) =	ssettm $0x1  }
0x91: {  	s17 =	sld [smem:$0x3FFB];
	_ =	sdelay $0x3  }
0x92: {  	_ =	strace s17  }
0x93: {  	s2 =	sld [smem:$0x3FFC];
	_ =	sdelay $0x3  }
0x94: {  	_ =	strace s2  }
0x95: {  	s2 =	sld [smem:$0x3FFD];
	_ =	sdelay $0x3  }
0x96: {  	_ =	strace s2  }
0x97: {  	_ =	strace $0x8FFFFFFF  }
0x98: {  	s18 =	sld [smem:$0x3FDB];
	_ =	sdelay $0x1  }
0x99: {  	s19 =	simm.s32 $_scs_section_size  }
0x9a: {  	s4 =	simm.s32 $_size__tile_overlayer_lowered;
	s5 =	simm.s32 $_tile_overlayer_lowered  }
0x9b: {  	s22 =	simm.s32 $0x1BFF;
	s21 =	sshll.u32 s5, $0x1;
	s2 =	sadd.s32 s19, s18  }
0x9c: {  	s6 =	simm.s32 $0x0;
	s20 =	sshll.u32 s4, $0x1;
	s4 =	sadd.s32 s21, s2  }
0x9d: {  	[timem:s6], [sflag:s22] =	dma.local [hbm:s4], s20  }
0x9e: {  	_ =	swait.ge [sflag:s22], s20  }
0x9f: {  	s3 =	ssub.s32 $0x0, s20;
	[sflag:s22] =	ssyncset.done $0x0  }
0xa0: {  	[sflag:s22] =	ssyncadd.s32 s3;
	_ =	sdelay $0x1  }
0xa1: {  	s23 =	simm.s32 $0x1B8B  }
0xa2: {  	_ =	swait.ge [sflag:s23], $0x1  }
0xa3: {  	[sflag:s23] =	ssyncset.done $0x0  }
0xa4: {  	s25 =	simm.s32 $0x1B8E;
	s24 =	sld [smem:$0x3FFE];
	[sflag:s23] =	ssyncadd.s32 $0xFFFFFFFF  }
0xa5: {  	s26 =	simm.s32 $execute0_lowered;
	[smem:$0x3FD2] =	sst s25  }
0xa6: {  	s4 =	sshll.u32 s26, $0x1;
	_ =	strace $0x80000049;
	[dreg:$0x1] =	wrdreg $0xFFFFFFFF  }
0xa7: {  	s28 =	simm.s32 $_size_execute0_lowered;
	s2 =	sadd.s32 s2, s4;
	[dreg:$0x0] =	wrdreg $0x0  }
0xa8: {  	s4 =	sshll.u32 s28, $0x1;
	[dreg:$0x2] =	wrdreg s2  }
0xa9: {  	[dreg:$0x3] =	wrdreg s4  }
0xaa: {  	[dreg:$0x4] =	wrdreg $0xC0  }
0xab: {  	_ =	task [dreg:s6], $0x5FFFF  }
0xac: {  	[dreg:$0x1] =	wrdreg $0xFFFFFFFF  }
0xad: {  	[dreg:$0x0] =	wrdreg $0x60  }
0xae: {  	[dreg:$0x2] =	wrdreg s24  }
0xaf: {  	[dreg:$0x3] =	wrdreg $0x120000  }
0xb0: {  	[dreg:$0x4] =	wrdreg $0x9  }
0xb1: {  	_ =	task.clear_ibuf [dreg:s6], $0x5FFFF;
	_ =	strace $0x90000049  }
0xb2: {  	s29 =	simm.s32 $0x9;
	_ =	strace $0x8000004B  }
0xb3: {  	_ =	swait.ge [sflag:s29], $0x1  }
0xb4: {  	[sflag:s29] =	ssyncadd.s32 $0xFFFFFFFF  }
0xb5: {  	_ =	strace $0x9000004B  }
0xb6: {  	_ =	sfence  }
0xb7: {  	s30 =	sld [smem:$0x0];
	_ =	sdelay $0x2  }
0xb8: {  	s31 =	sshll.u32 s1, $0xD;
	s1 =	sshrl.u32 s1, $0x2  }
0xb9: {  	s3 =	sand.u32 $0x4000, s31;
	s1 =	sadd.s32 s1, s30  }
0xba: {  	s0 =	sor.u32 s3, s0;
	s1 =	sshll.u32 s1, $0x11  }
0xbb: {  	s0 =	sor.u32 s1, s0  }
0xbc: {  	s0 =	sadd.s32 $0x8F2B, s0  }
0xbd: {  	[sflag:s0] =	ssyncadd.remote.s32 $0x1  }
0xbe: {  	_ =	sfence.sel $0xFFFF  }
0xbf: {  	[dreg:$0x0] =	wrdreg $0xFFFFFFFF;
	(pc) =	sbr.abs _section_cstart, $3  }
0xc0: {  	[dreg:$0x1] =	wrdreg $0xFFFFFFFF  }
0xc1: {  	_ =	task.clear_ibuf [dreg:s6], $0x2FFFF;
	_ =	strace $0x9FFFFFFF  }
0xc2: {  	(tm) =	ssettm $0x7FFFFFFF  }
0xc3: {  	_ =	shalt  }
tec
execute0_lowered:
.L_overlay_start_1:
0x0: {  	(tag) =	ssettag $0x1  }
0x1: {  	s0 =	rddreg [dreg:$0x0]  }
0x2: {  	s2 =	rddreg [dreg:$0x1]  }
0x3: {  	s3 =	simm.s32 $0x0;
	s1 =	stileid.u32;
	s8 =	srdreg.scid  }
0x4: {  	s15 =	simm.s32 $0x5;
	s17 =	simm.s32 $0x5000;
	s20 =	simm.s32 $0x100  }
0x5: {  	s21 =	simm.s32 $0xA000;
	s22 =	simm.s32 $0xE000;
	s23 =	simm.s32 $0x1  }
0x6: {  	s24 =	simm.s32 $0x3;
	s25 =	simm.s32 $0x2;
	s26 =	simm.s32 $0x4  }
0x7: {  	s28 =	simm.s32 $0x9E00;
	s29 =	simm.s32 $0x9F00;
	s9 =	smul.u32 $0x13C00, s1  }
0x8: {  	[smem:$0x7FF] =	sst s3;
	s4 =	sadd.s32 $0xBBA00, s0;
	s7 =	smul.u32 $0xA00, s1  }
0x9: {  	s5 =	sadd.s32 $0xCF400, s0;
	s10 =	sand.u32 $0x1, s8;
	s8 =	sadd.s32 $0xE2E00, s0  }
0xa: {  	s16 =	sshll.u32 s1, $0x6;
	_ =	strace $0x8000004A;
	s12 =	ssub.s32 $0x2, s10  }
0xb: {  	p0 =	seq.s32 s10, $0x1;
	s18 =	sor.u32 $0x1C05, s16;
	s6 =	sshrl.u32 s9, $0x4  }
.Ltmp0:
0xc: {  	s13 =	sadd.s32 s7, s0;
	s7 =	sadd.s32 $0xF6A00, s0;
	(pc) =	sbr.rel .LBB2_1-.Ltmp0, $4  }
0xd: {  	s30 =	sshrl.u32 s12, $0x1;
	s31 =	sshrl.u32 s9, $0x1;
	s11 =	sadd.s32 s6, s0  }
0xe: {  	s0 =	ssub.s32 s12, s30;
	s9 =	sadd.s32 $0x40800, s13;
	s10 =	sadd.s32 $0x2C800, s13  }
0xf: {  	s19 =	sadd.s32 s31, s2;
	s12 =	sadd.s32 $0x4A800, s13;
	s13 =	sadd.s32 $0x36800, s13  }
0x10: {  	s11 =	sadd.s32 $0x54800, s11;
	s14 =	smax.u32 s0, $0x1;
	s19 =	sshrl.u32 s19, $0x3  }
.LBB2_7:
0x11: {  	[tilespmem:s22], [sflag:$0x2] =	stream.indirect.gather [hbm4b:s5+s20], $0x40, s0, s20, $0xb8;
	[tilespmem:$0x1BE00] =	vst v63  }
0x12: {  	s31 =	smov.u32 s8;
	s30 =	smov.u32 s18  }
.LBB2_8:
0x13: {  	_ =	swait.ge [sflag:s23], $0x4000  }
0x14: {  	[sflag:s23] =	ssyncset.done $0x0  }
0x15: {  	[sflag:s23] =	ssyncadd.s32 $0xFFFFC000  }
0x16: {  	[spmem:s2] =	stream.indirect.scatter.add.bf16 [tilespmem:s21], [sflag:$0x3], $0x40, s28, s20, $0xb8;
	[tilespmem:$0x1BE00] =	vst v63  }
0x17: {  	_ =	swait.ge [sflag:s24], $0x4000  }
0x18: {  	[sflag:s24] =	ssyncset.done $0x0  }
0x19: {  	[sflag:s24] =	ssyncadd.s32 $0xFFFFC000  }
0x1a: {  	_ =	swait.ge [sflag:s25], $0x4000  }
0x1b: {  	[sflag:s25] =	ssyncset.done $0x0  }
0x1c: {  	[sflag:s25] =	ssyncadd.s32 $0xFFFFC000  }
0x1d: {  	[spmem:s2] =	stream.indirect.scatter.add.bf16 [tilespmem:s22], [sflag:$0x4], $0x40, s29, s20, $0xb8;
	[tilespmem:$0x1BE00] =	vst v63  }
0x1e: {  	_ =	swait.ge [sflag:s26], $0x4000  }
0x1f: {  	s3 =	sadd.s32 $0x1, s3;
	[sflag:s26] =	ssyncset.done $0x0  }
0x20: {  	p1 =	sne.s32 s3, s14;
	[sflag:s26] =	ssyncadd.s32 $0xFFFFC000  }
.Ltmp1:
0x21: {  	s0 =	sadd.s32 s31, s6;
	[bflag:$0x0] =	sbarrier.arrive $0xFFFF;
	(pc) =	sbr.rel @!p1 .LBB2_9-.Ltmp1, $4  }
0x22: {  	[hbm:s0], [sflag:s30] =	dma.local [spmem:s19], $0x13C0  }
0x23: {  	_ =	swait.ge [sflag:s15], $0x13C0  }
0x24: {  	[sflag:s15] =	ssyncset.done $0x0  }
0x25: {  	[sflag:s15] =	ssyncadd.s32 $0xFFFFEC40  }
.LBB2_1:
.Ltmp2:
0x26: {  	(pc) =	sbr.rel @!p0 .LBB2_2-.Ltmp2, $2  }
0x27: {  	_ =	sdelay $0x2  }
0x28: {  	s0 =	simm.s32 $0x0  }
0x29: {  	[tilespmem:s0], [sflag:$0x5] =	stream.linear.gather [hbm4b:s12+s0], $0x5000, $0x38;
	[tilespmem:$0x1BE00] =	vst v63  }
0x2a: {  	_ =	swait.ge [sflag:s15], $0x5000  }
0x2b: {  	[sflag:s15] =	ssyncset.done $0x0  }
0x2c: {  	[sflag:s15] =	ssyncadd.s32 $0xFFFFB000  }
0x2d: {  	[tilespmem:s17], [sflag:$0x5] =	stream.linear.gather [hbm4b:s13+s0], $0x5000, $0x38;
	[tilespmem:$0x1BE00] =	vst v63  }
0x2e: {  	_ =	swait.ge [sflag:s15], $0x5000  }
0x2f: {  	[sflag:s15] =	ssyncset.done $0x0  }
0x30: {  	[sflag:s15] =	ssyncadd.s32 $0xFFFFB000  }
0x31: {  	[spmem:s19], [sflag:s18] =	dma.local [hbm:s11], $0x13C0  }
0x32: {  	_ =	swait.ge [sflag:s15], $0x13C0  }
0x33: {  	[sflag:s15] =	ssyncset.done $0x0  }
0x34: {  	[sflag:s15] =	ssyncadd.s32 $0xFFFFEC40  }
0x35: {  	[bflag:$0x0] =	sbarrier.arrive $0xFFFF  }
0x36: {  	[tilespmem:s21], [sflag:$0x1] =	stream.indirect.gather [hbm4b:s5+s20], $0x40, s0, s20, $0xb8;
	[tilespmem:$0x1BE00] =	vst v63  }
0x37: {  	_ = 	snop  }
0x38: {  	[tilespmem:s22], [sflag:$0x2] =	stream.indirect.gather [hbm4b:s5+s20], $0x40, s20, s20, $0xb8;
	[tilespmem:$0x1BE00] =	vst v63  }
0x39: {  	_ =	swait.ge [sflag:s23], $0x4000  }
0x3a: {  	[sflag:s23] =	ssyncset.done $0x0  }
0x3b: {  	s31 =	simm.s32 $0x5000;
	[sflag:s23] =	ssyncadd.s32 $0xFFFFC000  }
0x3c: {  	[spmem:s2] =	stream.indirect.scatter.add.bf16 [tilespmem:s21], [sflag:$0x3], $0x40, s31, s20, $0xb8;
	[tilespmem:$0x1BE00] =	vst v63  }
0x3d: {  	_ =	swait.ge [sflag:s24], $0x4000  }
0x3e: {  	[sflag:s24] =	ssyncset.done $0x0  }
0x3f: {  	s1 =	simm.s32 $0x200;
	[sflag:s24] =	ssyncadd.s32 $0xFFFFC000  }
0x40: {  	[tilespmem:s21], [sflag:$0x1] =	stream.indirect.gather [hbm4b:s5+s20], $0x40, s1, s20, $0xb8;
	[tilespmem:$0x1BE00] =	vst v63  }
0x41: {  	_ =	swait.ge [sflag:s25], $0x4000  }
0x42: {  	[sflag:s25] =	ssyncset.done $0x0  }
0x43: {  	s31 =	simm.s32 $0x5100;
	[sflag:s25] =	ssyncadd.s32 $0xFFFFC000  }
0x44: {  	[spmem:s2] =	stream.indirect.scatter.add.bf16 [tilespmem:s22], [sflag:$0x4], $0x40, s31, s20, $0xb8;
	[tilespmem:$0x1BE00] =	vst v63  }
0x45: {  	_ =	swait.ge [sflag:s26], $0x4000  }
0x46: {  	[sflag:s26] =	ssyncset.done $0x0  }
0x47: {  	s30 =	simm.s32 $0x800;
	s0 =	simm.s32 $0x300;
	[sflag:s26] =	ssyncadd.s32 $0xFFFFC000  }
.LBB2_6:
0x48: {  	[tilespmem:s22], [sflag:$0x2] =	stream.indirect.gather [hbm4b:s5+s20], $0x40, s0, s20, $0xb8;
	[tilespmem:$0x1BE00] =	vst v63  }
0x49: {  	s0 =	smov.u32 s30  }
0x4a: {  	p1 =	sne.s32 s30, $0x13000;
	s30 =	sadd.s32 $0x800, s30;
	_ =	swait.ge [sflag:s23], $0x4000  }
0x4b: {  	s0 =	sshra.s32 s0, $0x2;
	[sflag:s23] =	ssyncset.done $0x0  }
0x4c: {  	s1 =	sadd.s32 $0x5000, s0;
	[sflag:s23] =	ssyncadd.s32 $0xFFFFC000  }
0x4d: {  	[spmem:s2] =	stream.indirect.scatter.add.bf16 [tilespmem:s21], [sflag:$0x3], $0x40, s1, s20, $0xb8;
	[tilespmem:$0x1BE00] =	vst v63  }
0x4e: {  	_ =	swait.ge [sflag:s24], $0x4000  }
0x4f: {  	[sflag:s24] =	ssyncset.done $0x0  }
0x50: {  	s1 =	sadd.s32 $0x200, s0;
	[sflag:s24] =	ssyncadd.s32 $0xFFFFC000  }
0x51: {  	[tilespmem:s21], [sflag:$0x1] =	stream.indirect.gather [hbm4b:s5+s20], $0x40, s1, s20, $0xb8;
	[tilespmem:$0x1BE00] =	vst v63  }
0x52: {  	_ =	swait.ge [sflag:s25], $0x4000  }
0x53: {  	[sflag:s25] =	ssyncset.done $0x0  }
.Ltmp3:
0x54: {  	s1 =	sadd.s32 $0x5100, s0;
	[sflag:s25] =	ssyncadd.s32 $0xFFFFC000;
	(pc) =	sbr.rel @p1 .LBB2_6-.Ltmp3, $4  }
0x55: {  	[spmem:s2] =	stream.indirect.scatter.add.bf16 [tilespmem:s22], [sflag:$0x4], $0x40, s1, s20, $0xb8;
	[tilespmem:$0x1BE00] =	vst v63  }
0x56: {  	_ =	swait.ge [sflag:s26], $0x4000  }
0x57: {  	[sflag:s26] =	ssyncset.done $0x0  }
0x58: {  	s0 =	sadd.s32 $0x300, s0;
	[sflag:s26] =	ssyncadd.s32 $0xFFFFC000  }
.Ltmp4:
0x59: {  	_ = 	snop;
	(pc) =	sbr.rel .LBB2_7-.Ltmp4, $1  }
0x5a: {  	_ =	sdelay $0x3  }
.LBB2_2:
0x5b: {  	[tilespmem:s0], [sflag:$0x5] =	stream.linear.gather [hbm4b:s9+s0], $0x5000, $0x38;
	[tilespmem:$0x1BE00] =	vst v63  }
0x5c: {  	_ =	swait.ge [sflag:s15], $0x5000  }
0x5d: {  	[sflag:s15] =	ssyncset.done $0x0  }
0x5e: {  	[sflag:s15] =	ssyncadd.s32 $0xFFFFB000  }
0x5f: {  	[tilespmem:s17], [sflag:$0x5] =	stream.linear.gather [hbm4b:s10+s0], $0x5000, $0x38;
	[tilespmem:$0x1BE00] =	vst v63  }
0x60: {  	_ =	swait.ge [sflag:s15], $0x5000  }
0x61: {  	[sflag:s15] =	ssyncset.done $0x0  }
0x62: {  	s30 =	sor.u32 $0x1C05, s16;
	[sflag:s15] =	ssyncadd.s32 $0xFFFFB000  }
0x63: {  	[spmem:s19], [sflag:s30] =	dma.local [hbm:s11], $0x13C0  }
0x64: {  	_ =	swait.ge [sflag:s15], $0x13C0  }
0x65: {  	[sflag:s15] =	ssyncset.done $0x0  }
0x66: {  	[sflag:s15] =	ssyncadd.s32 $0xFFFFEC40  }
0x67: {  	[bflag:$0x0] =	sbarrier.arrive $0xFFFF  }
0x68: {  	[tilespmem:s21], [sflag:$0x1] =	stream.indirect.gather [hbm4b:s4+s20], $0x40, s0, s20, $0xb8;
	[tilespmem:$0x1BE00] =	vst v63  }
0x69: {  	_ = 	snop  }
0x6a: {  	[tilespmem:s22], [sflag:$0x2] =	stream.indirect.gather [hbm4b:s4+s20], $0x40, s20, s20, $0xb8;
	[tilespmem:$0x1BE00] =	vst v63  }
0x6b: {  	_ =	swait.ge [sflag:s23], $0x4000  }
0x6c: {  	[sflag:s23] =	ssyncset.done $0x0  }
0x6d: {  	s1 =	simm.s32 $0x5000;
	[sflag:s23] =	ssyncadd.s32 $0xFFFFC000  }
0x6e: {  	[spmem:s2] =	stream.indirect.scatter.add.bf16 [tilespmem:s21], [sflag:$0x3], $0x40, s1, s20, $0xb8;
	[tilespmem:$0x1BE00] =	vst v63  }
0x6f: {  	_ =	swait.ge [sflag:s24], $0x4000  }
0x70: {  	[sflag:s24] =	ssyncset.done $0x0  }
0x71: {  	s1 =	simm.s32 $0x200;
	[sflag:s24] =	ssyncadd.s32 $0xFFFFC000  }
0x72: {  	[tilespmem:s21], [sflag:$0x1] =	stream.indirect.gather [hbm4b:s4+s20], $0x40, s1, s20, $0xb8;
	[tilespmem:$0x1BE00] =	vst v63  }
0x73: {  	_ =	swait.ge [sflag:s25], $0x4000  }
0x74: {  	[sflag:s25] =	ssyncset.done $0x0  }
0x75: {  	s1 =	simm.s32 $0x5100;
	[sflag:s25] =	ssyncadd.s32 $0xFFFFC000  }
0x76: {  	[spmem:s2] =	stream.indirect.scatter.add.bf16 [tilespmem:s22], [sflag:$0x4], $0x40, s1, s20, $0xb8;
	[tilespmem:$0x1BE00] =	vst v63  }
0x77: {  	_ =	swait.ge [sflag:s26], $0x4000  }
0x78: {  	[sflag:s26] =	ssyncset.done $0x0  }
0x79: {  	s31 =	simm.s32 $0x800;
	s0 =	simm.s32 $0x300;
	[sflag:s26] =	ssyncadd.s32 $0xFFFFC000  }
.LBB2_3:
0x7a: {  	[tilespmem:s22], [sflag:$0x2] =	stream.indirect.gather [hbm4b:s4+s20], $0x40, s0, s20, $0xb8;
	[tilespmem:$0x1BE00] =	vst v63  }
0x7b: {  	s0 =	smov.u32 s31  }
0x7c: {  	p1 =	seq.s32 s31, $0x13000;
	s31 =	sadd.s32 $0x800, s31;
	_ =	swait.ge [sflag:s23], $0x4000  }
0x7d: {  	s0 =	sshra.s32 s0, $0x2;
	[sflag:s23] =	ssyncset.done $0x0  }
0x7e: {  	s1 =	sadd.s32 $0x5000, s0;
	[sflag:s23] =	ssyncadd.s32 $0xFFFFC000  }
0x7f: {  	[spmem:s2] =	stream.indirect.scatter.add.bf16 [tilespmem:s21], [sflag:$0x3], $0x40, s1, s20, $0xb8;
	[tilespmem:$0x1BE00] =	vst v63  }
0x80: {  	_ =	swait.ge [sflag:s24], $0x4000  }
0x81: {  	[sflag:s24] =	ssyncset.done $0x0  }
0x82: {  	s1 =	sadd.s32 $0x200, s0;
	[sflag:s24] =	ssyncadd.s32 $0xFFFFC000  }
0x83: {  	[tilespmem:s21], [sflag:$0x1] =	stream.indirect.gather [hbm4b:s4+s20], $0x40, s1, s20, $0xb8;
	[tilespmem:$0x1BE00] =	vst v63  }
0x84: {  	_ =	swait.ge [sflag:s25], $0x4000  }
0x85: {  	[sflag:s25] =	ssyncset.done $0x0  }
.Ltmp5:
0x86: {  	s1 =	sadd.s32 $0x5100, s0;
	[sflag:s25] =	ssyncadd.s32 $0xFFFFC000;
	(pc) =	sbr.rel @!p1 .LBB2_3-.Ltmp5, $4  }
0x87: {  	[spmem:s2] =	stream.indirect.scatter.add.bf16 [tilespmem:s22], [sflag:$0x4], $0x40, s1, s20, $0xb8;
	[tilespmem:$0x1BE00] =	vst v63  }
0x88: {  	_ =	swait.ge [sflag:s26], $0x4000  }
0x89: {  	[sflag:s26] =	ssyncset.done $0x0  }
0x8a: {  	s0 =	sadd.s32 $0x300, s0;
	[sflag:s26] =	ssyncadd.s32 $0xFFFFC000  }
.Ltmp6:
0x8b: {  	(pc) =	sbr.rel .LBB2_8-.Ltmp6, $3  }
0x8c: {  	_ =	sdelay $0x1  }
0x8d: {  	[tilespmem:s22], [sflag:$0x2] =	stream.indirect.gather [hbm4b:s4+s20], $0x40, s0, s20, $0xb8;
	[tilespmem:$0x1BE00] =	vst v63  }
0x8e: {  	s31 =	smov.u32 s7  }
.LBB2_9:
0x8f: {  	_ =	sfence.sel $0x180000  }
0x90: {  	[bflag:$0x0] =	sbarrier.arrive $0xFFFF  }
0x91: {  	_ =	strace $0x9000004A  }
0x92: {  	s0 =	stileid.u32;
	[bflag:$0x2] =	sbarrier.arrive $0xFFFF  }
0x93: {  	p0 =	sne.s32 s0, $0x0;
	s0 =	rddreg [dreg:$0x2]  }
0x94: {  	s0 =	sadd.s32 @!p0 $0x100000, s0  }
0x95: {  	[sflag:s0] =	ssyncadd.tile.s32 @!p0 $0x1;
	_ =	shalt  }
.Lfunc_end2:
_tile_overlayer_lowered:
.L_overlay_start_2:
0x96: {  	(tag) =	ssettag $0x2  }
0x97: {  	s0 =	rddreg [dreg:$0x0];
	s2 =	stileid.u32  }
0x98: {  	s1 =	rddreg [dreg:$0x1];
	p0 =	sne.s32 s2, $0x0  }
0x99: {  	s3 =	rddreg [dreg:$0x2];
	[bflag:$0x3] =	sbarrier.arrive $0xFFFF;
	s2 =	simm.s32 @!p0 $0x1C05  }
0x9a: {  	[timem:s3], [sflag:s2] =	dma.local @!p0 [hbm:s0], s1  }
0x9b: {  	s0 =	simm.s32 @!p0 $0x5  }
0x9c: {  	_ =	swait.ge @!p0 [sflag:s0], s1  }
0x9d: {  	s1 =	ssub.s32 @!p0 $0x0, s1;
	[sflag:s0] =	ssyncset.done @!p0 $0x0  }
0x9e: {  	[sflag:s0] =	ssyncadd.s32 @!p0 s1  }
0x9f: {  	[bflag:$0x3] =	sbarrier.arrive $0xFFFF  }
0xa0: {  	_ =	shalt  }

// kernel: kernel.15.cloned.1.call-start
scs
__scs_entry_jumppad:
0x0: {  	(pc) =	sbr.rel $0x88, $3  }
0x1: {  	(tag) =	ssettag $0x0;
	lr =	simm.s32 $0x1  }
0x2: {  	[smem:$0x3F87] =	sst lr;
	_ =	strace $0xD0000000  }
0x3: {  	_ = 	snop  }
0x4: {  	_ = 	snop  }
0x5: {  	_ = 	snop  }
0x6: {  	_ = 	snop  }
0x7: {  	_ = 	snop  }
__scs_overlays_trampoline_lowered:
0x8: {  	[smem:$0x3F96] =	sst s0  }
0x9: {  	[smem:$0x3F97] =	sst s1  }
0xa: {  	[smem:$0x3F98] =	sst s2  }
0xb: {  	[smem:$0x3F99] =	sst s3  }
0xc: {  	[smem:$0x3F9A] =	sst s4  }
0xd: {  	[smem:$0x3F9B] =	sst s5  }
0xe: {  	[smem:$0x3F9C] =	sst s6  }
0xf: {  	[smem:$0x3F9D] =	sst s7  }
0x10: {  	[smem:$0x3F9E] =	sst s8  }
0x11: {  	[smem:$0x3F9F] =	sst s9;
	s0 =	simm.s32 @!p0 $0x0  }
0x12: {  	s1 =	sld [smem:$0x3F85];
	s0 =	simm.s32 @p0 $0x1  }
0x13: {  	[smem:$0x3FA0] =	sst s0;
	s0 =	simm.s32 @!p1 $0x0  }
0x14: {  	s2 =	sld [smem:$0x3F84];
	s0 =	simm.s32 @p1 $0x1  }
0x15: {  	[smem:$0x3FA1] =	sst s0;
	s0 =	simm.s32 @!p2 $0x0  }
0x16: {  	s3 =	sld [smem:$0x3FDB];
	s0 =	simm.s32 @p2 $0x1  }
0x17: {  	s4 =	simm.s32 $0x1BF5;
	[smem:$0x3FA3] =	sst s0  }
0x18: {  	s0 =	sld [smem:$0x3F86];
	_ =	swait.ge [sflag:s4], $0x0  }
0x19: {  	s7 =	sld [smem:$0x3F87]  }
0x1a: {  	s8 =	sadd.s32 $0xFFFFE003, lr  }
0x1b: {  	s9 =	sadd.s32 $0xFFFFFEF7, lr;
	s5 =	simm.s32 $0xFFFFFFFF;
	p2 =	slt.u32 s8, $0xFFFFF086  }
0x1c: {  	p1 =	slt.u32 s9, $0xF7A;
	s5 =	simm.s32 @!p2 $0x0  }
0x1d: {  	s5 =	simm.s32 @p1 $0x1;
	p0 =	seq.s32 s7, s2  }
0x1e: {  	s7 =	smul.u32 @!p0 $0xF7A, s2;
	p2 =	seq.s32 @!p0 s5, $0x0  }
0x1f: {  	s9 =	smul.u32 $0xF7A, s1;
	s8 =	simm.s32 @!p0 $0x1BF5;
	p2 =	por !p2, p0  }
0x20: {  	[sflag:s8] =	ssyncset.s32 @!p0 $0xFFFFF086;
	s6 =	sadd.s32 @!p0 s3, s7;
	s7 =	simm.s32 @!p0 $0x108  }
0x21: {  	s3 =	sadd.s32 s3, s9;
	s6 =	sadd.s32 @!p0 $0x88, s6;
	s7 =	simm.s32 @p2 $0x1082  }
0x22: {  	[simem:s7], [sflag:s8] =	dma.local @!p0 [hbm:s6], $0xF7A  }
0x23: {  	s9 =	sor.u32 $0xD0000000, s2;
	s6 =	simm.s32 $0x108;
	_ =	swait.ge @!p0 [sflag:s8], $0x0  }
0x24: {  	s3 =	sadd.s32 $0x88, s3;
	s6 =	simm.s32 @!p1 $0x1082;
	[sflag:s4] =	ssyncset.s32 $0xFFFFF086  }
0x25: {  	[simem:s6], [sflag:s4] =	dma.local [hbm:s3], $0xF7A  }
0x26: {  	[smem:$0x3F87] =	sst s1;
	(tag) =	ssettag s2;
	_ =	strace s9  }
0x27: {  	s1 =	sld [smem:$0x3F97]  }
0x28: {  	s2 =	sld [smem:$0x3F98]  }
0x29: {  	s4 =	sld [smem:$0x3F9A]  }
0x2a: {  	p0 =	seq.s32 s5, $0x0;
	s5 =	sld [smem:$0x3F9B]  }
0x2b: {  	s6 =	sld [smem:$0x3F9C]  }
0x2c: {  	s7 =	sld [smem:$0x3F9D]  }
0x2d: {  	s3 =	simm.s32 $0x108;
	s8 =	sld [smem:$0x3F9E]  }
0x2e: {  	s3 =	simm.s32 @!p0 $0x1082;
	s9 =	sld [smem:$0x3F9F]  }
0x2f: {  	lr =	sadd.s32 s0, s3;
	s0 =	sld [smem:$0x3F96]  }
0x30: {  	s3 =	sld [smem:$0x3F99]  }
0x31: {  	[smem:$0x3FA2] =	sst s10  }
0x32: {  	s10 =	sld [smem:$0x3FA0];
	_ =	sdelay $0x3  }
0x33: {  	p0 =	seq.s32 s10, $0x1;
	s10 =	sld [smem:$0x3FA2];
	_ =	sdelay $0x3  }
0x34: {  	[smem:$0x3FA2] =	sst s10  }
0x35: {  	s10 =	sld [smem:$0x3FA1];
	_ =	sdelay $0x3  }
0x36: {  	p1 =	seq.s32 s10, $0x1;
	s10 =	sld [smem:$0x3FA2];
	_ =	sdelay $0x3  }
0x37: {  	[smem:$0x3FA2] =	sst s10  }
0x38: {  	s10 =	sld [smem:$0x3FA3]  }
0x39: {  	_ = 	snop;
	(pc) =	sbr.ind lr, $3  }
0x3a: {  	_ = 	snop  }
0x3b: {  	_ = 	snop  }
0x3c: {  	p2 =	seq.s32 s10, $0x1;
	s10 =	sld [smem:$0x3FA2]  }
0x3d: {  	_ =	shalt  }
0x3e: {  	_ =	shalt  }
0x3f: {  	_ =	shalt  }
0x40: {  	_ =	shalt  }
0x41: {  	_ =	shalt  }
0x42: {  	_ =	shalt  }
0x43: {  	_ =	shalt  }
0x44: {  	_ =	shalt  }
0x45: {  	_ =	shalt  }
0x46: {  	_ =	shalt  }
0x47: {  	_ =	shalt  }
0x48: {  	_ =	shalt  }
0x49: {  	_ =	shalt  }
0x4a: {  	_ =	shalt  }
0x4b: {  	_ =	shalt  }
0x4c: {  	_ =	shalt  }
0x4d: {  	_ =	shalt  }
0x4e: {  	_ =	shalt  }
0x4f: {  	_ =	shalt  }
0x50: {  	_ =	shalt  }
0x51: {  	_ =	shalt  }
0x52: {  	_ =	shalt  }
0x53: {  	_ =	shalt  }
0x54: {  	_ =	shalt  }
0x55: {  	_ =	shalt  }
0x56: {  	_ =	shalt  }
0x57: {  	_ =	shalt  }
0x58: {  	_ =	shalt  }
0x59: {  	_ =	shalt  }
0x5a: {  	_ =	shalt  }
0x5b: {  	_ =	shalt  }
0x5c: {  	_ =	shalt  }
0x5d: {  	_ =	shalt  }
0x5e: {  	_ =	shalt  }
0x5f: {  	_ =	shalt  }
0x60: {  	_ =	shalt  }
0x61: {  	_ =	shalt  }
0x62: {  	_ =	shalt  }
0x63: {  	_ =	shalt  }
0x64: {  	_ =	shalt  }
0x65: {  	_ =	shalt  }
0x66: {  	_ =	shalt  }
0x67: {  	_ =	shalt  }
0x68: {  	_ =	shalt  }
0x69: {  	_ =	shalt  }
0x6a: {  	_ =	shalt  }
0x6b: {  	_ =	shalt  }
0x6c: {  	_ =	shalt  }
0x6d: {  	_ =	shalt  }
0x6e: {  	_ =	shalt  }
0x6f: {  	_ =	shalt  }
0x70: {  	_ =	shalt  }
0x71: {  	_ =	shalt  }
0x72: {  	_ =	shalt  }
0x73: {  	_ =	shalt  }
0x74: {  	_ =	shalt  }
0x75: {  	_ =	shalt  }
0x76: {  	_ =	shalt  }
0x77: {  	_ =	shalt  }
0x78: {  	_ =	shalt  }
0x79: {  	_ =	shalt  }
0x7a: {  	_ =	shalt  }
0x7b: {  	_ =	shalt  }
0x7c: {  	_ =	shalt  }
0x7d: {  	_ =	shalt  }
0x7e: {  	_ =	shalt  }
0x7f: {  	_ =	shalt  }
0x80: {  	_ =	shalt  }
0x81: {  	_ =	shalt  }
0x82: {  	_ =	shalt  }
0x83: {  	_ =	shalt  }
0x84: {  	_ =	shalt  }
0x85: {  	_ =	shalt  }
0x86: {  	_ =	shalt  }
0x87: {  	_ =	shalt  }
.Lfunc_end0:
.L_simem_size_0:
called_computation.2_lowered:
.L_overlay_start_0:
0x88: {  	s2 =	sld [smem:$0x3FD9]  }
0x89: {  	s3 =	sld [smem:$0x3FFE];
	_ =	sdelay $0x1  }
0x8a: {  	s1 =	srdreg.scid  }
0x8b: {  	s0 =	sand.u32 $0x1, s1  }
0x8c: {  	s16 =	sshll.u32 s0, $0xA;
	s2 =	sadd.s32 s3, s2  }
0x8d: {  	s2 =	sadd.s32 s2, s16  }
0x8e: {  	[smem:$0x3FAE] =	sst s2  }
0x8f: {  	_ = 	snop  }
0x90: {  	(tm) =	ssettm $0x1  }
0x91: {  	s17 =	sld [smem:$0x3FFB];
	_ =	sdelay $0x3  }
0x92: {  	_ =	strace s17  }
0x93: {  	s2 =	sld [smem:$0x3FFC];
	_ =	sdelay $0x3  }
0x94: {  	_ =	strace s2  }
0x95: {  	s2 =	sld [smem:$0x3FFD];
	_ =	sdelay $0x3  }
0x96: {  	_ =	strace s2  }
0x97: {  	_ =	strace $0x8FFFFFFF  }
0x98: {  	s18 =	sld [smem:$0x3FDB];
	_ =	sdelay $0x1  }
0x99: {  	s19 =	simm.s32 $_scs_section_size  }
0x9a: {  	s4 =	simm.s32 $_size__tile_overlayer_lowered;
	s5 =	simm.s32 $_tile_overlayer_lowered  }
0x9b: {  	s22 =	simm.s32 $0x1BFF;
	s21 =	sshll.u32 s5, $0x1;
	s2 =	sadd.s32 s19, s18  }
0x9c: {  	s6 =	simm.s32 $0x0;
	s20 =	sshll.u32 s4, $0x1;
	s4 =	sadd.s32 s21, s2  }
0x9d: {  	[timem:s6], [sflag:s22] =	dma.local [hbm:s4], s20  }
0x9e: {  	_ =	swait.ge [sflag:s22], s20  }
0x9f: {  	s3 =	ssub.s32 $0x0, s20;
	[sflag:s22] =	ssyncset.done $0x0  }
0xa0: {  	[sflag:s22] =	ssyncadd.s32 s3;
	_ =	sdelay $0x1  }
0xa1: {  	s23 =	simm.s32 $0x1B8B  }
0xa2: {  	_ =	swait.ge [sflag:s23], $0x1  }
0xa3: {  	[sflag:s23] =	ssyncset.done $0x0  }
0xa4: {  	s25 =	simm.s32 $0x1B8E;
	s24 =	sld [smem:$0x3FFE];
	[sflag:s23] =	ssyncadd.s32 $0xFFFFFFFF  }
0xa5: {  	s26 =	simm.s32 $execute0_lowered;
	[smem:$0x3FD2] =	sst s25  }
0xa6: {  	s4 =	sshll.u32 s26, $0x1;
	_ =	strace $0x8000004C;
	[dreg:$0x1] =	wrdreg $0xFFFFFFFF  }
0xa7: {  	s28 =	simm.s32 $_size_execute0_lowered;
	s2 =	sadd.s32 s2, s4;
	[dreg:$0x0] =	wrdreg $0x0  }
0xa8: {  	s4 =	sshll.u32 s28, $0x1;
	[dreg:$0x2] =	wrdreg s2  }
0xa9: {  	[dreg:$0x3] =	wrdreg s4  }
0xaa: {  	[dreg:$0x4] =	wrdreg $0xC0  }
0xab: {  	_ =	task [dreg:s6], $0x5FFFF  }
0xac: {  	[dreg:$0x1] =	wrdreg $0xFFFFFFFF  }
0xad: {  	[dreg:$0x0] =	wrdreg $0x60  }
0xae: {  	[dreg:$0x2] =	wrdreg s24  }
0xaf: {  	[dreg:$0x3] =	wrdreg $0x120000  }
0xb0: {  	[dreg:$0x4] =	wrdreg $0x9  }
0xb1: {  	_ =	task.clear_ibuf [dreg:s6], $0x5FFFF;
	_ =	strace $0x9000004C  }
0xb2: {  	s29 =	simm.s32 $0x9;
	_ =	strace $0x8000004E  }
0xb3: {  	_ =	swait.ge [sflag:s29], $0x1  }
0xb4: {  	[sflag:s29] =	ssyncadd.s32 $0xFFFFFFFF  }
0xb5: {  	_ =	strace $0x9000004E  }
0xb6: {  	_ =	sfence  }
0xb7: {  	s30 =	sld [smem:$0x0];
	_ =	sdelay $0x2  }
0xb8: {  	s31 =	sshll.u32 s1, $0xD;
	s1 =	sshrl.u32 s1, $0x2  }
0xb9: {  	s3 =	sand.u32 $0x4000, s31;
	s1 =	sadd.s32 s1, s30  }
0xba: {  	s0 =	sor.u32 s3, s0;
	s1 =	sshll.u32 s1, $0x11  }
0xbb: {  	s0 =	sor.u32 s1, s0  }
0xbc: {  	s0 =	sadd.s32 $0x8F2B, s0  }
0xbd: {  	[sflag:s0] =	ssyncadd.remote.s32 $0x1  }
0xbe: {  	_ =	sfence.sel $0xFFFF  }
0xbf: {  	[dreg:$0x0] =	wrdreg $0xFFFFFFFF;
	(pc) =	sbr.abs _section_cstart, $3  }
0xc0: {  	[dreg:$0x1] =	wrdreg $0xFFFFFFFF  }
0xc1: {  	_ =	task.clear_ibuf [dreg:s6], $0x2FFFF;
	_ =	strace $0x9FFFFFFF  }
0xc2: {  	(tm) =	ssettm $0x7FFFFFFF  }
0xc3: {  	_ =	shalt  }
tec
execute0_lowered:
.L_overlay_start_1:
0x0: {  	(tag) =	ssettag $0x1  }
0x1: {  	s0 =	rddreg [dreg:$0x0]  }
0x2: {  	s2 =	rddreg [dreg:$0x1]  }
0x3: {  	s3 =	simm.s32 $0x0;
	s1 =	stileid.u32;
	s8 =	srdreg.scid  }
0x4: {  	s15 =	simm.s32 $0x5;
	s17 =	simm.s32 $0x5000;
	s20 =	simm.s32 $0x100  }
0x5: {  	s21 =	simm.s32 $0xA000;
	s22 =	simm.s32 $0xE000;
	s23 =	simm.s32 $0x1  }
0x6: {  	s24 =	simm.s32 $0x3;
	s25 =	simm.s32 $0x2;
	s26 =	simm.s32 $0x4  }
0x7: {  	s28 =	simm.s32 $0x9E00;
	s29 =	simm.s32 $0x9F00;
	s9 =	smul.u32 $0x13C00, s1  }
0x8: {  	[smem:$0x7FF] =	sst s3;
	s4 =	sadd.s32 $0x94800, s0;
	s7 =	smul.u32 $0xA00, s1  }
0x9: {  	s5 =	sadd.s32 $0xA8200, s0;
	s10 =	sand.u32 $0x1, s8;
	s8 =	sadd.s32 $0xBBC00, s0  }
0xa: {  	s16 =	sshll.u32 s1, $0x6;
	_ =	strace $0x8000004D;
	s12 =	ssub.s32 $0x2, s10  }
0xb: {  	p0 =	seq.s32 s10, $0x1;
	s18 =	sor.u32 $0x1C05, s16;
	s6 =	sshrl.u32 s9, $0x4  }
.Ltmp0:
0xc: {  	s13 =	sadd.s32 s7, s0;
	s7 =	sadd.s32 $0xCF800, s0;
	(pc) =	sbr.rel .LBB2_1-.Ltmp0, $4  }
0xd: {  	s30 =	sshrl.u32 s12, $0x1;
	s31 =	sshrl.u32 s9, $0x1;
	s11 =	sadd.s32 s6, s0  }
0xe: {  	s0 =	ssub.s32 s12, s30;
	s9 =	sadd.s32 $0x40800, s13;
	s10 =	sadd.s32 $0x2C800, s13  }
0xf: {  	s19 =	sadd.s32 s31, s2;
	s12 =	sadd.s32 $0x4A800, s13;
	s13 =	sadd.s32 $0x36800, s13  }
0x10: {  	s11 =	sadd.s32 $0x54800, s11;
	s14 =	smax.u32 s0, $0x1;
	s19 =	sshrl.u32 s19, $0x3  }
.LBB2_7:
0x11: {  	[tilespmem:s22], [sflag:$0x2] =	stream.indirect.gather [hbm4b:s5+s20], $0x40, s0, s20, $0xb8;
	[tilespmem:$0x1BE00] =	vst v63  }
0x12: {  	s31 =	smov.u32 s8;
	s30 =	smov.u32 s18  }
.LBB2_8:
0x13: {  	_ =	swait.ge [sflag:s23], $0x4000  }
0x14: {  	[sflag:s23] =	ssyncset.done $0x0  }
0x15: {  	[sflag:s23] =	ssyncadd.s32 $0xFFFFC000  }
0x16: {  	[spmem:s2] =	stream.indirect.scatter.add.bf16 [tilespmem:s21], [sflag:$0x3], $0x40, s28, s20, $0xb8;
	[tilespmem:$0x1BE00] =	vst v63  }
0x17: {  	_ =	swait.ge [sflag:s24], $0x4000  }
0x18: {  	[sflag:s24] =	ssyncset.done $0x0  }
0x19: {  	[sflag:s24] =	ssyncadd.s32 $0xFFFFC000  }
0x1a: {  	_ =	swait.ge [sflag:s25], $0x4000  }
0x1b: {  	[sflag:s25] =	ssyncset.done $0x0  }
0x1c: {  	[sflag:s25] =	ssyncadd.s32 $0xFFFFC000  }
0x1d: {  	[spmem:s2] =	stream.indirect.scatter.add.bf16 [tilespmem:s22], [sflag:$0x4], $0x40, s29, s20, $0xb8;
	[tilespmem:$0x1BE00] =	vst v63  }
0x1e: {  	_ =	swait.ge [sflag:s26], $0x4000  }
0x1f: {  	s3 =	sadd.s32 $0x1, s3;
	[sflag:s26] =	ssyncset.done $0x0  }
0x20: {  	p1 =	sne.s32 s3, s14;
	[sflag:s26] =	ssyncadd.s32 $0xFFFFC000  }
.Ltmp1:
0x21: {  	s0 =	sadd.s32 s31, s6;
	[bflag:$0x0] =	sbarrier.arrive $0xFFFF;
	(pc) =	sbr.rel @!p1 .LBB2_9-.Ltmp1, $4  }
0x22: {  	[hbm:s0], [sflag:s30] =	dma.local [spmem:s19], $0x13C0  }
0x23: {  	_ =	swait.ge [sflag:s15], $0x13C0  }
0x24: {  	[sflag:s15] =	ssyncset.done $0x0  }
0x25: {  	[sflag:s15] =	ssyncadd.s32 $0xFFFFEC40  }
.LBB2_1:
.Ltmp2:
0x26: {  	(pc) =	sbr.rel @!p0 .LBB2_2-.Ltmp2, $2  }
0x27: {  	_ =	sdelay $0x2  }
0x28: {  	s0 =	simm.s32 $0x0  }
0x29: {  	[tilespmem:s0], [sflag:$0x5] =	stream.linear.gather [hbm4b:s12+s0], $0x5000, $0x38;
	[tilespmem:$0x1BE00] =	vst v63  }
0x2a: {  	_ =	swait.ge [sflag:s15], $0x5000  }
0x2b: {  	[sflag:s15] =	ssyncset.done $0x0  }
0x2c: {  	[sflag:s15] =	ssyncadd.s32 $0xFFFFB000  }
0x2d: {  	[tilespmem:s17], [sflag:$0x5] =	stream.linear.gather [hbm4b:s13+s0], $0x5000, $0x38;
	[tilespmem:$0x1BE00] =	vst v63  }
0x2e: {  	_ =	swait.ge [sflag:s15], $0x5000  }
0x2f: {  	[sflag:s15] =	ssyncset.done $0x0  }
0x30: {  	[sflag:s15] =	ssyncadd.s32 $0xFFFFB000  }
0x31: {  	[spmem:s19], [sflag:s18] =	dma.local [hbm:s11], $0x13C0  }
0x32: {  	_ =	swait.ge [sflag:s15], $0x13C0  }
0x33: {  	[sflag:s15] =	ssyncset.done $0x0  }
0x34: {  	[sflag:s15] =	ssyncadd.s32 $0xFFFFEC40  }
0x35: {  	[bflag:$0x0] =	sbarrier.arrive $0xFFFF  }
0x36: {  	[tilespmem:s21], [sflag:$0x1] =	stream.indirect.gather [hbm4b:s5+s20], $0x40, s0, s20, $0xb8;
	[tilespmem:$0x1BE00] =	vst v63  }
0x37: {  	_ = 	snop  }
0x38: {  	[tilespmem:s22], [sflag:$0x2] =	stream.indirect.gather [hbm4b:s5+s20], $0x40, s20, s20, $0xb8;
	[tilespmem:$0x1BE00] =	vst v63  }
0x39: {  	_ =	swait.ge [sflag:s23], $0x4000  }
0x3a: {  	[sflag:s23] =	ssyncset.done $0x0  }
0x3b: {  	s31 =	simm.s32 $0x5000;
	[sflag:s23] =	ssyncadd.s32 $0xFFFFC000  }
0x3c: {  	[spmem:s2] =	stream.indirect.scatter.add.bf16 [tilespmem:s21], [sflag:$0x3], $0x40, s31, s20, $0xb8;
	[tilespmem:$0x1BE00] =	vst v63  }
0x3d: {  	_ =	swait.ge [sflag:s24], $0x4000  }
0x3e: {  	[sflag:s24] =	ssyncset.done $0x0  }
0x3f: {  	s1 =	simm.s32 $0x200;
	[sflag:s24] =	ssyncadd.s32 $0xFFFFC000  }
0x40: {  	[tilespmem:s21], [sflag:$0x1] =	stream.indirect.gather [hbm4b:s5+s20], $0x40, s1, s20, $0xb8;
	[tilespmem:$0x1BE00] =	vst v63  }
0x41: {  	_ =	swait.ge [sflag:s25], $0x4000  }
0x42: {  	[sflag:s25] =	ssyncset.done $0x0  }
0x43: {  	s31 =	simm.s32 $0x5100;
	[sflag:s25] =	ssyncadd.s32 $0xFFFFC000  }
0x44: {  	[spmem:s2] =	stream.indirect.scatter.add.bf16 [tilespmem:s22], [sflag:$0x4], $0x40, s31, s20, $0xb8;
	[tilespmem:$0x1BE00] =	vst v63  }
0x45: {  	_ =	swait.ge [sflag:s26], $0x4000  }
0x46: {  	[sflag:s26] =	ssyncset.done $0x0  }
0x47: {  	s30 =	simm.s32 $0x800;
	s0 =	simm.s32 $0x300;
	[sflag:s26] =	ssyncadd.s32 $0xFFFFC000  }
.LBB2_6:
0x48: {  	[tilespmem:s22], [sflag:$0x2] =	stream.indirect.gather [hbm4b:s5+s20], $0x40, s0, s20, $0xb8;
	[tilespmem:$0x1BE00] =	vst v63  }
0x49: {  	s0 =	smov.u32 s30  }
0x4a: {  	p1 =	sne.s32 s30, $0x13000;
	s30 =	sadd.s32 $0x800, s30;
	_ =	swait.ge [sflag:s23], $0x4000  }
0x4b: {  	s0 =	sshra.s32 s0, $0x2;
	[sflag:s23] =	ssyncset.done $0x0  }
0x4c: {  	s1 =	sadd.s32 $0x5000, s0;
	[sflag:s23] =	ssyncadd.s32 $0xFFFFC000  }
0x4d: {  	[spmem:s2] =	stream.indirect.scatter.add.bf16 [tilespmem:s21], [sflag:$0x3], $0x40, s1, s20, $0xb8;
	[tilespmem:$0x1BE00] =	vst v63  }
0x4e: {  	_ =	swait.ge [sflag:s24], $0x4000  }
0x4f: {  	[sflag:s24] =	ssyncset.done $0x0  }
0x50: {  	s1 =	sadd.s32 $0x200, s0;
	[sflag:s24] =	ssyncadd.s32 $0xFFFFC000  }
0x51: {  	[tilespmem:s21], [sflag:$0x1] =	stream.indirect.gather [hbm4b:s5+s20], $0x40, s1, s20, $0xb8;
	[tilespmem:$0x1BE00] =	vst v63  }
0x52: {  	_ =	swait.ge [sflag:s25], $0x4000  }
0x53: {  	[sflag:s25] =	ssyncset.done $0x0  }
.Ltmp3:
0x54: {  	s1 =	sadd.s32 $0x5100, s0;
	[sflag:s25] =	ssyncadd.s32 $0xFFFFC000;
	(pc) =	sbr.rel @p1 .LBB2_6-.Ltmp3, $4  }
0x55: {  	[spmem:s2] =	stream.indirect.scatter.add.bf16 [tilespmem:s22], [sflag:$0x4], $0x40, s1, s20, $0xb8;
	[tilespmem:$0x1BE00] =	vst v63  }
0x56: {  	_ =	swait.ge [sflag:s26], $0x4000  }
0x57: {  	[sflag:s26] =	ssyncset.done $0x0  }
0x58: {  	s0 =	sadd.s32 $0x300, s0;
	[sflag:s26] =	ssyncadd.s32 $0xFFFFC000  }
.Ltmp4:
0x59: {  	_ = 	snop;
	(pc) =	sbr.rel .LBB2_7-.Ltmp4, $1  }
0x5a: {  	_ =	sdelay $0x3  }
.LBB2_2:
0x5b: {  	[tilespmem:s0], [sflag:$0x5] =	stream.linear.gather [hbm4b:s9+s0], $0x5000, $0x38;
	[tilespmem:$0x1BE00] =	vst v63  }
0x5c: {  	_ =	swait.ge [sflag:s15], $0x5000  }
0x5d: {  	[sflag:s15] =	ssyncset.done $0x0  }
0x5e: {  	[sflag:s15] =	ssyncadd.s32 $0xFFFFB000  }
0x5f: {  	[tilespmem:s17], [sflag:$0x5] =	stream.linear.gather [hbm4b:s10+s0], $0x5000, $0x38;
	[tilespmem:$0x1BE00] =	vst v63  }
0x60: {  	_ =	swait.ge [sflag:s15], $0x5000  }
0x61: {  	[sflag:s15] =	ssyncset.done $0x0  }
0x62: {  	s30 =	sor.u32 $0x1C05, s16;
	[sflag:s15] =	ssyncadd.s32 $0xFFFFB000  }
0x63: {  	[spmem:s19], [sflag:s30] =	dma.local [hbm:s11], $0x13C0  }
0x64: {  	_ =	swait.ge [sflag:s15], $0x13C0  }
0x65: {  	[sflag:s15] =	ssyncset.done $0x0  }
0x66: {  	[sflag:s15] =	ssyncadd.s32 $0xFFFFEC40  }
0x67: {  	[bflag:$0x0] =	sbarrier.arrive $0xFFFF  }
0x68: {  	[tilespmem:s21], [sflag:$0x1] =	stream.indirect.gather [hbm4b:s4+s20], $0x40, s0, s20, $0xb8;
	[tilespmem:$0x1BE00] =	vst v63  }
0x69: {  	_ = 	snop  }
0x6a: {  	[tilespmem:s22], [sflag:$0x2] =	stream.indirect.gather [hbm4b:s4+s20], $0x40, s20, s20, $0xb8;
	[tilespmem:$0x1BE00] =	vst v63  }
0x6b: {  	_ =	swait.ge [sflag:s23], $0x4000  }
0x6c: {  	[sflag:s23] =	ssyncset.done $0x0  }
0x6d: {  	s1 =	simm.s32 $0x5000;
	[sflag:s23] =	ssyncadd.s32 $0xFFFFC000  }
0x6e: {  	[spmem:s2] =	stream.indirect.scatter.add.bf16 [tilespmem:s21], [sflag:$0x3], $0x40, s1, s20, $0xb8;
	[tilespmem:$0x1BE00] =	vst v63  }
0x6f: {  	_ =	swait.ge [sflag:s24], $0x4000  }
0x70: {  	[sflag:s24] =	ssyncset.done $0x0  }
0x71: {  	s1 =	simm.s32 $0x200;
	[sflag:s24] =	ssyncadd.s32 $0xFFFFC000  }
0x72: {  	[tilespmem:s21], [sflag:$0x1] =	stream.indirect.gather [hbm4b:s4+s20], $0x40, s1, s20, $0xb8;
	[tilespmem:$0x1BE00] =	vst v63  }
0x73: {  	_ =	swait.ge [sflag:s25], $0x4000  }
0x74: {  	[sflag:s25] =	ssyncset.done $0x0  }
0x75: {  	s1 =	simm.s32 $0x5100;
	[sflag:s25] =	ssyncadd.s32 $0xFFFFC000  }
0x76: {  	[spmem:s2] =	stream.indirect.scatter.add.bf16 [tilespmem:s22], [sflag:$0x4], $0x40, s1, s20, $0xb8;
	[tilespmem:$0x1BE00] =	vst v63  }
0x77: {  	_ =	swait.ge [sflag:s26], $0x4000  }
0x78: {  	[sflag:s26] =	ssyncset.done $0x0  }
0x79: {  	s31 =	simm.s32 $0x800;
	s0 =	simm.s32 $0x300;
	[sflag:s26] =	ssyncadd.s32 $0xFFFFC000  }
.LBB2_3:
0x7a: {  	[tilespmem:s22], [sflag:$0x2] =	stream.indirect.gather [hbm4b:s4+s20], $0x40, s0, s20, $0xb8;
	[tilespmem:$0x1BE00] =	vst v63  }
0x7b: {  	s0 =	smov.u32 s31  }
0x7c: {  	p1 =	seq.s32 s31, $0x13000;
	s31 =	sadd.s32 $0x800, s31;
	_ =	swait.ge [sflag:s23], $0x4000  }
0x7d: {  	s0 =	sshra.s32 s0, $0x2;
	[sflag:s23] =	ssyncset.done $0x0  }
0x7e: {  	s1 =	sadd.s32 $0x5000, s0;
	[sflag:s23] =	ssyncadd.s32 $0xFFFFC000  }
0x7f: {  	[spmem:s2] =	stream.indirect.scatter.add.bf16 [tilespmem:s21], [sflag:$0x3], $0x40, s1, s20, $0xb8;
	[tilespmem:$0x1BE00] =	vst v63  }
0x80: {  	_ =	swait.ge [sflag:s24], $0x4000  }
0x81: {  	[sflag:s24] =	ssyncset.done $0x0  }
0x82: {  	s1 =	sadd.s32 $0x200, s0;
	[sflag:s24] =	ssyncadd.s32 $0xFFFFC000  }
0x83: {  	[tilespmem:s21], [sflag:$0x1] =	stream.indirect.gather [hbm4b:s4+s20], $0x40, s1, s20, $0xb8;
	[tilespmem:$0x1BE00] =	vst v63  }
0x84: {  	_ =	swait.ge [sflag:s25], $0x4000  }
0x85: {  	[sflag:s25] =	ssyncset.done $0x0  }
.Ltmp5:
0x86: {  	s1 =	sadd.s32 $0x5100, s0;
	[sflag:s25] =	ssyncadd.s32 $0xFFFFC000;
	(pc) =	sbr.rel @!p1 .LBB2_3-.Ltmp5, $4  }
0x87: {  	[spmem:s2] =	stream.indirect.scatter.add.bf16 [tilespmem:s22], [sflag:$0x4], $0x40, s1, s20, $0xb8;
	[tilespmem:$0x1BE00] =	vst v63  }
0x88: {  	_ =	swait.ge [sflag:s26], $0x4000  }
0x89: {  	[sflag:s26] =	ssyncset.done $0x0  }
0x8a: {  	s0 =	sadd.s32 $0x300, s0;
	[sflag:s26] =	ssyncadd.s32 $0xFFFFC000  }
.Ltmp6:
0x8b: {  	(pc) =	sbr.rel .LBB2_8-.Ltmp6, $3  }
0x8c: {  	_ =	sdelay $0x1  }
0x8d: {  	[tilespmem:s22], [sflag:$0x2] =	stream.indirect.gather [hbm4b:s4+s20], $0x40, s0, s20, $0xb8;
	[tilespmem:$0x1BE00] =	vst v63  }
0x8e: {  	s31 =	smov.u32 s7  }
.LBB2_9:
0x8f: {  	_ =	sfence.sel $0x180000  }
0x90: {  	[bflag:$0x0] =	sbarrier.arrive $0xFFFF  }
0x91: {  	_ =	strace $0x9000004D  }
0x92: {  	s0 =	stileid.u32;
	[bflag:$0x2] =	sbarrier.arrive $0xFFFF  }
0x93: {  	p0 =	sne.s32 s0, $0x0;
	s0 =	rddreg [dreg:$0x2]  }
0x94: {  	s0 =	sadd.s32 @!p0 $0x100000, s0  }
0x95: {  	[sflag:s0] =	ssyncadd.tile.s32 @!p0 $0x1;
	_ =	shalt  }
.Lfunc_end2:
_tile_overlayer_lowered:
.L_overlay_start_2:
0x96: {  	(tag) =	ssettag $0x2  }
0x97: {  	s0 =	rddreg [dreg:$0x0];
	s2 =	stileid.u32  }
0x98: {  	s1 =	rddreg [dreg:$0x1];
	p0 =	sne.s32 s2, $0x0  }
0x99: {  	s3 =	rddreg [dreg:$0x2];
	[bflag:$0x3] =	sbarrier.arrive $0xFFFF;
	s2 =	simm.s32 @!p0 $0x1C05  }
0x9a: {  	[timem:s3], [sflag:s2] =	dma.local @!p0 [hbm:s0], s1  }
0x9b: {  	s0 =	simm.s32 @!p0 $0x5  }
0x9c: {  	_ =	swait.ge @!p0 [sflag:s0], s1  }
0x9d: {  	s1 =	ssub.s32 @!p0 $0x0, s1;
	[sflag:s0] =	ssyncset.done @!p0 $0x0  }
0x9e: {  	[sflag:s0] =	ssyncadd.s32 @!p0 s1  }
0x9f: {  	[bflag:$0x3] =	sbarrier.arrive $0xFFFF  }
0xa0: {  	_ =	shalt  }

// kernel: kernel.9.cloned.1.call-start
scs
__scs_entry_jumppad:
0x0: {  	(pc) =	sbr.rel $0x88, $3  }
0x1: {  	(tag) =	ssettag $0x0;
	lr =	simm.s32 $0x1  }
0x2: {  	[smem:$0x3F87] =	sst lr;
	_ =	strace $0xD0000000  }
0x3: {  	_ = 	snop  }
0x4: {  	_ = 	snop  }
0x5: {  	_ = 	snop  }
0x6: {  	_ = 	snop  }
0x7: {  	_ = 	snop  }
__scs_overlays_trampoline_lowered:
0x8: {  	[smem:$0x3F96] =	sst s0  }
0x9: {  	[smem:$0x3F97] =	sst s1  }
0xa: {  	[smem:$0x3F98] =	sst s2  }
0xb: {  	[smem:$0x3F99] =	sst s3  }
0xc: {  	[smem:$0x3F9A] =	sst s4  }
0xd: {  	[smem:$0x3F9B] =	sst s5  }
0xe: {  	[smem:$0x3F9C] =	sst s6  }
0xf: {  	[smem:$0x3F9D] =	sst s7  }
0x10: {  	[smem:$0x3F9E] =	sst s8  }
0x11: {  	[smem:$0x3F9F] =	sst s9;
	s0 =	simm.s32 @!p0 $0x0  }
0x12: {  	s1 =	sld [smem:$0x3F85];
	s0 =	simm.s32 @p0 $0x1  }
0x13: {  	[smem:$0x3FA0] =	sst s0;
	s0 =	simm.s32 @!p1 $0x0  }
0x14: {  	s2 =	sld [smem:$0x3F84];
	s0 =	simm.s32 @p1 $0x1  }
0x15: {  	[smem:$0x3FA1] =	sst s0;
	s0 =	simm.s32 @!p2 $0x0  }
0x16: {  	s3 =	sld [smem:$0x3FDB];
	s0 =	simm.s32 @p2 $0x1  }
0x17: {  	s4 =	simm.s32 $0x1BF5;
	[smem:$0x3FA3] =	sst s0  }
0x18: {  	s0 =	sld [smem:$0x3F86];
	_ =	swait.ge [sflag:s4], $0x0  }
0x19: {  	s7 =	sld [smem:$0x3F87]  }
0x1a: {  	s8 =	sadd.s32 $0xFFFFE003, lr  }
0x1b: {  	s9 =	sadd.s32 $0xFFFFFEF7, lr;
	s5 =	simm.s32 $0xFFFFFFFF;
	p2 =	slt.u32 s8, $0xFFFFF086  }
0x1c: {  	p1 =	slt.u32 s9, $0xF7A;
	s5 =	simm.s32 @!p2 $0x0  }
0x1d: {  	s5 =	simm.s32 @p1 $0x1;
	p0 =	seq.s32 s7, s2  }
0x1e: {  	s7 =	smul.u32 @!p0 $0xF7A, s2;
	p2 =	seq.s32 @!p0 s5, $0x0  }
0x1f: {  	s9 =	smul.u32 $0xF7A, s1;
	s8 =	simm.s32 @!p0 $0x1BF5;
	p2 =	por !p2, p0  }
0x20: {  	[sflag:s8] =	ssyncset.s32 @!p0 $0xFFFFF086;
	s6 =	sadd.s32 @!p0 s3, s7;
	s7 =	simm.s32 @!p0 $0x108  }
0x21: {  	s3 =	sadd.s32 s3, s9;
	s6 =	sadd.s32 @!p0 $0x88, s6;
	s7 =	simm.s32 @p2 $0x1082  }
0x22: {  	[simem:s7], [sflag:s8] =	dma.local @!p0 [hbm:s6], $0xF7A  }
0x23: {  	s9 =	sor.u32 $0xD0000000, s2;
	s6 =	simm.s32 $0x108;
	_ =	swait.ge @!p0 [sflag:s8], $0x0  }
0x24: {  	s3 =	sadd.s32 $0x88, s3;
	s6 =	simm.s32 @!p1 $0x1082;
	[sflag:s4] =	ssyncset.s32 $0xFFFFF086  }
0x25: {  	[simem:s6], [sflag:s4] =	dma.local [hbm:s3], $0xF7A  }
0x26: {  	[smem:$0x3F87] =	sst s1;
	(tag) =	ssettag s2;
	_ =	strace s9  }
0x27: {  	s1 =	sld [smem:$0x3F97]  }
0x28: {  	s2 =	sld [smem:$0x3F98]  }
0x29: {  	s4 =	sld [smem:$0x3F9A]  }
0x2a: {  	p0 =	seq.s32 s5, $0x0;
	s5 =	sld [smem:$0x3F9B]  }
0x2b: {  	s6 =	sld [smem:$0x3F9C]  }
0x2c: {  	s7 =	sld [smem:$0x3F9D]  }
0x2d: {  	s3 =	simm.s32 $0x108;
	s8 =	sld [smem:$0x3F9E]  }
0x2e: {  	s3 =	simm.s32 @!p0 $0x1082;
	s9 =	sld [smem:$0x3F9F]  }
0x2f: {  	lr =	sadd.s32 s0, s3;
	s0 =	sld [smem:$0x3F96]  }
0x30: {  	s3 =	sld [smem:$0x3F99]  }
0x31: {  	[smem:$0x3FA2] =	sst s10  }
0x32: {  	s10 =	sld [smem:$0x3FA0];
	_ =	sdelay $0x3  }
0x33: {  	p0 =	seq.s32 s10, $0x1;
	s10 =	sld [smem:$0x3FA2];
	_ =	sdelay $0x3  }
0x34: {  	[smem:$0x3FA2] =	sst s10  }
0x35: {  	s10 =	sld [smem:$0x3FA1];
	_ =	sdelay $0x3  }
0x36: {  	p1 =	seq.s32 s10, $0x1;
	s10 =	sld [smem:$0x3FA2];
	_ =	sdelay $0x3  }
0x37: {  	[smem:$0x3FA2] =	sst s10  }
0x38: {  	s10 =	sld [smem:$0x3FA3]  }
0x39: {  	_ = 	snop;
	(pc) =	sbr.ind lr, $3  }
0x3a: {  	_ = 	snop  }
0x3b: {  	_ = 	snop  }
0x3c: {  	p2 =	seq.s32 s10, $0x1;
	s10 =	sld [smem:$0x3FA2]  }
0x3d: {  	_ =	shalt  }
0x3e: {  	_ =	shalt  }
0x3f: {  	_ =	shalt  }
0x40: {  	_ =	shalt  }
0x41: {  	_ =	shalt  }
0x42: {  	_ =	shalt  }
0x43: {  	_ =	shalt  }
0x44: {  	_ =	shalt  }
0x45: {  	_ =	shalt  }
0x46: {  	_ =	shalt  }
0x47: {  	_ =	shalt  }
0x48: {  	_ =	shalt  }
0x49: {  	_ =	shalt  }
0x4a: {  	_ =	shalt  }
0x4b: {  	_ =	shalt  }
0x4c: {  	_ =	shalt  }
0x4d: {  	_ =	shalt  }
0x4e: {  	_ =	shalt  }
0x4f: {  	_ =	shalt  }
0x50: {  	_ =	shalt  }
0x51: {  	_ =	shalt  }
0x52: {  	_ =	shalt  }
0x53: {  	_ =	shalt  }
0x54: {  	_ =	shalt  }
0x55: {  	_ =	shalt  }
0x56: {  	_ =	shalt  }
0x57: {  	_ =	shalt  }
0x58: {  	_ =	shalt  }
0x59: {  	_ =	shalt  }
0x5a: {  	_ =	shalt  }
0x5b: {  	_ =	shalt  }
0x5c: {  	_ =	shalt  }
0x5d: {  	_ =	shalt  }
0x5e: {  	_ =	shalt  }
0x5f: {  	_ =	shalt  }
0x60: {  	_ =	shalt  }
0x61: {  	_ =	shalt  }
0x62: {  	_ =	shalt  }
0x63: {  	_ =	shalt  }
0x64: {  	_ =	shalt  }
0x65: {  	_ =	shalt  }
0x66: {  	_ =	shalt  }
0x67: {  	_ =	shalt  }
0x68: {  	_ =	shalt  }
0x69: {  	_ =	shalt  }
0x6a: {  	_ =	shalt  }
0x6b: {  	_ =	shalt  }
0x6c: {  	_ =	shalt  }
0x6d: {  	_ =	shalt  }
0x6e: {  	_ =	shalt  }
0x6f: {  	_ =	shalt  }
0x70: {  	_ =	shalt  }
0x71: {  	_ =	shalt  }
0x72: {  	_ =	shalt  }
0x73: {  	_ =	shalt  }
0x74: {  	_ =	shalt  }
0x75: {  	_ =	shalt  }
0x76: {  	_ =	shalt  }
0x77: {  	_ =	shalt  }
0x78: {  	_ =	shalt  }
0x79: {  	_ =	shalt  }
0x7a: {  	_ =	shalt  }
0x7b: {  	_ =	shalt  }
0x7c: {  	_ =	shalt  }
0x7d: {  	_ =	shalt  }
0x7e: {  	_ =	shalt  }
0x7f: {  	_ =	shalt  }
0x80: {  	_ =	shalt  }
0x81: {  	_ =	shalt  }
0x82: {  	_ =	shalt  }
0x83: {  	_ =	shalt  }
0x84: {  	_ =	shalt  }
0x85: {  	_ =	shalt  }
0x86: {  	_ =	shalt  }
0x87: {  	_ =	shalt  }
.Lfunc_end0:
.L_simem_size_0:
called_computation_lowered:
.L_overlay_start_0:
0x88: {  	s2 =	sld [smem:$0x3FD9]  }
0x89: {  	s3 =	sld [smem:$0x3FFE];
	_ =	sdelay $0x1  }
0x8a: {  	s1 =	srdreg.scid  }
0x8b: {  	s0 =	sand.u32 $0x1, s1  }
0x8c: {  	s17 =	sshll.u32 s0, $0xA;
	s2 =	sadd.s32 s3, s2  }
0x8d: {  	s2 =	sadd.s32 s2, s17  }
0x8e: {  	[smem:$0x3FAE] =	sst s2  }
0x8f: {  	_ = 	snop  }
0x90: {  	s2 =	sld [smem:$0x3FD0];
	(tm) =	ssettm $0x1  }
0x91: {  	s18 =	sld [smem:$0x3FFB];
	_ =	sdelay $0x3  }
0x92: {  	_ =	strace s18  }
0x93: {  	s3 =	sld [smem:$0x3FFC];
	_ =	sdelay $0x3  }
0x94: {  	_ =	strace s3  }
0x95: {  	s3 =	sld [smem:$0x3FFD];
	_ =	sdelay $0x3  }
0x96: {  	_ =	strace s3  }
0x97: {  	_ =	strace $0x8FFFFFFF  }
0x98: {  	s19 =	sld [smem:$0x3FDB];
	_ =	sdelay $0x1  }
0x99: {  	s4 =	simm.s32 $_scs_section_size  }
0x9a: {  	s5 =	simm.s32 $_size__tile_overlayer_lowered;
	s6 =	simm.s32 $_tile_overlayer_lowered  }
0x9b: {  	s22 =	simm.s32 $0x1BFF;
	s21 =	sshll.u32 s6, $0x1;
	s3 =	sadd.s32 s4, s19  }
0x9c: {  	s7 =	simm.s32 $0x0;
	s20 =	sshll.u32 s5, $0x1;
	s5 =	sadd.s32 s21, s3  }
0x9d: {  	[timem:s7], [sflag:s22] =	dma.local [hbm:s5], s20  }
0x9e: {  	_ =	swait.ge [sflag:s22], s20  }
0x9f: {  	s4 =	ssub.s32 $0x0, s20;
	[sflag:s22] =	ssyncset.done $0x0  }
0xa0: {  	[sflag:s22] =	ssyncadd.s32 s4;
	_ =	sdelay $0x1  }
0xa1: {  	s23 =	simm.s32 $0x1B8B  }
0xa2: {  	_ =	swait.ge [sflag:s23], $0x1  }
0xa3: {  	[sflag:s23] =	ssyncset.done $0x0  }
0xa4: {  	s25 =	simm.s32 $0x1B8E;
	s24 =	sld [smem:$0x3FFE];
	[sflag:s23] =	ssyncadd.s32 $0xFFFFFFFF  }
0xa5: {  	s26 =	simm.s32 $execute0_lowered;
	[smem:$0x3FD2] =	sst s25  }
0xa6: {  	s5 =	sshll.u32 s26, $0x1;
	_ =	strace $0x80000046;
	[dreg:$0x1] =	wrdreg $0xFFFFFFFF  }
0xa7: {  	s28 =	simm.s32 $_size_execute0_lowered;
	s3 =	sadd.s32 s3, s5;
	[dreg:$0x0] =	wrdreg $0x0  }
0xa8: {  	s5 =	sshll.u32 s28, $0x1;
	[dreg:$0x2] =	wrdreg s3  }
0xa9: {  	[dreg:$0x3] =	wrdreg s5  }
0xaa: {  	[dreg:$0x4] =	wrdreg $0xC0  }
0xab: {  	_ =	task [dreg:s7], $0x5FFFF  }
0xac: {  	[dreg:$0x1] =	wrdreg $0xFFFFFFFF  }
0xad: {  	[dreg:$0x0] =	wrdreg $0x60  }
0xae: {  	[dreg:$0x2] =	wrdreg s24  }
0xaf: {  	[dreg:$0x3] =	wrdreg s2  }
0xb0: {  	[dreg:$0x4] =	wrdreg $0x120000  }
0xb1: {  	[dreg:$0x5] =	wrdreg $0x1CE000  }
0xb2: {  	[dreg:$0x6] =	wrdreg $0x9  }
0xb3: {  	_ =	task.clear_ibuf [dreg:s7], $0x7FFFF;
	_ =	strace $0x90000046  }
0xb4: {  	s29 =	simm.s32 $0x9;
	_ =	strace $0x80000048  }
0xb5: {  	_ =	swait.ge [sflag:s29], $0x1  }
0xb6: {  	[sflag:s29] =	ssyncadd.s32 $0xFFFFFFFF  }
0xb7: {  	_ =	strace $0x90000048  }
0xb8: {  	_ =	sfence  }
0xb9: {  	s30 =	sld [smem:$0x0];
	_ =	sdelay $0x2  }
0xba: {  	s31 =	sshll.u32 s1, $0xD;
	s1 =	sshrl.u32 s1, $0x2  }
0xbb: {  	s3 =	sand.u32 $0x4000, s31;
	s1 =	sadd.s32 s1, s30  }
0xbc: {  	s0 =	sor.u32 s3, s0;
	s1 =	sshll.u32 s1, $0x11  }
0xbd: {  	s0 =	sor.u32 s1, s0  }
0xbe: {  	s0 =	sadd.s32 $0x8F2B, s0  }
0xbf: {  	[sflag:s0] =	ssyncadd.remote.s32 $0x1  }
0xc0: {  	_ =	sfence.sel $0xFFFF  }
0xc1: {  	[dreg:$0x0] =	wrdreg $0xFFFFFFFF;
	(pc) =	sbr.abs _section_cstart, $3  }
0xc2: {  	[dreg:$0x1] =	wrdreg $0xFFFFFFFF  }
0xc3: {  	_ =	task.clear_ibuf [dreg:s7], $0x2FFFF;
	_ =	strace $0x9FFFFFFF  }
0xc4: {  	(tm) =	ssettm $0x7FFFFFFF  }
0xc5: {  	_ =	shalt  }
tec
execute0_lowered:
.L_overlay_start_1:
0x0: {  	(tag) =	ssettag $0x1  }
0x1: {  	s0 =	rddreg [dreg:$0x0]  }
0x2: {  	s3 =	rddreg [dreg:$0x2]  }
0x3: {  	s4 =	rddreg [dreg:$0x3];
	s6 =	stileid.u32;
	s5 =	simm.s32 $0x0  }
0x4: {  	s10 =	srdreg.scid;
	s23 =	simm.s32 $0x5;
	s28 =	simm.s32 $0xA000  }
0x5: {  	s29 =	simm.s32 $0xE000;
	s30 =	simm.s32 $0x1;
	s1 =	smul.u32 $0xA00, s6  }
0x6: {  	s31 =	simm.s32 $0x3;
	[smem:$0x7FF] =	sst s5;
	s2 =	smul.u32 $0x13C00, s6  }
0x7: {  	s11 =	smul.u32 $0x2780, s6;
	s6 =	sadd.s32 $0x5400, s0;
	s7 =	sadd.s32 $0x18E00, s0  }
0x8: {  	s14 =	sand.u32 $0x1, s10;
	s10 =	sadd.s32 $0x68400, s0;
	s15 =	sadd.s32 $0x6D600, s0  }
0x9: {  	s16 =	sadd.s32 $0x86200, s0;
	_ =	strace $0x80000047;
	[dreg:$0x5] =	wrdreg s15  }
0xa: {  	s24 =	ssub.s32 $0x2, s14;
	[dreg:$0x6] =	wrdreg s16;
	p0 =	seq.s32 s14, $0x1  }
0xb: {  	s1 =	sadd.s32 s1, s0;
	s8 =	sshrl.u32 s2, $0x4;
	s9 =	sshrl.u32 s11, $0x3  }
0xc: {  	s25 =	sshrl.u32 s24, $0x1;
	s2 =	sshrl.u32 s2, $0x1;
	s18 =	sadd.s32 s11, s4  }
0xd: {  	s11 =	simm.s32 $0x9E00;
	s12 =	sadd.s32 s8, s0;
	s13 =	sadd.s32 s9, s0  }
0xe: {  	s0 =	sadd.s32 $0x81200, s0;
	s26 =	sadd.s32 $0x40800, s1;
	s15 =	sadd.s32 $0x2C800, s1  }
.Ltmp0:
0xf: {  	s16 =	sadd.s32 s2, s3;
	s20 =	sadd.s32 $0x4A800, s1;
	(pc) =	sbr.rel .LBB2_1-.Ltmp0, $4  }
0x10: {  	s21 =	sadd.s32 $0x36800, s1;
	s2 =	simm.s32 $0x4;
	[dreg:$0x7] =	wrdreg s0  }
0x11: {  	s0 =	ssub.s32 s24, s25;
	[dreg:$0x8] =	wrdreg s26;
	s17 =	sadd.s32 $0x54800, s12  }
0x12: {  	s19 =	sadd.s32 $0x68600, s13;
	s25 =	simm.s32 $0x1BE00;
	s26 =	simm.s32 $0x100  }
0x13: {  	s12 =	simm.s32 $0x9F00;
	s22 =	smax.u32 s0, $0x1;
	s0 =	simm.s32 $0x2  }
.LBB2_7:
0x14: {  	[tilespmem:s29], [sflag:$0x2] =	stream.indirect.gather [hbm4b:s7+s26], $0x40, s14, s26, $0xb8;
	[tilespmem:$0x1F580] =	vst v63  }
0x15: {  	s14 =	rddreg [dreg:$0x5]  }
0x16: {  	s1 =	rddreg [dreg:$0x7]  }
.LBB2_8:
0x17: {  	_ =	swait.ge [sflag:s30], $0x4000  }
0x18: {  	[sflag:s30] =	ssyncset.done $0x0  }
0x19: {  	[sflag:s30] =	ssyncadd.s32 $0xFFFFC000  }
0x1a: {  	[spmem:s3] =	stream.indirect.scatter.add.bf16 [tilespmem:s28], [sflag:$0x3], $0x40, s11, s26, $0xb8;
	[tilespmem:$0x1F580] =	vst v63  }
0x1b: {  	_ = 	snop  }
0x1c: {  	[spmem:s4] =	stream.indirect.scatter.add.f32 [tilespmem:s25], [sflag:$0x5], $0x10, s11, s26, $0xb8;
	[tilespmem:$0x1F580] =	vst v63  }
0x1d: {  	_ =	swait.ge [sflag:s23], $0x1000  }
0x1e: {  	[sflag:s23] =	ssyncset.done $0x0  }
0x1f: {  	[sflag:s23] =	ssyncadd.s32 $0xFFFFF000  }
0x20: {  	_ =	swait.ge [sflag:s31], $0x4000  }
0x21: {  	[sflag:s31] =	ssyncset.done $0x0  }
0x22: {  	[sflag:s31] =	ssyncadd.s32 $0xFFFFC000  }
0x23: {  	_ =	swait.ge [sflag:s0], $0x4000  }
0x24: {  	[sflag:s0] =	ssyncset.done $0x0  }
0x25: {  	[sflag:s0] =	ssyncadd.s32 $0xFFFFC000  }
0x26: {  	[spmem:s3] =	stream.indirect.scatter.add.bf16 [tilespmem:s29], [sflag:$0x4], $0x40, s12, s26, $0xb8;
	[tilespmem:$0x1F580] =	vst v63  }
0x27: {  	_ = 	snop  }
0x28: {  	[spmem:s4] =	stream.indirect.scatter.add.f32 [tilespmem:s25], [sflag:$0x5], $0x10, s12, s26, $0xb8;
	[tilespmem:$0x1F580] =	vst v63  }
0x29: {  	_ =	swait.ge [sflag:s23], $0x1000  }
0x2a: {  	[sflag:s23] =	ssyncset.done $0x0  }
0x2b: {  	[sflag:s23] =	ssyncadd.s32 $0xFFFFF000  }
0x2c: {  	_ =	swait.ge [sflag:s2], $0x4000  }
0x2d: {  	[sflag:s2] =	ssyncset.done $0x0  }
0x2e: {  	[sflag:s2] =	ssyncadd.s32 $0xFFFFC000  }
0x2f: {  	s14 =	sadd.s32 s14, s8;
	s24 =	sshrl.u32 s16, $0x3;
	[bflag:$0x0] =	sbarrier.arrive $0xFFFF  }
0x30: {  	[hbm:s14], [sflag:s13] =	dma.local [spmem:s24], $0x13C0  }
0x31: {  	s5 =	sadd.s32 $0x1, s5;
	_ =	swait.ge [sflag:s23], $0x13C0  }
0x32: {  	s1 =	sadd.s32 s1, s9;
	p1 =	sne.s32 s5, s22;
	[sflag:s23] =	ssyncset.done $0x0  }
.Ltmp1:
0x33: {  	s24 =	sshrl.u32 s18, $0x3;
	[sflag:s23] =	ssyncadd.s32 $0xFFFFEC40;
	(pc) =	sbr.rel @!p1 .LBB2_9-.Ltmp1, $4  }
0x34: {  	[hbm:s1], [sflag:s13] =	dma.local [spmem:s24], $0x4F0  }
0x35: {  	_ =	swait.ge [sflag:s23], $0x4F0  }
0x36: {  	[sflag:s23] =	ssyncset.done $0x0  }
0x37: {  	[sflag:s23] =	ssyncadd.s32 $0xFFFFFB10  }
.LBB2_1:
.Ltmp2:
0x38: {  	(pc) =	sbr.rel @!p0 .LBB2_2-.Ltmp2, $2  }
0x39: {  	_ =	sdelay $0x2  }
0x3a: {  	s1 =	simm.s32 $0x0  }
0x3b: {  	[tilespmem:s1], [sflag:$0x5] =	stream.linear.gather [hbm4b:s20+s1], $0x5000, $0x38;
	[tilespmem:$0x1F580] =	vst v63  }
0x3c: {  	_ =	swait.ge [sflag:s23], $0x5000  }
0x3d: {  	[sflag:s23] =	ssyncset.done $0x0  }
0x3e: {  	s13 =	simm.s32 $0x5000;
	[sflag:s23] =	ssyncadd.s32 $0xFFFFB000  }
0x3f: {  	[tilespmem:s13], [sflag:$0x5] =	stream.linear.gather [hbm4b:s21+s1], $0x5000, $0x38;
	[tilespmem:$0x1F580] =	vst v63  }
0x40: {  	s14 =	stileid.u32;
	_ =	swait.ge [sflag:s23], $0x5000  }
0x41: {  	s13 =	sshll.u32 s14, $0x6;
	[sflag:s23] =	ssyncset.done $0x0  }
0x42: {  	s14 =	sshrl.u32 s16, $0x3;
	s13 =	sor.u32 $0x1C05, s13;
	[sflag:s23] =	ssyncadd.s32 $0xFFFFB000  }
0x43: {  	[spmem:s14], [sflag:s13] =	dma.local [hbm:s17], $0x13C0  }
0x44: {  	_ =	swait.ge [sflag:s23], $0x13C0  }
0x45: {  	[sflag:s23] =	ssyncset.done $0x0  }
0x46: {  	[sflag:s23] =	ssyncadd.s32 $0xFFFFEC40  }
0x47: {  	[tilespmem:s25], [sflag:$0x5] =	stream.linear.gather [hbm4b:s10+s1], $0x1000, $0x38;
	[tilespmem:$0x1F580] =	vst v63  }
0x48: {  	_ =	swait.ge [sflag:s23], $0x1000  }
0x49: {  	[sflag:s23] =	ssyncset.done $0x0  }
0x4a: {  	s24 =	sshrl.u32 s18, $0x3;
	[sflag:s23] =	ssyncadd.s32 $0xFFFFF000  }
0x4b: {  	[spmem:s24], [sflag:s13] =	dma.local [hbm:s19], $0x4F0  }
0x4c: {  	_ =	swait.ge [sflag:s23], $0x4F0  }
0x4d: {  	[sflag:s23] =	ssyncset.done $0x0  }
0x4e: {  	[sflag:s23] =	ssyncadd.s32 $0xFFFFFB10  }
0x4f: {  	[bflag:$0x0] =	sbarrier.arrive $0xFFFF  }
0x50: {  	[tilespmem:s28], [sflag:$0x1] =	stream.indirect.gather [hbm4b:s7+s26], $0x40, s1, s26, $0xb8;
	[tilespmem:$0x1F580] =	vst v63  }
0x51: {  	_ = 	snop  }
0x52: {  	[tilespmem:s29], [sflag:$0x2] =	stream.indirect.gather [hbm4b:s7+s26], $0x40, s26, s26, $0xb8;
	[tilespmem:$0x1F580] =	vst v63  }
0x53: {  	_ =	swait.ge [sflag:s30], $0x4000  }
0x54: {  	[sflag:s30] =	ssyncset.done $0x0  }
0x55: {  	s24 =	simm.s32 $0x5000;
	[sflag:s30] =	ssyncadd.s32 $0xFFFFC000  }
0x56: {  	[spmem:s3] =	stream.indirect.scatter.add.bf16 [tilespmem:s28], [sflag:$0x3], $0x40, s24, s26, $0xb8;
	[tilespmem:$0x1F580] =	vst v63  }
0x57: {  	_ = 	snop  }
0x58: {  	[spmem:s4] =	stream.indirect.scatter.add.f32 [tilespmem:s25], [sflag:$0x5], $0x10, s24, s26, $0xb8;
	[tilespmem:$0x1F580] =	vst v63  }
0x59: {  	_ =	swait.ge [sflag:s23], $0x1000  }
0x5a: {  	[sflag:s23] =	ssyncset.done $0x0  }
0x5b: {  	[sflag:s23] =	ssyncadd.s32 $0xFFFFF000  }
0x5c: {  	_ =	swait.ge [sflag:s31], $0x4000  }
0x5d: {  	[sflag:s31] =	ssyncset.done $0x0  }
0x5e: {  	s14 =	simm.s32 $0x200;
	[sflag:s31] =	ssyncadd.s32 $0xFFFFC000  }
0x5f: {  	[tilespmem:s28], [sflag:$0x1] =	stream.indirect.gather [hbm4b:s7+s26], $0x40, s14, s26, $0xb8;
	[tilespmem:$0x1F580] =	vst v63  }
0x60: {  	_ =	swait.ge [sflag:s0], $0x4000  }
0x61: {  	[sflag:s0] =	ssyncset.done $0x0  }
0x62: {  	s24 =	simm.s32 $0x5100;
	[sflag:s0] =	ssyncadd.s32 $0xFFFFC000  }
0x63: {  	[spmem:s3] =	stream.indirect.scatter.add.bf16 [tilespmem:s29], [sflag:$0x4], $0x40, s24, s26, $0xb8;
	[tilespmem:$0x1F580] =	vst v63  }
0x64: {  	_ = 	snop  }
0x65: {  	[spmem:s4] =	stream.indirect.scatter.add.f32 [tilespmem:s25], [sflag:$0x5], $0x10, s24, s26, $0xb8;
	[tilespmem:$0x1F580] =	vst v63  }
0x66: {  	_ =	swait.ge [sflag:s23], $0x1000  }
0x67: {  	[sflag:s23] =	ssyncset.done $0x0  }
0x68: {  	[sflag:s23] =	ssyncadd.s32 $0xFFFFF000  }
0x69: {  	_ =	swait.ge [sflag:s2], $0x4000  }
0x6a: {  	[sflag:s2] =	ssyncset.done $0x0  }
0x6b: {  	s1 =	simm.s32 $0x800;
	s14 =	simm.s32 $0x300;
	[sflag:s2] =	ssyncadd.s32 $0xFFFFC000  }
.LBB2_6:
0x6c: {  	[tilespmem:s29], [sflag:$0x2] =	stream.indirect.gather [hbm4b:s7+s26], $0x40, s14, s26, $0xb8;
	[tilespmem:$0x1F580] =	vst v63  }
0x6d: {  	s14 =	smov.u32 s1  }
0x6e: {  	p1 =	sne.s32 s1, $0x13000;
	s1 =	sadd.s32 $0x800, s1;
	_ =	swait.ge [sflag:s30], $0x4000  }
0x6f: {  	s14 =	sshra.s32 s14, $0x2;
	[sflag:s30] =	ssyncset.done $0x0  }
0x70: {  	s24 =	sadd.s32 $0x5000, s14;
	[sflag:s30] =	ssyncadd.s32 $0xFFFFC000  }
0x71: {  	[spmem:s3] =	stream.indirect.scatter.add.bf16 [tilespmem:s28], [sflag:$0x3], $0x40, s24, s26, $0xb8;
	[tilespmem:$0x1F580] =	vst v63  }
0x72: {  	_ = 	snop  }
0x73: {  	[spmem:s4] =	stream.indirect.scatter.add.f32 [tilespmem:s25], [sflag:$0x5], $0x10, s24, s26, $0xb8;
	[tilespmem:$0x1F580] =	vst v63  }
0x74: {  	_ =	swait.ge [sflag:s23], $0x1000  }
0x75: {  	[sflag:s23] =	ssyncset.done $0x0  }
0x76: {  	[sflag:s23] =	ssyncadd.s32 $0xFFFFF000  }
0x77: {  	_ =	swait.ge [sflag:s31], $0x4000  }
0x78: {  	[sflag:s31] =	ssyncset.done $0x0  }
0x79: {  	s24 =	sadd.s32 $0x200, s14;
	[sflag:s31] =	ssyncadd.s32 $0xFFFFC000  }
0x7a: {  	[tilespmem:s28], [sflag:$0x1] =	stream.indirect.gather [hbm4b:s7+s26], $0x40, s24, s26, $0xb8;
	[tilespmem:$0x1F580] =	vst v63  }
0x7b: {  	_ =	swait.ge [sflag:s0], $0x4000  }
0x7c: {  	[sflag:s0] =	ssyncset.done $0x0  }
0x7d: {  	s24 =	sadd.s32 $0x5100, s14;
	[sflag:s0] =	ssyncadd.s32 $0xFFFFC000  }
0x7e: {  	[spmem:s3] =	stream.indirect.scatter.add.bf16 [tilespmem:s29], [sflag:$0x4], $0x40, s24, s26, $0xb8;
	[tilespmem:$0x1F580] =	vst v63  }
0x7f: {  	_ = 	snop  }
0x80: {  	[spmem:s4] =	stream.indirect.scatter.add.f32 [tilespmem:s25], [sflag:$0x5], $0x10, s24, s26, $0xb8;
	[tilespmem:$0x1F580] =	vst v63  }
0x81: {  	_ =	swait.ge [sflag:s23], $0x1000  }
.Ltmp3:
0x82: {  	[sflag:s23] =	ssyncset.done $0x0;
	(pc) =	sbr.rel @p1 .LBB2_6-.Ltmp3, $4  }
0x83: {  	[sflag:s23] =	ssyncadd.s32 $0xFFFFF000  }
0x84: {  	_ =	swait.ge [sflag:s2], $0x4000  }
0x85: {  	[sflag:s2] =	ssyncset.done $0x0  }
0x86: {  	s14 =	sadd.s32 $0x300, s14;
	[sflag:s2] =	ssyncadd.s32 $0xFFFFC000  }
.Ltmp4:
0x87: {  	_ = 	snop;
	(pc) =	sbr.rel .LBB2_7-.Ltmp4, $1  }
0x88: {  	_ =	sdelay $0x3  }
.LBB2_2:
0x89: {  	s13 =	rddreg [dreg:$0x8]  }
0x8a: {  	[tilespmem:s1], [sflag:$0x5] =	stream.linear.gather [hbm4b:s13+s1], $0x5000, $0x38;
	[tilespmem:$0x1F580] =	vst v63  }
0x8b: {  	_ =	swait.ge [sflag:s23], $0x5000  }
0x8c: {  	[sflag:s23] =	ssyncset.done $0x0  }
0x8d: {  	s24 =	simm.s32 $0x5000;
	[sflag:s23] =	ssyncadd.s32 $0xFFFFB000  }
0x8e: {  	[tilespmem:s24], [sflag:$0x5] =	stream.linear.gather [hbm4b:s15+s1], $0x5000, $0x38;
	[tilespmem:$0x1F580] =	vst v63  }
0x8f: {  	s14 =	stileid.u32;
	_ =	swait.ge [sflag:s23], $0x5000  }
0x90: {  	s13 =	sshll.u32 s14, $0x6;
	[sflag:s23] =	ssyncset.done $0x0  }
0x91: {  	s14 =	sshrl.u32 s16, $0x3;
	s13 =	sor.u32 $0x1C05, s13;
	[sflag:s23] =	ssyncadd.s32 $0xFFFFB000  }
0x92: {  	[spmem:s14], [sflag:s13] =	dma.local [hbm:s17], $0x13C0  }
0x93: {  	_ =	swait.ge [sflag:s23], $0x13C0  }
0x94: {  	[sflag:s23] =	ssyncset.done $0x0  }
0x95: {  	[sflag:s23] =	ssyncadd.s32 $0xFFFFEC40  }
0x96: {  	[tilespmem:s25], [sflag:$0x5] =	stream.linear.gather [hbm4b:s10+s1], $0x1000, $0x38;
	[tilespmem:$0x1F580] =	vst v63  }
0x97: {  	_ =	swait.ge [sflag:s23], $0x1000  }
0x98: {  	[sflag:s23] =	ssyncset.done $0x0  }
0x99: {  	s24 =	sshrl.u32 s18, $0x3;
	[sflag:s23] =	ssyncadd.s32 $0xFFFFF000  }
0x9a: {  	[spmem:s24], [sflag:s13] =	dma.local [hbm:s19], $0x4F0  }
0x9b: {  	_ =	swait.ge [sflag:s23], $0x4F0  }
0x9c: {  	[sflag:s23] =	ssyncset.done $0x0  }
0x9d: {  	[sflag:s23] =	ssyncadd.s32 $0xFFFFFB10  }
0x9e: {  	[bflag:$0x0] =	sbarrier.arrive $0xFFFF  }
0x9f: {  	[tilespmem:s28], [sflag:$0x1] =	stream.indirect.gather [hbm4b:s6+s26], $0x40, s1, s26, $0xb8;
	[tilespmem:$0x1F580] =	vst v63  }
0xa0: {  	_ = 	snop  }
0xa1: {  	[tilespmem:s29], [sflag:$0x2] =	stream.indirect.gather [hbm4b:s6+s26], $0x40, s26, s26, $0xb8;
	[tilespmem:$0x1F580] =	vst v63  }
0xa2: {  	_ =	swait.ge [sflag:s30], $0x4000  }
0xa3: {  	[sflag:s30] =	ssyncset.done $0x0  }
0xa4: {  	s24 =	simm.s32 $0x5000;
	[sflag:s30] =	ssyncadd.s32 $0xFFFFC000  }
0xa5: {  	[spmem:s3] =	stream.indirect.scatter.add.bf16 [tilespmem:s28], [sflag:$0x3], $0x40, s24, s26, $0xb8;
	[tilespmem:$0x1F580] =	vst v63  }
0xa6: {  	_ = 	snop  }
0xa7: {  	[spmem:s4] =	stream.indirect.scatter.add.f32 [tilespmem:s25], [sflag:$0x5], $0x10, s24, s26, $0xb8;
	[tilespmem:$0x1F580] =	vst v63  }
0xa8: {  	_ =	swait.ge [sflag:s23], $0x1000  }
0xa9: {  	[sflag:s23] =	ssyncset.done $0x0  }
0xaa: {  	[sflag:s23] =	ssyncadd.s32 $0xFFFFF000  }
0xab: {  	_ =	swait.ge [sflag:s31], $0x4000  }
0xac: {  	[sflag:s31] =	ssyncset.done $0x0  }
0xad: {  	s14 =	simm.s32 $0x200;
	[sflag:s31] =	ssyncadd.s32 $0xFFFFC000  }
0xae: {  	[tilespmem:s28], [sflag:$0x1] =	stream.indirect.gather [hbm4b:s6+s26], $0x40, s14, s26, $0xb8;
	[tilespmem:$0x1F580] =	vst v63  }
0xaf: {  	_ =	swait.ge [sflag:s0], $0x4000  }
0xb0: {  	[sflag:s0] =	ssyncset.done $0x0  }
0xb1: {  	s24 =	simm.s32 $0x5100;
	[sflag:s0] =	ssyncadd.s32 $0xFFFFC000  }
0xb2: {  	[spmem:s3] =	stream.indirect.scatter.add.bf16 [tilespmem:s29], [sflag:$0x4], $0x40, s24, s26, $0xb8;
	[tilespmem:$0x1F580] =	vst v63  }
0xb3: {  	_ = 	snop  }
0xb4: {  	[spmem:s4] =	stream.indirect.scatter.add.f32 [tilespmem:s25], [sflag:$0x5], $0x10, s24, s26, $0xb8;
	[tilespmem:$0x1F580] =	vst v63  }
0xb5: {  	_ =	swait.ge [sflag:s23], $0x1000  }
0xb6: {  	[sflag:s23] =	ssyncset.done $0x0  }
0xb7: {  	[sflag:s23] =	ssyncadd.s32 $0xFFFFF000  }
0xb8: {  	_ =	swait.ge [sflag:s2], $0x4000  }
0xb9: {  	[sflag:s2] =	ssyncset.done $0x0  }
0xba: {  	s1 =	simm.s32 $0x800;
	s14 =	simm.s32 $0x300;
	[sflag:s2] =	ssyncadd.s32 $0xFFFFC000  }
.LBB2_3:
0xbb: {  	[tilespmem:s29], [sflag:$0x2] =	stream.indirect.gather [hbm4b:s6+s26], $0x40, s14, s26, $0xb8;
	[tilespmem:$0x1F580] =	vst v63  }
0xbc: {  	s14 =	smov.u32 s1  }
0xbd: {  	p1 =	seq.s32 s1, $0x13000;
	s1 =	sadd.s32 $0x800, s1;
	_ =	swait.ge [sflag:s30], $0x4000  }
0xbe: {  	s14 =	sshra.s32 s14, $0x2;
	[sflag:s30] =	ssyncset.done $0x0  }
0xbf: {  	s24 =	sadd.s32 $0x5000, s14;
	[sflag:s30] =	ssyncadd.s32 $0xFFFFC000  }
0xc0: {  	[spmem:s3] =	stream.indirect.scatter.add.bf16 [tilespmem:s28], [sflag:$0x3], $0x40, s24, s26, $0xb8;
	[tilespmem:$0x1F580] =	vst v63  }
0xc1: {  	_ = 	snop  }
0xc2: {  	[spmem:s4] =	stream.indirect.scatter.add.f32 [tilespmem:s25], [sflag:$0x5], $0x10, s24, s26, $0xb8;
	[tilespmem:$0x1F580] =	vst v63  }
0xc3: {  	_ =	swait.ge [sflag:s23], $0x1000  }
0xc4: {  	[sflag:s23] =	ssyncset.done $0x0  }
0xc5: {  	[sflag:s23] =	ssyncadd.s32 $0xFFFFF000  }
0xc6: {  	_ =	swait.ge [sflag:s31], $0x4000  }
0xc7: {  	[sflag:s31] =	ssyncset.done $0x0  }
0xc8: {  	s24 =	sadd.s32 $0x200, s14;
	[sflag:s31] =	ssyncadd.s32 $0xFFFFC000  }
0xc9: {  	[tilespmem:s28], [sflag:$0x1] =	stream.indirect.gather [hbm4b:s6+s26], $0x40, s24, s26, $0xb8;
	[tilespmem:$0x1F580] =	vst v63  }
0xca: {  	_ =	swait.ge [sflag:s0], $0x4000  }
0xcb: {  	[sflag:s0] =	ssyncset.done $0x0  }
0xcc: {  	s24 =	sadd.s32 $0x5100, s14;
	[sflag:s0] =	ssyncadd.s32 $0xFFFFC000  }
0xcd: {  	[spmem:s3] =	stream.indirect.scatter.add.bf16 [tilespmem:s29], [sflag:$0x4], $0x40, s24, s26, $0xb8;
	[tilespmem:$0x1F580] =	vst v63  }
0xce: {  	_ = 	snop  }
0xcf: {  	[spmem:s4] =	stream.indirect.scatter.add.f32 [tilespmem:s25], [sflag:$0x5], $0x10, s24, s26, $0xb8;
	[tilespmem:$0x1F580] =	vst v63  }
0xd0: {  	_ =	swait.ge [sflag:s23], $0x1000  }
.Ltmp5:
0xd1: {  	[sflag:s23] =	ssyncset.done $0x0;
	(pc) =	sbr.rel @!p1 .LBB2_3-.Ltmp5, $4  }
0xd2: {  	[sflag:s23] =	ssyncadd.s32 $0xFFFFF000  }
0xd3: {  	_ =	swait.ge [sflag:s2], $0x4000  }
0xd4: {  	[sflag:s2] =	ssyncset.done $0x0  }
0xd5: {  	s14 =	sadd.s32 $0x300, s14;
	[sflag:s2] =	ssyncadd.s32 $0xFFFFC000  }
.Ltmp6:
0xd6: {  	(pc) =	sbr.rel .LBB2_8-.Ltmp6, $4  }
0xd7: {  	_ = 	snop  }
0xd8: {  	[tilespmem:s29], [sflag:$0x2] =	stream.indirect.gather [hbm4b:s6+s26], $0x40, s14, s26, $0xb8;
	[tilespmem:$0x1F580] =	vst v63  }
0xd9: {  	s14 =	rddreg [dreg:$0x1]  }
0xda: {  	s1 =	rddreg [dreg:$0x6]  }
.LBB2_9:
0xdb: {  	_ =	sfence.sel $0x180000  }
0xdc: {  	[bflag:$0x0] =	sbarrier.arrive $0xFFFF  }
0xdd: {  	_ =	strace $0x90000047  }
0xde: {  	s0 =	stileid.u32;
	[bflag:$0x2] =	sbarrier.arrive $0xFFFF  }
0xdf: {  	p0 =	sne.s32 s0, $0x0;
	s0 =	rddreg [dreg:$0x4]  }
0xe0: {  	s0 =	sadd.s32 @!p0 $0x100000, s0  }
0xe1: {  	[sflag:s0] =	ssyncadd.tile.s32 @!p0 $0x1;
	_ =	shalt  }
.Lfunc_end2:
_tile_overlayer_lowered:
.L_overlay_start_2:
0xe2: {  	(tag) =	ssettag $0x2  }
0xe3: {  	s0 =	rddreg [dreg:$0x0];
	s2 =	stileid.u32  }
0xe4: {  	s1 =	rddreg [dreg:$0x1];
	p0 =	sne.s32 s2, $0x0  }
0xe5: {  	s3 =	rddreg [dreg:$0x2];
	[bflag:$0x3] =	sbarrier.arrive $0xFFFF;
	s2 =	simm.s32 @!p0 $0x1C05  }
0xe6: {  	[timem:s3], [sflag:s2] =	dma.local @!p0 [hbm:s0], s1  }
0xe7: {  	s0 =	simm.s32 @!p0 $0x5  }
0xe8: {  	_ =	swait.ge @!p0 [sflag:s0], s1  }
0xe9: {  	s1 =	ssub.s32 @!p0 $0x0, s1;
	[sflag:s0] =	ssyncset.done @!p0 $0x0  }
0xea: {  	[sflag:s0] =	ssyncadd.s32 @!p0 s1  }
0xeb: {  	[bflag:$0x3] =	sbarrier.arrive $0xFFFF  }
0xec: {  	_ =	shalt  }

</sc_bundles>
